<compile_context>
chip_gen: v7x
topology: tpu7x:2x2x1
jax: 0.10.2.dev20260603
libtpu: 0.0.44.dev20260713+nightly
codegen_flags: <defaults>
</compile_context>

<pallas_src>
import functools

import numpy as np
import jax
import jax.numpy as jnp
from jax import lax
from jax.experimental import pallas as pl
from jax.experimental.pallas import tpu as pltpu
from jax.experimental.pallas import tpu_sc as plsc

NC = 2
NS = 16
NW = NC * NS
L = 16
EB = 40
EPAD = 327680
RW = EPAD // (NW * EB)
CH = 32
GPAD = 16
JPAD = 112


def _mesh():
  return plsc.VectorSubcoreMesh(core_axis_name="c", subcore_axis_name="s")


def _deg_build(N):
  DCH = 2048
  NCHUNK = EPAD // NW // DCH
  ND = N + JPAD
  EW = EPAD // NW

  @functools.partial(
      pl.kernel,
      out_type=jax.ShapeDtypeStruct((NW, ND), jnp.float32),
      mesh=_mesh(),
      compiler_params=pltpu.CompilerParams(needs_layout_passes=False),
      scratch_types=[
          pltpu.VMEM((DCH,), jnp.int32),
          pltpu.VMEM((ND,), jnp.float32),
      ],
  )
  def deg_kernel(dst_hbm, out_hbm, idx_v, deg_v):
    cid = lax.axis_index("c")
    sid = lax.axis_index("s")
    wid = sid * NC + cid

    zv = jnp.zeros((L,), jnp.float32)

    def zbody(i, carry):
      deg_v[pl.ds(i * L, L)] = zv
      return carry

    lax.fori_loop(0, ND // L, zbody, 0)

    ones = jnp.ones((L,), jnp.float32)

    def cbody(c, carry):
      pltpu.sync_copy(dst_hbm.at[pl.ds(wid * EW + c * DCH, DCH)], idx_v)

      def ebody(j, carry2):
        idx = idx_v[pl.ds(j * L, L)]
        plsc.addupdate_scatter(deg_v, [idx], ones)
        return carry2

      lax.fori_loop(0, DCH // L, ebody, 0)
      return carry

    lax.fori_loop(0, NCHUNK, cbody, 0)
    pltpu.sync_copy(deg_v, out_hbm.at[wid])

  return deg_kernel


def _msg_build(N, D):
  RS = 8 * ((N + JPAD + 8 * NS - 1) // (8 * NS))
  NP = RS * NS

  @functools.partial(
      pl.kernel,
      out_type=jax.ShapeDtypeStruct((NC, NP, D), jnp.float32),
      mesh=_mesh(),
      compiler_params=pltpu.CompilerParams(needs_layout_passes=False),
      scratch_types=[
          pltpu.VMEM((2, CH, EB), jnp.int32),
          pltpu.VMEM((2, CH, EB), jnp.int32),
          pltpu.VMEM((4, EB, D), jnp.float32),
          pltpu.VMEM_SHARED((NP, D), jnp.float32),
          [pltpu.SemaphoreType.DMA] * 4,
          [pltpu.SemaphoreType.DMA] * 4,
          [pltpu.SemaphoreType.DMA] * 2,
      ],
  )
  def msg_kernel(g_hbm, src_hbm, dst_hbm, z_hbm, out_hbm,
                 src_v, dst_v, gbuf, acc, gsem, ssem, isem):
    cid = lax.axis_index("c")
    sid = lax.axis_index("s")
    rw = RW
    base = (cid * NS + sid) * RW

    pltpu.sync_copy(z_hbm, acc.at[pl.ds(sid * RS, RS)])
    plsc.subcore_barrier()

    NB = 4
    QPC = CH // NB
    NCHK = rw // CH

    def idx_refs(j):
      c = j // CH
      p = c % 2
      l = j - c * CH
      return src_v.at[p, l], dst_v.at[p, l]

    pltpu.sync_copy(src_hbm.at[pl.ds(base, CH)], src_v.at[0])
    pltpu.sync_copy(dst_hbm.at[pl.ds(base, CH)], dst_v.at[0])
    for b in range(NB):
      sref, _ = idx_refs(b)
      pltpu.async_copy(g_hbm.at[sref], gbuf.at[b], gsem[b])

    def qbody(q, carry):
      j0 = NB * q
      c = q // QPC
      qr = q - c * QPC

      @pl.when(jnp.logical_and(qr == 0, c + 1 < NCHK))
      def _():
        cp = (c + 1) % 2
        pltpu.async_copy(src_hbm.at[pl.ds(base + (c + 1) * CH, CH)],
                         src_v.at[cp], isem[0])
        pltpu.async_copy(dst_hbm.at[pl.ds(base + (c + 1) * CH, CH)],
                         dst_v.at[cp], isem[1])

      for b in range(NB):
        sref, dref = idx_refs(j0 + b)
        pltpu.make_async_copy(g_hbm.at[sref], gbuf.at[b], gsem[b]).wait()
        pltpu.async_copy(gbuf.at[b], acc.at[dref], ssem[b], add=True)

      @pl.when(jnp.logical_and(qr == QPC - 1, c + 1 < NCHK))
      def _():
        cp = (c + 1) % 2
        pltpu.make_async_copy(src_hbm.at[pl.ds(base + (c + 1) * CH, CH)],
                              src_v.at[cp], isem[0]).wait()
        pltpu.make_async_copy(dst_hbm.at[pl.ds(base + (c + 1) * CH, CH)],
                              dst_v.at[cp], isem[1]).wait()

      for b in range(NB):
        jn = j0 + NB + b

        @pl.when(jn < rw)
        def _():
          _, dref = idx_refs(j0 + b)
          pltpu.make_async_copy(gbuf.at[b], acc.at[dref], ssem[b]).wait()
          snref, _ = idx_refs(jn)
          pltpu.async_copy(g_hbm.at[snref], gbuf.at[b], gsem[b])

      return carry

    lax.fori_loop(0, rw // NB, qbody, 0)
    for b in range(NB):
      _, dref = idx_refs(rw - NB + b)
      pltpu.make_async_copy(gbuf.at[b], acc.at[dref], ssem[b]).wait()

    plsc.subcore_barrier()
    pltpu.sync_copy(acc.at[pl.ds(sid * RS, RS)],
                    out_hbm.at[cid, pl.ds(sid * RS, RS)])

  return msg_kernel


def _tc1(degp_ref, x_ref, w1_ref, dinv_ref, g1_ref):
  n = x_ref.shape[0]
  deg = 1.0 + jnp.sum(degp_ref[...], axis=0)[:n]
  dinv = lax.rsqrt(deg)[:, None]
  dinv_ref[...] = dinv
  g = jnp.dot(x_ref[...], w1_ref[...],
              preferred_element_type=jnp.float32) * dinv
  g1_ref[...] = jnp.concatenate(
      [g, jnp.zeros((GPAD, g.shape[1]), jnp.float32)], axis=0)


def _tc2(s_ref, g_ref, dinv_ref, b_ref, w_ref, gn_ref):
  n = dinv_ref.shape[0]
  dinv = dinv_ref[...]
  h = jnp.maximum(
      dinv * (s_ref[0, :n] + s_ref[1, :n] + g_ref[:n]) + b_ref[...], 0.0)
  g = jnp.dot(h, w_ref[...], preferred_element_type=jnp.float32) * dinv
  gn_ref[...] = jnp.concatenate(
      [g, jnp.zeros((GPAD, g.shape[1]), jnp.float32)], axis=0)


def _tc3(s_ref, g_ref, dinv_ref, b_ref, wf1_ref, bf1_ref, wf2_ref, bf2_ref,
         out_ref):
  n = dinv_ref.shape[0]
  dinv = dinv_ref[...]
  h2 = jnp.maximum(
      dinv * (s_ref[0, :n] + s_ref[1, :n] + g_ref[:n]) + b_ref[...], 0.0)
  h3 = jnp.maximum(
      jnp.dot(h2, wf1_ref[...], preferred_element_type=jnp.float32)
      + bf1_ref[...], 0.0)
  o = jnp.dot(h3, wf2_ref[...], preferred_element_type=jnp.float32) + bf2_ref[...]
  nrm = jnp.sqrt(jnp.sum(o * o))
  out_ref[...] = o / jnp.maximum(nrm, 1e-12)


def kernel(x, edge_index, W1, b1, W2, b2, Wf1, bf1, Wf2, bf2):
  N, D = x.shape
  E = edge_index.shape[1]
  F = Wf1.shape[1]

  arp = np.arange(EPAD - E, dtype=np.int32)
  pad_src = jnp.asarray((arp * 7) % N, jnp.int32)
  pad_dst = jnp.asarray(N + (arp % JPAD), jnp.int32)
  src_flat = jnp.concatenate([edge_index[0], pad_src])
  dst_flat = jnp.concatenate([edge_index[1], pad_dst])
  src3 = src_flat.reshape(NW * RW, EB)
  dst3 = dst_flat.reshape(NW * RW, EB)

  degp = _deg_build(N)(dst_flat)

  dinv, g1 = pl.pallas_call(
      _tc1,
      out_shape=(jax.ShapeDtypeStruct((N, 1), jnp.float32),
                 jax.ShapeDtypeStruct((N + GPAD, D), jnp.float32)),
  )(degp, x, W1)

  msg = _msg_build(N, D)
  rs = 8 * ((N + JPAD + 8 * NS - 1) // (8 * NS))
  zrows = jnp.zeros((rs, D), jnp.float32)
  s1 = msg(g1, src3, dst3, zrows)

  g2 = pl.pallas_call(
      _tc2,
      out_shape=jax.ShapeDtypeStruct((N + GPAD, D), jnp.float32),
  )(s1, g1, dinv, b1.reshape(1, D), W2)

  s2 = msg(g2, src3, dst3, zrows)

  out = pl.pallas_call(
      _tc3,
      out_shape=jax.ShapeDtypeStruct((N, 1), jnp.float32),
  )(s2, g2, dinv, b2.reshape(1, D), Wf1, bf1.reshape(1, F), Wf2,
    bf2.reshape(1, 1))
  return out

# --- scband reference (transcript-rebuilt; emitter-appended) ---
"""Pipeline reference for scband-gcn-10213432229995 (READ-ONLY COPY).

The authoritative reference and input builder live on the scoring server;
editing this copy changes nothing except your own understanding.
"""

import jax, jax.numpy as jnp
import numpy as np

N = 10000
E = 320000
D = 128
H = 128


def setup_inputs(seed: int = 0) -> dict:
    key = jax.random.key(seed)
    ks = jax.random.split(key, 12)
    x = jax.random.normal(ks[0], (N, D), dtype=jnp.float32)
    edge_index = jax.random.randint(ks[1], (2, E), 0, N, dtype=jnp.int32)
    # GCNConv lin weights (PyG stores [out,in]; we store [in,out] and matmul x @ W)
    W1 = jax.random.normal(ks[2], (D, H), dtype=jnp.float32) * (1.0 / np.sqrt(D))
    b1 = jnp.zeros((H,), dtype=jnp.float32)
    W2 = jax.random.normal(ks[3], (H, H), dtype=jnp.float32) * (1.0 / np.sqrt(H))
    b2 = jnp.zeros((H,), dtype=jnp.float32)
    Wf1 = jax.random.normal(ks[4], (H, 256), dtype=jnp.float32) * (1.0 / np.sqrt(H))
    bf1 = jnp.zeros((256,), dtype=jnp.float32)
    Wf2 = jax.random.normal(ks[5], (256, 1), dtype=jnp.float32) * (1.0 / np.sqrt(256))
    bf2 = jnp.zeros((1,), dtype=jnp.float32)
    return {"x": x, "edge_index": edge_index, "W1": W1, "b1": b1,
            "W2": W2, "b2": b2, "Wf1": Wf1, "bf1": bf1, "Wf2": Wf2, "bf2": bf2}


def gcn_conv(x, edge_index, W, b):
    # GCNConv with self-loops and symmetric normalization D^{-1/2} A_hat D^{-1/2}
    n = x.shape[0]
    loop = jnp.arange(n, dtype=edge_index.dtype)
    src = jnp.concatenate([edge_index[0], loop])
    dst = jnp.concatenate([edge_index[1], loop])
    deg = jnp.zeros((n,), dtype=x.dtype).at[dst].add(1.0)
    dinv = jnp.where(deg > 0, jax.lax.rsqrt(jnp.maximum(deg, 1.0)), 0.0)
    norm = dinv[src] * dinv[dst]
    h = x @ W
    msg = jnp.take(h, src, axis=0) * norm[:, None]
    out = jnp.zeros_like(h).at[dst].add(msg)
    return out + b


def reference(x, edge_index, W1, b1, W2, b2, Wf1, bf1, Wf2, bf2):
    # Dropout layers use training=self.training; in eval they are identity.
    h = jax.nn.relu(gcn_conv(x, edge_index, W1, b1))
    h = jax.nn.relu(gcn_conv(h, edge_index, W2, b2))
    h = jax.nn.relu(h @ Wf1 + bf1)
    out = h @ Wf2 + bf2
    # F.normalize(x, dim=0): L2-normalize each column over the node dimension
    nrm = jnp.sqrt(jnp.sum(out * out, axis=0, keepdims=True))
    return out / jnp.maximum(nrm, 1e-12)

if __name__ == "__main__":
    import jax
    _d = setup_inputs()
    print(jax.jit(kernel)(*tuple(_d.values())))

</pallas_src>

<mosaic_0001>
#map = affine_map<(d0, d1) -> (0, 0)>
#map1 = affine_map<(d0, d1) -> (0, 0, 0)>
module attributes {stable_mosaic.version = 14 : i64} {
  func.func @msg_kernel(%arg0: i32, %arg1: i32, %arg2: memref<10016x128xf32, #tpu.memory_space<hbm>>, %arg3: memref<8192x40xi32, #tpu.memory_space<hbm>>, %arg4: memref<8192x40xi32, #tpu.memory_space<hbm>>, %arg5: memref<632x128xf32, #tpu.memory_space<hbm>>, %arg6: memref<2x10112x128xf32, #tpu.memory_space<hbm>>, %arg7: memref<2x32x40xi32, #tpu.memory_space<vmem>>, %arg8: memref<2x32x40xi32, #tpu.memory_space<vmem>>, %arg9: memref<4x40x128xf32, #tpu.memory_space<vmem>>, %arg10: memref<10112x128xf32, #tpu.memory_space<vmem_shared>>, %arg11: memref<!tpu.dma_semaphore, #tpu.memory_space<semaphore_mem>>, %arg12: memref<!tpu.dma_semaphore, #tpu.memory_space<semaphore_mem>>, %arg13: memref<!tpu.dma_semaphore, #tpu.memory_space<semaphore_mem>>, %arg14: memref<!tpu.dma_semaphore, #tpu.memory_space<semaphore_mem>>, %arg15: memref<!tpu.dma_semaphore, #tpu.memory_space<semaphore_mem>>, %arg16: memref<!tpu.dma_semaphore, #tpu.memory_space<semaphore_mem>>, %arg17: memref<!tpu.dma_semaphore, #tpu.memory_space<semaphore_mem>>, %arg18: memref<!tpu.dma_semaphore, #tpu.memory_space<semaphore_mem>>, %arg19: memref<!tpu.dma_semaphore, #tpu.memory_space<semaphore_mem>>, %arg20: memref<!tpu.dma_semaphore, #tpu.memory_space<semaphore_mem>>) attributes {dimension_semantics = [#tpu.dimension_semantics<core_parallel>, #tpu.dimension_semantics<subcore_parallel>], iteration_bounds = array<i64: 2, 16>, scalar_prefetch = 0 : i64, scratch_operands = 14 : i64, tpu.core_type = #tpu.core_type<sc_vector_subcore>, window_params = [{transform_indices = #map}, {transform_indices = #map}, {transform_indices = #map}, {transform_indices = #map}, {transform_indices = #map1}]} {
    %mul3A = arith.constant 16 : i32
    %mul3A_0 = arith.muli %arg0, %mul3A : i32
    %add3A = arith.addi %mul3A_0, %arg1 : i32
    %mul3A_1 = arith.constant 256 : i32
    %mul3A_2 = arith.muli %add3A, %mul3A_1 : i32
    %mul3A_3 = arith.constant 632 : i32
    %mul3A_4 = arith.muli %arg1, %mul3A_3 : i32
    "tpu.region"() ({
      %run_scoped3A_118 = tpu.sem_alloc : memref<!tpu.dma_semaphore, #tpu.memory_space<semaphore_mem>>
      %dma_start3A_119 = arith.constant 0 : i32
      %dma_start3A_120 = tpu.memref_slice %arg10[%mul3A_4, %dma_start3A_119] : memref<10112x128xf32, #tpu.memory_space<vmem_shared>> -> memref<632x128xf32, #tpu.memory_space<vmem_shared>>
      tpu.enqueue_dma source(%arg5 : memref<632x128xf32, #tpu.memory_space<hbm>>) target(%dma_start3A_120 : memref<632x128xf32, #tpu.memory_space<vmem_shared>>) target_semaphore(%run_scoped3A_118 : memref<!tpu.dma_semaphore, #tpu.memory_space<semaphore_mem>>)
      %dma_wait3A_121 = arith.constant 0 : i32
      %dma_wait3A_122 = tpu.memref_slice %arg10[%mul3A_4, %dma_wait3A_121] : memref<10112x128xf32, #tpu.memory_space<vmem_shared>> -> memref<632x128xf32, #tpu.memory_space<vmem_shared>>
      tpu.wait_dma2 semaphore(%run_scoped3A_118 : memref<!tpu.dma_semaphore, #tpu.memory_space<semaphore_mem>>) src(%arg5 : memref<632x128xf32, #tpu.memory_space<hbm>>) dst(%dma_wait3A_122 : memref<632x128xf32, #tpu.memory_space<vmem_shared>>)
      tpu.yield
    }) : () -> ()
    %barrier3A = arith.constant 0 : index
    tpu.barrier barrier_id(%barrier3A)
    %run_scoped3A = arith.constant 0 : i32
    "tpu.region"() ({
      %run_scoped3A_118 = tpu.sem_alloc : memref<!tpu.dma_semaphore, #tpu.memory_space<semaphore_mem>>
      %dma_start3A_119 = arith.constant 0 : i32
      %dma_start3A_120 = arith.constant 0 : i32
      %dma_start3A_121 = tpu.memref_slice %arg7[%run_scoped3A, %dma_start3A_119, %dma_start3A_120] : memref<2x32x40xi32, #tpu.memory_space<vmem>> -> memref<1x32x40xi32, #tpu.memory_space<vmem>>
      %dma_start3A_122 = tpu.memref_squeeze %dma_start3A_121 : memref<1x32x40xi32, #tpu.memory_space<vmem>> -> memref<32x40xi32, #tpu.memory_space<vmem>>
      %dma_start3A_123 = arith.constant 0 : i32
      %dma_start3A_124 = tpu.memref_slice %arg3[%mul3A_2, %dma_start3A_123] : memref<8192x40xi32, #tpu.memory_space<hbm>> -> memref<32x40xi32, #tpu.memory_space<hbm>>
      %dma_start3A_125 = arith.constant 0 : i32
      %dma_start3A_126 = arith.constant 0 : i32
      %dma_start3A_127 = tpu.memref_slice %arg7[%run_scoped3A, %dma_start3A_125, %dma_start3A_126] : memref<2x32x40xi32, #tpu.memory_space<vmem>> -> memref<1x32x40xi32, #tpu.memory_space<vmem>>
      %dma_start3A_128 = tpu.memref_squeeze %dma_start3A_127 : memref<1x32x40xi32, #tpu.memory_space<vmem>> -> memref<32x40xi32, #tpu.memory_space<vmem>>
      %dma_start3A_129 = arith.constant 0 : i32
      %dma_start3A_130 = tpu.memref_slice %arg3[%mul3A_2, %dma_start3A_129] : memref<8192x40xi32, #tpu.memory_space<hbm>> -> memref<32x40xi32, #tpu.memory_space<hbm>>
      tpu.enqueue_dma source(%dma_start3A_130 : memref<32x40xi32, #tpu.memory_space<hbm>>) target(%dma_start3A_128 : memref<32x40xi32, #tpu.memory_space<vmem>>) target_semaphore(%run_scoped3A_118 : memref<!tpu.dma_semaphore, #tpu.memory_space<semaphore_mem>>)
      %dma_wait3A_131 = arith.constant 0 : i32
      %dma_wait3A_132 = arith.constant 0 : i32
      %dma_wait3A_133 = tpu.memref_slice %arg7[%run_scoped3A, %dma_wait3A_131, %dma_wait3A_132] : memref<2x32x40xi32, #tpu.memory_space<vmem>> -> memref<1x32x40xi32, #tpu.memory_space<vmem>>
      %dma_wait3A_134 = tpu.memref_squeeze %dma_wait3A_133 : memref<1x32x40xi32, #tpu.memory_space<vmem>> -> memref<32x40xi32, #tpu.memory_space<vmem>>
      %dma_wait3A_135 = arith.constant 0 : i32
      %dma_wait3A_136 = tpu.memref_slice %arg3[%mul3A_2, %dma_wait3A_135] : memref<8192x40xi32, #tpu.memory_space<hbm>> -> memref<32x40xi32, #tpu.memory_space<hbm>>
      %dma_wait3A_137 = arith.constant 0 : i32
      %dma_wait3A_138 = arith.constant 0 : i32
      %dma_wait3A_139 = tpu.memref_slice %arg7[%run_scoped3A, %dma_wait3A_137, %dma_wait3A_138] : memref<2x32x40xi32, #tpu.memory_space<vmem>> -> memref<1x32x40xi32, #tpu.memory_space<vmem>>
      %dma_wait3A_140 = tpu.memref_squeeze %dma_wait3A_139 : memref<1x32x40xi32, #tpu.memory_space<vmem>> -> memref<32x40xi32, #tpu.memory_space<vmem>>
      %dma_wait3A_141 = arith.constant 0 : i32
      %dma_wait3A_142 = tpu.memref_slice %arg3[%mul3A_2, %dma_wait3A_141] : memref<8192x40xi32, #tpu.memory_space<hbm>> -> memref<32x40xi32, #tpu.memory_space<hbm>>
      tpu.wait_dma2 semaphore(%run_scoped3A_118 : memref<!tpu.dma_semaphore, #tpu.memory_space<semaphore_mem>>) src(%dma_wait3A_142 : memref<32x40xi32, #tpu.memory_space<hbm>>) dst(%dma_wait3A_140 : memref<32x40xi32, #tpu.memory_space<vmem>>)
      tpu.yield
    }) : () -> ()
    %run_scoped3A_5 = arith.constant 0 : i32
    "tpu.region"() ({
      %run_scoped3A_118 = tpu.sem_alloc : memref<!tpu.dma_semaphore, #tpu.memory_space<semaphore_mem>>
      %dma_start3A_119 = arith.constant 0 : i32
      %dma_start3A_120 = arith.constant 0 : i32
      %dma_start3A_121 = tpu.memref_slice %arg8[%run_scoped3A_5, %dma_start3A_119, %dma_start3A_120] : memref<2x32x40xi32, #tpu.memory_space<vmem>> -> memref<1x32x40xi32, #tpu.memory_space<vmem>>
      %dma_start3A_122 = tpu.memref_squeeze %dma_start3A_121 : memref<1x32x40xi32, #tpu.memory_space<vmem>> -> memref<32x40xi32, #tpu.memory_space<vmem>>
      %dma_start3A_123 = arith.constant 0 : i32
      %dma_start3A_124 = tpu.memref_slice %arg4[%mul3A_2, %dma_start3A_123] : memref<8192x40xi32, #tpu.memory_space<hbm>> -> memref<32x40xi32, #tpu.memory_space<hbm>>
      %dma_start3A_125 = arith.constant 0 : i32
      %dma_start3A_126 = arith.constant 0 : i32
      %dma_start3A_127 = tpu.memref_slice %arg8[%run_scoped3A_5, %dma_start3A_125, %dma_start3A_126] : memref<2x32x40xi32, #tpu.memory_space<vmem>> -> memref<1x32x40xi32, #tpu.memory_space<vmem>>
      %dma_start3A_128 = tpu.memref_squeeze %dma_start3A_127 : memref<1x32x40xi32, #tpu.memory_space<vmem>> -> memref<32x40xi32, #tpu.memory_space<vmem>>
      %dma_start3A_129 = arith.constant 0 : i32
      %dma_start3A_130 = tpu.memref_slice %arg4[%mul3A_2, %dma_start3A_129] : memref<8192x40xi32, #tpu.memory_space<hbm>> -> memref<32x40xi32, #tpu.memory_space<hbm>>
      tpu.enqueue_dma source(%dma_start3A_130 : memref<32x40xi32, #tpu.memory_space<hbm>>) target(%dma_start3A_128 : memref<32x40xi32, #tpu.memory_space<vmem>>) target_semaphore(%run_scoped3A_118 : memref<!tpu.dma_semaphore, #tpu.memory_space<semaphore_mem>>)
      %dma_wait3A_131 = arith.constant 0 : i32
      %dma_wait3A_132 = arith.constant 0 : i32
      %dma_wait3A_133 = tpu.memref_slice %arg8[%run_scoped3A_5, %dma_wait3A_131, %dma_wait3A_132] : memref<2x32x40xi32, #tpu.memory_space<vmem>> -> memref<1x32x40xi32, #tpu.memory_space<vmem>>
      %dma_wait3A_134 = tpu.memref_squeeze %dma_wait3A_133 : memref<1x32x40xi32, #tpu.memory_space<vmem>> -> memref<32x40xi32, #tpu.memory_space<vmem>>
      %dma_wait3A_135 = arith.constant 0 : i32
      %dma_wait3A_136 = tpu.memref_slice %arg4[%mul3A_2, %dma_wait3A_135] : memref<8192x40xi32, #tpu.memory_space<hbm>> -> memref<32x40xi32, #tpu.memory_space<hbm>>
      %dma_wait3A_137 = arith.constant 0 : i32
      %dma_wait3A_138 = arith.constant 0 : i32
      %dma_wait3A_139 = tpu.memref_slice %arg8[%run_scoped3A_5, %dma_wait3A_137, %dma_wait3A_138] : memref<2x32x40xi32, #tpu.memory_space<vmem>> -> memref<1x32x40xi32, #tpu.memory_space<vmem>>
      %dma_wait3A_140 = tpu.memref_squeeze %dma_wait3A_139 : memref<1x32x40xi32, #tpu.memory_space<vmem>> -> memref<32x40xi32, #tpu.memory_space<vmem>>
      %dma_wait3A_141 = arith.constant 0 : i32
      %dma_wait3A_142 = tpu.memref_slice %arg4[%mul3A_2, %dma_wait3A_141] : memref<8192x40xi32, #tpu.memory_space<hbm>> -> memref<32x40xi32, #tpu.memory_space<hbm>>
      tpu.wait_dma2 semaphore(%run_scoped3A_118 : memref<!tpu.dma_semaphore, #tpu.memory_space<semaphore_mem>>) src(%dma_wait3A_142 : memref<32x40xi32, #tpu.memory_space<hbm>>) dst(%dma_wait3A_140 : memref<32x40xi32, #tpu.memory_space<vmem>>)
      tpu.yield
    }) : () -> ()
    %dma_start3A = arith.constant 0 : i32
    %dma_start3A_6 = arith.constant 0 : i32
    %dma_start3A_7 = arith.constant 0 : i32
    %dma_start3A_8 = arith.constant 0 : i32
    %dma_start3A_9 = arith.constant 0 : i32
    %dma_start3A_10 = tpu.memref_slice %arg9[%dma_start3A_7, %dma_start3A_8, %dma_start3A_9] : memref<4x40x128xf32, #tpu.memory_space<vmem>> -> memref<1x40x128xf32, #tpu.memory_space<vmem>>
    %dma_start3A_11 = tpu.memref_squeeze %dma_start3A_10 : memref<1x40x128xf32, #tpu.memory_space<vmem>> -> memref<40x128xf32, #tpu.memory_space<vmem>>
    %dma_start3A_12 = arith.constant 0 : i32
    %dma_start3A_13 = tpu.memref_slice %arg7[%dma_start3A, %dma_start3A_6, %dma_start3A_12] : memref<2x32x40xi32, #tpu.memory_space<vmem>> -> memref<1x1x40xi32, #tpu.memory_space<vmem>>
    %dma_start3A_14 = tpu.memref_squeeze %dma_start3A_13 : memref<1x1x40xi32, #tpu.memory_space<vmem>> -> memref<40xi32, #tpu.memory_space<vmem>>
    %dma_start3A_15 = arith.constant 0 : i32
    %dma_start3A_16 = arith.constant 0 : i32
    %dma_start3A_17 = tpu.memref_slice %arg2[%dma_start3A_15, %dma_start3A_16] : memref<10016x128xf32, #tpu.memory_space<hbm>> -> memref<10016x128xf32, #tpu.memory_space<hbm>>
    tpu.enqueue_indirect_dma source(%dma_start3A_17 : memref<10016x128xf32, #tpu.memory_space<hbm>>) target(%dma_start3A_11 : memref<40x128xf32, #tpu.memory_space<vmem>>) offsets(%dma_start3A_14 : memref<40xi32, #tpu.memory_space<vmem>>) semaphore(%arg11 : memref<!tpu.dma_semaphore, #tpu.memory_space<semaphore_mem>>)
    %dma_start3A_18 = arith.constant 0 : i32
    %dma_start3A_19 = arith.constant 1 : i32
    %dma_start3A_20 = arith.constant 1 : i32
    %dma_start3A_21 = arith.constant 0 : i32
    %dma_start3A_22 = arith.constant 0 : i32
    %dma_start3A_23 = tpu.memref_slice %arg9[%dma_start3A_20, %dma_start3A_21, %dma_start3A_22] : memref<4x40x128xf32, #tpu.memory_space<vmem>> -> memref<1x40x128xf32, #tpu.memory_space<vmem>>
    %dma_start3A_24 = tpu.memref_squeeze %dma_start3A_23 : memref<1x40x128xf32, #tpu.memory_space<vmem>> -> memref<40x128xf32, #tpu.memory_space<vmem>>
    %dma_start3A_25 = arith.constant 0 : i32
    %dma_start3A_26 = tpu.memref_slice %arg7[%dma_start3A_18, %dma_start3A_19, %dma_start3A_25] : memref<2x32x40xi32, #tpu.memory_space<vmem>> -> memref<1x1x40xi32, #tpu.memory_space<vmem>>
    %dma_start3A_27 = tpu.memref_squeeze %dma_start3A_26 : memref<1x1x40xi32, #tpu.memory_space<vmem>> -> memref<40xi32, #tpu.memory_space<vmem>>
    %dma_start3A_28 = arith.constant 0 : i32
    %dma_start3A_29 = arith.constant 0 : i32
    %dma_start3A_30 = tpu.memref_slice %arg2[%dma_start3A_28, %dma_start3A_29] : memref<10016x128xf32, #tpu.memory_space<hbm>> -> memref<10016x128xf32, #tpu.memory_space<hbm>>
    tpu.enqueue_indirect_dma source(%dma_start3A_30 : memref<10016x128xf32, #tpu.memory_space<hbm>>) target(%dma_start3A_24 : memref<40x128xf32, #tpu.memory_space<vmem>>) offsets(%dma_start3A_27 : memref<40xi32, #tpu.memory_space<vmem>>) semaphore(%arg12 : memref<!tpu.dma_semaphore, #tpu.memory_space<semaphore_mem>>)
    %dma_start3A_31 = arith.constant 0 : i32
    %dma_start3A_32 = arith.constant 2 : i32
    %dma_start3A_33 = arith.constant 2 : i32
    %dma_start3A_34 = arith.constant 0 : i32
    %dma_start3A_35 = arith.constant 0 : i32
    %dma_start3A_36 = tpu.memref_slice %arg9[%dma_start3A_33, %dma_start3A_34, %dma_start3A_35] : memref<4x40x128xf32, #tpu.memory_space<vmem>> -> memref<1x40x128xf32, #tpu.memory_space<vmem>>
    %dma_start3A_37 = tpu.memref_squeeze %dma_start3A_36 : memref<1x40x128xf32, #tpu.memory_space<vmem>> -> memref<40x128xf32, #tpu.memory_space<vmem>>
    %dma_start3A_38 = arith.constant 0 : i32
    %dma_start3A_39 = tpu.memref_slice %arg7[%dma_start3A_31, %dma_start3A_32, %dma_start3A_38] : memref<2x32x40xi32, #tpu.memory_space<vmem>> -> memref<1x1x40xi32, #tpu.memory_space<vmem>>
    %dma_start3A_40 = tpu.memref_squeeze %dma_start3A_39 : memref<1x1x40xi32, #tpu.memory_space<vmem>> -> memref<40xi32, #tpu.memory_space<vmem>>
    %dma_start3A_41 = arith.constant 0 : i32
    %dma_start3A_42 = arith.constant 0 : i32
    %dma_start3A_43 = tpu.memref_slice %arg2[%dma_start3A_41, %dma_start3A_42] : memref<10016x128xf32, #tpu.memory_space<hbm>> -> memref<10016x128xf32, #tpu.memory_space<hbm>>
    tpu.enqueue_indirect_dma source(%dma_start3A_43 : memref<10016x128xf32, #tpu.memory_space<hbm>>) target(%dma_start3A_37 : memref<40x128xf32, #tpu.memory_space<vmem>>) offsets(%dma_start3A_40 : memref<40xi32, #tpu.memory_space<vmem>>) semaphore(%arg13 : memref<!tpu.dma_semaphore, #tpu.memory_space<semaphore_mem>>)
    %dma_start3A_44 = arith.constant 0 : i32
    %dma_start3A_45 = arith.constant 3 : i32
    %dma_start3A_46 = arith.constant 3 : i32
    %dma_start3A_47 = arith.constant 0 : i32
    %dma_start3A_48 = arith.constant 0 : i32
    %dma_start3A_49 = tpu.memref_slice %arg9[%dma_start3A_46, %dma_start3A_47, %dma_start3A_48] : memref<4x40x128xf32, #tpu.memory_space<vmem>> -> memref<1x40x128xf32, #tpu.memory_space<vmem>>
    %dma_start3A_50 = tpu.memref_squeeze %dma_start3A_49 : memref<1x40x128xf32, #tpu.memory_space<vmem>> -> memref<40x128xf32, #tpu.memory_space<vmem>>
    %dma_start3A_51 = arith.constant 0 : i32
    %dma_start3A_52 = tpu.memref_slice %arg7[%dma_start3A_44, %dma_start3A_45, %dma_start3A_51] : memref<2x32x40xi32, #tpu.memory_space<vmem>> -> memref<1x1x40xi32, #tpu.memory_space<vmem>>
    %dma_start3A_53 = tpu.memref_squeeze %dma_start3A_52 : memref<1x1x40xi32, #tpu.memory_space<vmem>> -> memref<40xi32, #tpu.memory_space<vmem>>
    %dma_start3A_54 = arith.constant 0 : i32
    %dma_start3A_55 = arith.constant 0 : i32
    %dma_start3A_56 = tpu.memref_slice %arg2[%dma_start3A_54, %dma_start3A_55] : memref<10016x128xf32, #tpu.memory_space<hbm>> -> memref<10016x128xf32, #tpu.memory_space<hbm>>
    tpu.enqueue_indirect_dma source(%dma_start3A_56 : memref<10016x128xf32, #tpu.memory_space<hbm>>) target(%dma_start3A_50 : memref<40x128xf32, #tpu.memory_space<vmem>>) offsets(%dma_start3A_53 : memref<40xi32, #tpu.memory_space<vmem>>) semaphore(%arg14 : memref<!tpu.dma_semaphore, #tpu.memory_space<semaphore_mem>>)
    %scan3A = arith.constant 0 : i32
    %scan3A_57 = arith.constant 0 : i32
    %scan3A_58 = arith.constant 64 : i32
    %scan3A_59 = arith.addi %scan3A_57, %scan3A_58 : i32
    %scan3A_60 = arith.constant 1 : i32
    scf.for %scan3A_118 = %scan3A_57 to %scan3A_59 step %scan3A_60  : i32 {
      %mul3A_119 = arith.constant 4 : i32
      %mul3A_120 = arith.muli %mul3A_119, %scan3A_118 : i32
      %jit3A = arith.constant 8 : i32
      %div3A = arith.divsi %scan3A_118, %jit3A : i32
      %sign3A = arith.constant 0 : i32
      %sign3A_121 = arith.cmpi sgt, %scan3A_118, %sign3A : i32
      %sign3A_122 = arith.extui %sign3A_121 : i1 to i32
      %sign3A_123 = arith.constant 0 : i32
      %sign3A_124 = arith.cmpi slt, %scan3A_118, %sign3A_123 : i32
      %sign3A_125 = arith.extui %sign3A_124 : i1 to i32
      %sign3A_126 = arith.subi %sign3A_122, %sign3A_125 : i32
      %sign3A_127 = arith.constant 0 : i32
      %sign3A_128 = arith.cmpi sgt, %jit3A, %sign3A_127 : i32
      %sign3A_129 = arith.extui %sign3A_128 : i1 to i32
      %sign3A_130 = arith.constant 0 : i32
      %sign3A_131 = arith.cmpi slt, %jit3A, %sign3A_130 : i32
      %sign3A_132 = arith.extui %sign3A_131 : i1 to i32
      %sign3A_133 = arith.subi %sign3A_129, %sign3A_132 : i32
      %ne3A = arith.cmpi ne, %sign3A_126, %sign3A_133 : i32
      %rem3A = arith.remsi %scan3A_118, %jit3A : i32
      %ne3A_134 = arith.constant 0 : i32
      %ne3A_135 = arith.cmpi ne, %rem3A, %ne3A_134 : i32
      %and3A = arith.andi %ne3A, %ne3A_135 : i1
      %sub3A = arith.constant 1 : i32
      %sub3A_136 = arith.subi %div3A, %sub3A : i32
      %select_n3A = arith.select %and3A, %sub3A_136, %div3A : i32
      %mul3A_137 = arith.constant 8 : i32
      %mul3A_138 = arith.muli %select_n3A, %mul3A_137 : i32
      %sub3A_139 = arith.subi %scan3A_118, %mul3A_138 : i32
      %eq3A = arith.constant 0 : i32
      %eq3A_140 = arith.cmpi eq, %sub3A_139, %eq3A : i32
      %add3A_141 = arith.constant 1 : i32
      %add3A_142 = arith.addi %select_n3A, %add3A_141 : i32
      %lt3A = arith.constant 8 : i32
      %lt3A_143 = arith.cmpi slt, %add3A_142, %lt3A : i32
      %and3A_144 = arith.andi %eq3A_140, %lt3A_143 : i1
      %convert_element_type3A = arith.extui %and3A_144 : i1 to i32
      %cond3A = arith.constant 0 : i32
      %cond3A_145 = arith.cmpi ne, %convert_element_type3A, %cond3A : i32
      scf.if %cond3A_145 {
        %add3A_460 = arith.constant 1 : i32
        %add3A_461 = arith.addi %select_n3A, %add3A_460 : i32
        %jit3A_462 = arith.constant 2 : i32
        %eq3A_463 = arith.constant 0 : i32
        %eq3A_464 = arith.cmpi eq, %jit3A_462, %eq3A_463 : i32
        %jit3A_465 = arith.constant 1 : i32
        %select_n3A_466 = arith.select %eq3A_464, %jit3A_465, %jit3A_462 : i32
        %rem3A_467 = arith.remsi %add3A_461, %select_n3A_466 : i32
        %ne3A_468 = arith.constant 0 : i32
        %ne3A_469 = arith.cmpi ne, %rem3A_467, %ne3A_468 : i32
        %lt3A_470 = arith.constant 0 : i32
        %lt3A_471 = arith.cmpi slt, %rem3A_467, %lt3A_470 : i32
        %lt3A_472 = arith.constant 0 : i32
        %lt3A_473 = arith.cmpi slt, %select_n3A_466, %lt3A_472 : i32
        %ne3A_474 = arith.xori %lt3A_471, %lt3A_473 : i1
        %and3A_475 = arith.andi %ne3A_474, %ne3A_469 : i1
        %add3A_476 = arith.addi %rem3A_467, %select_n3A_466 : i32
        %select_n3A_477 = arith.select %and3A_475, %add3A_476, %rem3A_467 : i32
        %add3A_478 = arith.constant 1 : i32
        %add3A_479 = arith.addi %select_n3A, %add3A_478 : i32
        %mul3A_480 = arith.constant 32 : i32
        %mul3A_481 = arith.muli %add3A_479, %mul3A_480 : i32
        %add3A_482 = arith.addi %mul3A_2, %mul3A_481 : i32
        %dma_start3A_483 = arith.constant 0 : i32
        %dma_start3A_484 = arith.constant 0 : i32
        %dma_start3A_485 = tpu.memref_slice %arg7[%select_n3A_477, %dma_start3A_483, %dma_start3A_484] : memref<2x32x40xi32, #tpu.memory_space<vmem>> -> memref<1x32x40xi32, #tpu.memory_space<vmem>>
        %dma_start3A_486 = tpu.memref_squeeze %dma_start3A_485 : memref<1x32x40xi32, #tpu.memory_space<vmem>> -> memref<32x40xi32, #tpu.memory_space<vmem>>
        %dma_start3A_487 = arith.constant 0 : i32
        %dma_start3A_488 = tpu.memref_slice %arg3[%add3A_482, %dma_start3A_487] : memref<8192x40xi32, #tpu.memory_space<hbm>> -> memref<32x40xi32, #tpu.memory_space<hbm>>
        %dma_start3A_489 = arith.constant 0 : i32
        %dma_start3A_490 = arith.constant 0 : i32
        %dma_start3A_491 = tpu.memref_slice %arg7[%select_n3A_477, %dma_start3A_489, %dma_start3A_490] : memref<2x32x40xi32, #tpu.memory_space<vmem>> -> memref<1x32x40xi32, #tpu.memory_space<vmem>>
        %dma_start3A_492 = tpu.memref_squeeze %dma_start3A_491 : memref<1x32x40xi32, #tpu.memory_space<vmem>> -> memref<32x40xi32, #tpu.memory_space<vmem>>
        %dma_start3A_493 = arith.constant 0 : i32
        %dma_start3A_494 = tpu.memref_slice %arg3[%add3A_482, %dma_start3A_493] : memref<8192x40xi32, #tpu.memory_space<hbm>> -> memref<32x40xi32, #tpu.memory_space<hbm>>
        tpu.enqueue_dma source(%dma_start3A_494 : memref<32x40xi32, #tpu.memory_space<hbm>>) target(%dma_start3A_492 : memref<32x40xi32, #tpu.memory_space<vmem>>) target_semaphore(%arg19 : memref<!tpu.dma_semaphore, #tpu.memory_space<semaphore_mem>>)
        %add3A_495 = arith.constant 1 : i32
        %add3A_496 = arith.addi %select_n3A, %add3A_495 : i32
        %mul3A_497 = arith.constant 32 : i32
        %mul3A_498 = arith.muli %add3A_496, %mul3A_497 : i32
        %add3A_499 = arith.addi %mul3A_2, %mul3A_498 : i32
        %dma_start3A_500 = arith.constant 0 : i32
        %dma_start3A_501 = arith.constant 0 : i32
        %dma_start3A_502 = tpu.memref_slice %arg8[%select_n3A_477, %dma_start3A_500, %dma_start3A_501] : memref<2x32x40xi32, #tpu.memory_space<vmem>> -> memref<1x32x40xi32, #tpu.memory_space<vmem>>
        %dma_start3A_503 = tpu.memref_squeeze %dma_start3A_502 : memref<1x32x40xi32, #tpu.memory_space<vmem>> -> memref<32x40xi32, #tpu.memory_space<vmem>>
        %dma_start3A_504 = arith.constant 0 : i32
        %dma_start3A_505 = tpu.memref_slice %arg4[%add3A_499, %dma_start3A_504] : memref<8192x40xi32, #tpu.memory_space<hbm>> -> memref<32x40xi32, #tpu.memory_space<hbm>>
        %dma_start3A_506 = arith.constant 0 : i32
        %dma_start3A_507 = arith.constant 0 : i32
        %dma_start3A_508 = tpu.memref_slice %arg8[%select_n3A_477, %dma_start3A_506, %dma_start3A_507] : memref<2x32x40xi32, #tpu.memory_space<vmem>> -> memref<1x32x40xi32, #tpu.memory_space<vmem>>
        %dma_start3A_509 = tpu.memref_squeeze %dma_start3A_508 : memref<1x32x40xi32, #tpu.memory_space<vmem>> -> memref<32x40xi32, #tpu.memory_space<vmem>>
        %dma_start3A_510 = arith.constant 0 : i32
        %dma_start3A_511 = tpu.memref_slice %arg4[%add3A_499, %dma_start3A_510] : memref<8192x40xi32, #tpu.memory_space<hbm>> -> memref<32x40xi32, #tpu.memory_space<hbm>>
        tpu.enqueue_dma source(%dma_start3A_511 : memref<32x40xi32, #tpu.memory_space<hbm>>) target(%dma_start3A_509 : memref<32x40xi32, #tpu.memory_space<vmem>>) target_semaphore(%arg20 : memref<!tpu.dma_semaphore, #tpu.memory_space<semaphore_mem>>)
      } else {
      }
      %add3A_146 = arith.constant 0 : i32
      %add3A_147 = arith.addi %mul3A_120, %add3A_146 : i32
      %jit3A_148 = arith.constant 32 : i32
      %div3A_149 = arith.divsi %add3A_147, %jit3A_148 : i32
      %sign3A_150 = arith.constant 0 : i32
      %sign3A_151 = arith.cmpi sgt, %add3A_147, %sign3A_150 : i32
      %sign3A_152 = arith.extui %sign3A_151 : i1 to i32
      %sign3A_153 = arith.constant 0 : i32
      %sign3A_154 = arith.cmpi slt, %add3A_147, %sign3A_153 : i32
      %sign3A_155 = arith.extui %sign3A_154 : i1 to i32
      %sign3A_156 = arith.subi %sign3A_152, %sign3A_155 : i32
      %sign3A_157 = arith.constant 0 : i32
      %sign3A_158 = arith.cmpi sgt, %jit3A_148, %sign3A_157 : i32
      %sign3A_159 = arith.extui %sign3A_158 : i1 to i32
      %sign3A_160 = arith.constant 0 : i32
      %sign3A_161 = arith.cmpi slt, %jit3A_148, %sign3A_160 : i32
      %sign3A_162 = arith.extui %sign3A_161 : i1 to i32
      %sign3A_163 = arith.subi %sign3A_159, %sign3A_162 : i32
      %ne3A_164 = arith.cmpi ne, %sign3A_156, %sign3A_163 : i32
      %rem3A_165 = arith.remsi %add3A_147, %jit3A_148 : i32
      %ne3A_166 = arith.constant 0 : i32
      %ne3A_167 = arith.cmpi ne, %rem3A_165, %ne3A_166 : i32
      %and3A_168 = arith.andi %ne3A_164, %ne3A_167 : i1
      %sub3A_169 = arith.constant 1 : i32
      %sub3A_170 = arith.subi %div3A_149, %sub3A_169 : i32
      %select_n3A_171 = arith.select %and3A_168, %sub3A_170, %div3A_149 : i32
      %jit3A_172 = arith.constant 2 : i32
      %eq3A_173 = arith.constant 0 : i32
      %eq3A_174 = arith.cmpi eq, %jit3A_172, %eq3A_173 : i32
      %jit3A_175 = arith.constant 1 : i32
      %select_n3A_176 = arith.select %eq3A_174, %jit3A_175, %jit3A_172 : i32
      %rem3A_177 = arith.remsi %select_n3A_171, %select_n3A_176 : i32
      %ne3A_178 = arith.constant 0 : i32
      %ne3A_179 = arith.cmpi ne, %rem3A_177, %ne3A_178 : i32
      %lt3A_180 = arith.constant 0 : i32
      %lt3A_181 = arith.cmpi slt, %rem3A_177, %lt3A_180 : i32
      %lt3A_182 = arith.constant 0 : i32
      %lt3A_183 = arith.cmpi slt, %select_n3A_176, %lt3A_182 : i32
      %ne3A_184 = arith.xori %lt3A_181, %lt3A_183 : i1
      %and3A_185 = arith.andi %ne3A_184, %ne3A_179 : i1
      %add3A_186 = arith.addi %rem3A_177, %select_n3A_176 : i32
      %select_n3A_187 = arith.select %and3A_185, %add3A_186, %rem3A_177 : i32
      %mul3A_188 = arith.constant 32 : i32
      %mul3A_189 = arith.muli %select_n3A_171, %mul3A_188 : i32
      %sub3A_190 = arith.subi %add3A_147, %mul3A_189 : i32
      %dma_wait3A_191 = arith.constant 0 : i32
      %dma_wait3A_192 = arith.constant 0 : i32
      %dma_wait3A_193 = arith.constant 0 : i32
      %dma_wait3A_194 = tpu.memref_slice %arg9[%dma_wait3A_191, %dma_wait3A_192, %dma_wait3A_193] : memref<4x40x128xf32, #tpu.memory_space<vmem>> -> memref<1x40x128xf32, #tpu.memory_space<vmem>>
      %dma_wait3A_195 = tpu.memref_squeeze %dma_wait3A_194 : memref<1x40x128xf32, #tpu.memory_space<vmem>> -> memref<40x128xf32, #tpu.memory_space<vmem>>
      %dma_wait3A_196 = arith.constant 0 : i32
      %dma_wait3A_197 = tpu.memref_slice %arg7[%select_n3A_187, %sub3A_190, %dma_wait3A_196] : memref<2x32x40xi32, #tpu.memory_space<vmem>> -> memref<1x1x40xi32, #tpu.memory_space<vmem>>
      %dma_wait3A_198 = tpu.memref_squeeze %dma_wait3A_197 : memref<1x1x40xi32, #tpu.memory_space<vmem>> -> memref<40xi32, #tpu.memory_space<vmem>>
      %dma_wait3A_199 = arith.constant 0 : i32
      %dma_wait3A_200 = arith.constant 0 : i32
      %dma_wait3A_201 = tpu.memref_slice %arg2[%dma_wait3A_199, %dma_wait3A_200] : memref<10016x128xf32, #tpu.memory_space<hbm>> -> memref<10016x128xf32, #tpu.memory_space<hbm>>
      tpu.wait_indirect_dma semaphore(%arg11 : memref<!tpu.dma_semaphore, #tpu.memory_space<semaphore_mem>>) src(%dma_wait3A_201 : memref<10016x128xf32, #tpu.memory_space<hbm>>) dst(%dma_wait3A_195 : memref<40x128xf32, #tpu.memory_space<vmem>>)
      %dma_start3A_202 = arith.constant 0 : i32
      %dma_start3A_203 = arith.constant 0 : i32
      %dma_start3A_204 = arith.constant 0 : i32
      %dma_start3A_205 = tpu.memref_slice %arg9[%dma_start3A_202, %dma_start3A_203, %dma_start3A_204] : memref<4x40x128xf32, #tpu.memory_space<vmem>> -> memref<1x40x128xf32, #tpu.memory_space<vmem>>
      %dma_start3A_206 = tpu.memref_squeeze %dma_start3A_205 : memref<1x40x128xf32, #tpu.memory_space<vmem>> -> memref<40x128xf32, #tpu.memory_space<vmem>>
      %dma_start3A_207 = arith.constant 0 : i32
      %dma_start3A_208 = tpu.memref_slice %arg8[%select_n3A_187, %sub3A_190, %dma_start3A_207] : memref<2x32x40xi32, #tpu.memory_space<vmem>> -> memref<1x1x40xi32, #tpu.memory_space<vmem>>
      %dma_start3A_209 = tpu.memref_squeeze %dma_start3A_208 : memref<1x1x40xi32, #tpu.memory_space<vmem>> -> memref<40xi32, #tpu.memory_space<vmem>>
      %dma_start3A_210 = arith.constant 0 : i32
      %dma_start3A_211 = arith.constant 0 : i32
      %dma_start3A_212 = tpu.memref_slice %arg10[%dma_start3A_210, %dma_start3A_211] : memref<10112x128xf32, #tpu.memory_space<vmem_shared>> -> memref<10112x128xf32, #tpu.memory_space<vmem_shared>>
      tpu.enqueue_indirect_dma source(%dma_start3A_206 : memref<40x128xf32, #tpu.memory_space<vmem>>) target(%dma_start3A_212 : memref<10112x128xf32, #tpu.memory_space<vmem_shared>>) offsets(%dma_start3A_209 : memref<40xi32, #tpu.memory_space<vmem>>) semaphore(%arg15 : memref<!tpu.dma_semaphore, #tpu.memory_space<semaphore_mem>>) {add = true}
      %add3A_213 = arith.constant 1 : i32
      %add3A_214 = arith.addi %mul3A_120, %add3A_213 : i32
      %jit3A_215 = arith.constant 32 : i32
      %div3A_216 = arith.divsi %add3A_214, %jit3A_215 : i32
      %sign3A_217 = arith.constant 0 : i32
      %sign3A_218 = arith.cmpi sgt, %add3A_214, %sign3A_217 : i32
      %sign3A_219 = arith.extui %sign3A_218 : i1 to i32
      %sign3A_220 = arith.constant 0 : i32
      %sign3A_221 = arith.cmpi slt, %add3A_214, %sign3A_220 : i32
      %sign3A_222 = arith.extui %sign3A_221 : i1 to i32
      %sign3A_223 = arith.subi %sign3A_219, %sign3A_222 : i32
      %sign3A_224 = arith.constant 0 : i32
      %sign3A_225 = arith.cmpi sgt, %jit3A_215, %sign3A_224 : i32
      %sign3A_226 = arith.extui %sign3A_225 : i1 to i32
      %sign3A_227 = arith.constant 0 : i32
      %sign3A_228 = arith.cmpi slt, %jit3A_215, %sign3A_227 : i32
      %sign3A_229 = arith.extui %sign3A_228 : i1 to i32
      %sign3A_230 = arith.subi %sign3A_226, %sign3A_229 : i32
      %ne3A_231 = arith.cmpi ne, %sign3A_223, %sign3A_230 : i32
      %rem3A_232 = arith.remsi %add3A_214, %jit3A_215 : i32
      %ne3A_233 = arith.constant 0 : i32
      %ne3A_234 = arith.cmpi ne, %rem3A_232, %ne3A_233 : i32
      %and3A_235 = arith.andi %ne3A_231, %ne3A_234 : i1
      %sub3A_236 = arith.constant 1 : i32
      %sub3A_237 = arith.subi %div3A_216, %sub3A_236 : i32
      %select_n3A_238 = arith.select %and3A_235, %sub3A_237, %div3A_216 : i32
      %jit3A_239 = arith.constant 2 : i32
      %eq3A_240 = arith.constant 0 : i32
      %eq3A_241 = arith.cmpi eq, %jit3A_239, %eq3A_240 : i32
      %jit3A_242 = arith.constant 1 : i32
      %select_n3A_243 = arith.select %eq3A_241, %jit3A_242, %jit3A_239 : i32
      %rem3A_244 = arith.remsi %select_n3A_238, %select_n3A_243 : i32
      %ne3A_245 = arith.constant 0 : i32
      %ne3A_246 = arith.cmpi ne, %rem3A_244, %ne3A_245 : i32
      %lt3A_247 = arith.constant 0 : i32
      %lt3A_248 = arith.cmpi slt, %rem3A_244, %lt3A_247 : i32
      %lt3A_249 = arith.constant 0 : i32
      %lt3A_250 = arith.cmpi slt, %select_n3A_243, %lt3A_249 : i32
      %ne3A_251 = arith.xori %lt3A_248, %lt3A_250 : i1
      %and3A_252 = arith.andi %ne3A_251, %ne3A_246 : i1
      %add3A_253 = arith.addi %rem3A_244, %select_n3A_243 : i32
      %select_n3A_254 = arith.select %and3A_252, %add3A_253, %rem3A_244 : i32
      %mul3A_255 = arith.constant 32 : i32
      %mul3A_256 = arith.muli %select_n3A_238, %mul3A_255 : i32
      %sub3A_257 = arith.subi %add3A_214, %mul3A_256 : i32
      %dma_wait3A_258 = arith.constant 1 : i32
      %dma_wait3A_259 = arith.constant 0 : i32
      %dma_wait3A_260 = arith.constant 0 : i32
      %dma_wait3A_261 = tpu.memref_slice %arg9[%dma_wait3A_258, %dma_wait3A_259, %dma_wait3A_260] : memref<4x40x128xf32, #tpu.memory_space<vmem>> -> memref<1x40x128xf32, #tpu.memory_space<vmem>>
      %dma_wait3A_262 = tpu.memref_squeeze %dma_wait3A_261 : memref<1x40x128xf32, #tpu.memory_space<vmem>> -> memref<40x128xf32, #tpu.memory_space<vmem>>
      %dma_wait3A_263 = arith.constant 0 : i32
      %dma_wait3A_264 = tpu.memref_slice %arg7[%select_n3A_254, %sub3A_257, %dma_wait3A_263] : memref<2x32x40xi32, #tpu.memory_space<vmem>> -> memref<1x1x40xi32, #tpu.memory_space<vmem>>
      %dma_wait3A_265 = tpu.memref_squeeze %dma_wait3A_264 : memref<1x1x40xi32, #tpu.memory_space<vmem>> -> memref<40xi32, #tpu.memory_space<vmem>>
      %dma_wait3A_266 = arith.constant 0 : i32
      %dma_wait3A_267 = arith.constant 0 : i32
      %dma_wait3A_268 = tpu.memref_slice %arg2[%dma_wait3A_266, %dma_wait3A_267] : memref<10016x128xf32, #tpu.memory_space<hbm>> -> memref<10016x128xf32, #tpu.memory_space<hbm>>
      tpu.wait_indirect_dma semaphore(%arg12 : memref<!tpu.dma_semaphore, #tpu.memory_space<semaphore_mem>>) src(%dma_wait3A_268 : memref<10016x128xf32, #tpu.memory_space<hbm>>) dst(%dma_wait3A_262 : memref<40x128xf32, #tpu.memory_space<vmem>>)
      %dma_start3A_269 = arith.constant 1 : i32
      %dma_start3A_270 = arith.constant 0 : i32
      %dma_start3A_271 = arith.constant 0 : i32
      %dma_start3A_272 = tpu.memref_slice %arg9[%dma_start3A_269, %dma_start3A_270, %dma_start3A_271] : memref<4x40x128xf32, #tpu.memory_space<vmem>> -> memref<1x40x128xf32, #tpu.memory_space<vmem>>
      %dma_start3A_273 = tpu.memref_squeeze %dma_start3A_272 : memref<1x40x128xf32, #tpu.memory_space<vmem>> -> memref<40x128xf32, #tpu.memory_space<vmem>>
      %dma_start3A_274 = arith.constant 0 : i32
      %dma_start3A_275 = tpu.memref_slice %arg8[%select_n3A_254, %sub3A_257, %dma_start3A_274] : memref<2x32x40xi32, #tpu.memory_space<vmem>> -> memref<1x1x40xi32, #tpu.memory_space<vmem>>
      %dma_start3A_276 = tpu.memref_squeeze %dma_start3A_275 : memref<1x1x40xi32, #tpu.memory_space<vmem>> -> memref<40xi32, #tpu.memory_space<vmem>>
      %dma_start3A_277 = arith.constant 0 : i32
      %dma_start3A_278 = arith.constant 0 : i32
      %dma_start3A_279 = tpu.memref_slice %arg10[%dma_start3A_277, %dma_start3A_278] : memref<10112x128xf32, #tpu.memory_space<vmem_shared>> -> memref<10112x128xf32, #tpu.memory_space<vmem_shared>>
      tpu.enqueue_indirect_dma source(%dma_start3A_273 : memref<40x128xf32, #tpu.memory_space<vmem>>) target(%dma_start3A_279 : memref<10112x128xf32, #tpu.memory_space<vmem_shared>>) offsets(%dma_start3A_276 : memref<40xi32, #tpu.memory_space<vmem>>) semaphore(%arg16 : memref<!tpu.dma_semaphore, #tpu.memory_space<semaphore_mem>>) {add = true}
      %add3A_280 = arith.constant 2 : i32
      %add3A_281 = arith.addi %mul3A_120, %add3A_280 : i32
      %jit3A_282 = arith.constant 32 : i32
      %div3A_283 = arith.divsi %add3A_281, %jit3A_282 : i32
      %sign3A_284 = arith.constant 0 : i32
      %sign3A_285 = arith.cmpi sgt, %add3A_281, %sign3A_284 : i32
      %sign3A_286 = arith.extui %sign3A_285 : i1 to i32
      %sign3A_287 = arith.constant 0 : i32
      %sign3A_288 = arith.cmpi slt, %add3A_281, %sign3A_287 : i32
      %sign3A_289 = arith.extui %sign3A_288 : i1 to i32
      %sign3A_290 = arith.subi %sign3A_286, %sign3A_289 : i32
      %sign3A_291 = arith.constant 0 : i32
      %sign3A_292 = arith.cmpi sgt, %jit3A_282, %sign3A_291 : i32
      %sign3A_293 = arith.extui %sign3A_292 : i1 to i32
      %sign3A_294 = arith.constant 0 : i32
      %sign3A_295 = arith.cmpi slt, %jit3A_282, %sign3A_294 : i32
      %sign3A_296 = arith.extui %sign3A_295 : i1 to i32
      %sign3A_297 = arith.subi %sign3A_293, %sign3A_296 : i32
      %ne3A_298 = arith.cmpi ne, %sign3A_290, %sign3A_297 : i32
      %rem3A_299 = arith.remsi %add3A_281, %jit3A_282 : i32
      %ne3A_300 = arith.constant 0 : i32
      %ne3A_301 = arith.cmpi ne, %rem3A_299, %ne3A_300 : i32
      %and3A_302 = arith.andi %ne3A_298, %ne3A_301 : i1
      %sub3A_303 = arith.constant 1 : i32
      %sub3A_304 = arith.subi %div3A_283, %sub3A_303 : i32
      %select_n3A_305 = arith.select %and3A_302, %sub3A_304, %div3A_283 : i32
      %jit3A_306 = arith.constant 2 : i32
      %eq3A_307 = arith.constant 0 : i32
      %eq3A_308 = arith.cmpi eq, %jit3A_306, %eq3A_307 : i32
      %jit3A_309 = arith.constant 1 : i32
      %select_n3A_310 = arith.select %eq3A_308, %jit3A_309, %jit3A_306 : i32
      %rem3A_311 = arith.remsi %select_n3A_305, %select_n3A_310 : i32
      %ne3A_312 = arith.constant 0 : i32
      %ne3A_313 = arith.cmpi ne, %rem3A_311, %ne3A_312 : i32
      %lt3A_314 = arith.constant 0 : i32
      %lt3A_315 = arith.cmpi slt, %rem3A_311, %lt3A_314 : i32
      %lt3A_316 = arith.constant 0 : i32
      %lt3A_317 = arith.cmpi slt, %select_n3A_310, %lt3A_316 : i32
      %ne3A_318 = arith.xori %lt3A_315, %lt3A_317 : i1
      %and3A_319 = arith.andi %ne3A_318, %ne3A_313 : i1
      %add3A_320 = arith.addi %rem3A_311, %select_n3A_310 : i32
      %select_n3A_321 = arith.select %and3A_319, %add3A_320, %rem3A_311 : i32
      %mul3A_322 = arith.constant 32 : i32
      %mul3A_323 = arith.muli %select_n3A_305, %mul3A_322 : i32
      %sub3A_324 = arith.subi %add3A_281, %mul3A_323 : i32
      %dma_wait3A_325 = arith.constant 2 : i32
      %dma_wait3A_326 = arith.constant 0 : i32
      %dma_wait3A_327 = arith.constant 0 : i32
      %dma_wait3A_328 = tpu.memref_slice %arg9[%dma_wait3A_325, %dma_wait3A_326, %dma_wait3A_327] : memref<4x40x128xf32, #tpu.memory_space<vmem>> -> memref<1x40x128xf32, #tpu.memory_space<vmem>>
      %dma_wait3A_329 = tpu.memref_squeeze %dma_wait3A_328 : memref<1x40x128xf32, #tpu.memory_space<vmem>> -> memref<40x128xf32, #tpu.memory_space<vmem>>
      %dma_wait3A_330 = arith.constant 0 : i32
      %dma_wait3A_331 = tpu.memref_slice %arg7[%select_n3A_321, %sub3A_324, %dma_wait3A_330] : memref<2x32x40xi32, #tpu.memory_space<vmem>> -> memref<1x1x40xi32, #tpu.memory_space<vmem>>
      %dma_wait3A_332 = tpu.memref_squeeze %dma_wait3A_331 : memref<1x1x40xi32, #tpu.memory_space<vmem>> -> memref<40xi32, #tpu.memory_space<vmem>>
      %dma_wait3A_333 = arith.constant 0 : i32
      %dma_wait3A_334 = arith.constant 0 : i32
      %dma_wait3A_335 = tpu.memref_slice %arg2[%dma_wait3A_333, %dma_wait3A_334] : memref<10016x128xf32, #tpu.memory_space<hbm>> -> memref<10016x128xf32, #tpu.memory_space<hbm>>
      tpu.wait_indirect_dma semaphore(%arg13 : memref<!tpu.dma_semaphore, #tpu.memory_space<semaphore_mem>>) src(%dma_wait3A_335 : memref<10016x128xf32, #tpu.memory_space<hbm>>) dst(%dma_wait3A_329 : memref<40x128xf32, #tpu.memory_space<vmem>>)
      %dma_start3A_336 = arith.constant 2 : i32
      %dma_start3A_337 = arith.constant 0 : i32
      %dma_start3A_338 = arith.constant 0 : i32
      %dma_start3A_339 = tpu.memref_slice %arg9[%dma_start3A_336, %dma_start3A_337, %dma_start3A_338] : memref<4x40x128xf32, #tpu.memory_space<vmem>> -> memref<1x40x128xf32, #tpu.memory_space<vmem>>
      %dma_start3A_340 = tpu.memref_squeeze %dma_start3A_339 : memref<1x40x128xf32, #tpu.memory_space<vmem>> -> memref<40x128xf32, #tpu.memory_space<vmem>>
      %dma_start3A_341 = arith.constant 0 : i32
      %dma_start3A_342 = tpu.memref_slice %arg8[%select_n3A_321, %sub3A_324, %dma_start3A_341] : memref<2x32x40xi32, #tpu.memory_space<vmem>> -> memref<1x1x40xi32, #tpu.memory_space<vmem>>
      %dma_start3A_343 = tpu.memref_squeeze %dma_start3A_342 : memref<1x1x40xi32, #tpu.memory_space<vmem>> -> memref<40xi32, #tpu.memory_space<vmem>>
      %dma_start3A_344 = arith.constant 0 : i32
      %dma_start3A_345 = arith.constant 0 : i32
      %dma_start3A_346 = tpu.memref_slice %arg10[%dma_start3A_344, %dma_start3A_345] : memref<10112x128xf32, #tpu.memory_space<vmem_shared>> -> memref<10112x128xf32, #tpu.memory_space<vmem_shared>>
      tpu.enqueue_indirect_dma source(%dma_start3A_340 : memref<40x128xf32, #tpu.memory_space<vmem>>) target(%dma_start3A_346 : memref<10112x128xf32, #tpu.memory_space<vmem_shared>>) offsets(%dma_start3A_343 : memref<40xi32, #tpu.memory_space<vmem>>) semaphore(%arg17 : memref<!tpu.dma_semaphore, #tpu.memory_space<semaphore_mem>>) {add = true}
      %add3A_347 = arith.constant 3 : i32
      %add3A_348 = arith.addi %mul3A_120, %add3A_347 : i32
      %jit3A_349 = arith.constant 32 : i32
      %div3A_350 = arith.divsi %add3A_348, %jit3A_349 : i32
      %sign3A_351 = arith.constant 0 : i32
      %sign3A_352 = arith.cmpi sgt, %add3A_348, %sign3A_351 : i32
      %sign3A_353 = arith.extui %sign3A_352 : i1 to i32
      %sign3A_354 = arith.constant 0 : i32
      %sign3A_355 = arith.cmpi slt, %add3A_348, %sign3A_354 : i32
      %sign3A_356 = arith.extui %sign3A_355 : i1 to i32
      %sign3A_357 = arith.subi %sign3A_353, %sign3A_356 : i32
      %sign3A_358 = arith.constant 0 : i32
      %sign3A_359 = arith.cmpi sgt, %jit3A_349, %sign3A_358 : i32
      %sign3A_360 = arith.extui %sign3A_359 : i1 to i32
      %sign3A_361 = arith.constant 0 : i32
      %sign3A_362 = arith.cmpi slt, %jit3A_349, %sign3A_361 : i32
      %sign3A_363 = arith.extui %sign3A_362 : i1 to i32
      %sign3A_364 = arith.subi %sign3A_360, %sign3A_363 : i32
      %ne3A_365 = arith.cmpi ne, %sign3A_357, %sign3A_364 : i32
      %rem3A_366 = arith.remsi %add3A_348, %jit3A_349 : i32
      %ne3A_367 = arith.constant 0 : i32
      %ne3A_368 = arith.cmpi ne, %rem3A_366, %ne3A_367 : i32
      %and3A_369 = arith.andi %ne3A_365, %ne3A_368 : i1
      %sub3A_370 = arith.constant 1 : i32
      %sub3A_371 = arith.subi %div3A_350, %sub3A_370 : i32
      %select_n3A_372 = arith.select %and3A_369, %sub3A_371, %div3A_350 : i32
      %jit3A_373 = arith.constant 2 : i32
      %eq3A_374 = arith.constant 0 : i32
      %eq3A_375 = arith.cmpi eq, %jit3A_373, %eq3A_374 : i32
      %jit3A_376 = arith.constant 1 : i32
      %select_n3A_377 = arith.select %eq3A_375, %jit3A_376, %jit3A_373 : i32
      %rem3A_378 = arith.remsi %select_n3A_372, %select_n3A_377 : i32
      %ne3A_379 = arith.constant 0 : i32
      %ne3A_380 = arith.cmpi ne, %rem3A_378, %ne3A_379 : i32
      %lt3A_381 = arith.constant 0 : i32
      %lt3A_382 = arith.cmpi slt, %rem3A_378, %lt3A_381 : i32
      %lt3A_383 = arith.constant 0 : i32
      %lt3A_384 = arith.cmpi slt, %select_n3A_377, %lt3A_383 : i32
      %ne3A_385 = arith.xori %lt3A_382, %lt3A_384 : i1
      %and3A_386 = arith.andi %ne3A_385, %ne3A_380 : i1
      %add3A_387 = arith.addi %rem3A_378, %select_n3A_377 : i32
      %select_n3A_388 = arith.select %and3A_386, %add3A_387, %rem3A_378 : i32
      %mul3A_389 = arith.constant 32 : i32
      %mul3A_390 = arith.muli %select_n3A_372, %mul3A_389 : i32
      %sub3A_391 = arith.subi %add3A_348, %mul3A_390 : i32
      %dma_wait3A_392 = arith.constant 3 : i32
      %dma_wait3A_393 = arith.constant 0 : i32
      %dma_wait3A_394 = arith.constant 0 : i32
      %dma_wait3A_395 = tpu.memref_slice %arg9[%dma_wait3A_392, %dma_wait3A_393, %dma_wait3A_394] : memref<4x40x128xf32, #tpu.memory_space<vmem>> -> memref<1x40x128xf32, #tpu.memory_space<vmem>>
      %dma_wait3A_396 = tpu.memref_squeeze %dma_wait3A_395 : memref<1x40x128xf32, #tpu.memory_space<vmem>> -> memref<40x128xf32, #tpu.memory_space<vmem>>
      %dma_wait3A_397 = arith.constant 0 : i32
      %dma_wait3A_398 = tpu.memref_slice %arg7[%select_n3A_388, %sub3A_391, %dma_wait3A_397] : memref<2x32x40xi32, #tpu.memory_space<vmem>> -> memref<1x1x40xi32, #tpu.memory_space<vmem>>
      %dma_wait3A_399 = tpu.memref_squeeze %dma_wait3A_398 : memref<1x1x40xi32, #tpu.memory_space<vmem>> -> memref<40xi32, #tpu.memory_space<vmem>>
      %dma_wait3A_400 = arith.constant 0 : i32
      %dma_wait3A_401 = arith.constant 0 : i32
      %dma_wait3A_402 = tpu.memref_slice %arg2[%dma_wait3A_400, %dma_wait3A_401] : memref<10016x128xf32, #tpu.memory_space<hbm>> -> memref<10016x128xf32, #tpu.memory_space<hbm>>
      tpu.wait_indirect_dma semaphore(%arg14 : memref<!tpu.dma_semaphore, #tpu.memory_space<semaphore_mem>>) src(%dma_wait3A_402 : memref<10016x128xf32, #tpu.memory_space<hbm>>) dst(%dma_wait3A_396 : memref<40x128xf32, #tpu.memory_space<vmem>>)
      %dma_start3A_403 = arith.constant 3 : i32
      %dma_start3A_404 = arith.constant 0 : i32
      %dma_start3A_405 = arith.constant 0 : i32
      %dma_start3A_406 = tpu.memref_slice %arg9[%dma_start3A_403, %dma_start3A_404, %dma_start3A_405] : memref<4x40x128xf32, #tpu.memory_space<vmem>> -> memref<1x40x128xf32, #tpu.memory_space<vmem>>
      %dma_start3A_407 = tpu.memref_squeeze %dma_start3A_406 : memref<1x40x128xf32, #tpu.memory_space<vmem>> -> memref<40x128xf32, #tpu.memory_space<vmem>>
      %dma_start3A_408 = arith.constant 0 : i32
      %dma_start3A_409 = tpu.memref_slice %arg8[%select_n3A_388, %sub3A_391, %dma_start3A_408] : memref<2x32x40xi32, #tpu.memory_space<vmem>> -> memref<1x1x40xi32, #tpu.memory_space<vmem>>
      %dma_start3A_410 = tpu.memref_squeeze %dma_start3A_409 : memref<1x1x40xi32, #tpu.memory_space<vmem>> -> memref<40xi32, #tpu.memory_space<vmem>>
      %dma_start3A_411 = arith.constant 0 : i32
      %dma_start3A_412 = arith.constant 0 : i32
      %dma_start3A_413 = tpu.memref_slice %arg10[%dma_start3A_411, %dma_start3A_412] : memref<10112x128xf32, #tpu.memory_space<vmem_shared>> -> memref<10112x128xf32, #tpu.memory_space<vmem_shared>>
      tpu.enqueue_indirect_dma source(%dma_start3A_407 : memref<40x128xf32, #tpu.memory_space<vmem>>) target(%dma_start3A_413 : memref<10112x128xf32, #tpu.memory_space<vmem_shared>>) offsets(%dma_start3A_410 : memref<40xi32, #tpu.memory_space<vmem>>) semaphore(%arg18 : memref<!tpu.dma_semaphore, #tpu.memory_space<semaphore_mem>>) {add = true}
      %eq3A_414 = arith.constant 7 : i32
      %eq3A_415 = arith.cmpi eq, %sub3A_139, %eq3A_414 : i32
      %add3A_416 = arith.constant 1 : i32
      %add3A_417 = arith.addi %select_n3A, %add3A_416 : i32
      %lt3A_418 = arith.constant 8 : i32
      %lt3A_419 = arith.cmpi slt, %add3A_417, %lt3A_418 : i32
      %and3A_420 = arith.andi %eq3A_415, %lt3A_419 : i1
      %convert_element_type3A_421 = arith.extui %and3A_420 : i1 to i32
      %cond3A_422 = arith.constant 0 : i32
      %cond3A_423 = arith.cmpi ne, %convert_element_type3A_421, %cond3A_422 : i32
      scf.if %cond3A_423 {
        %add3A_460 = arith.constant 1 : i32
        %add3A_461 = arith.addi %select_n3A, %add3A_460 : i32
        %jit3A_462 = arith.constant 2 : i32
        %eq3A_463 = arith.constant 0 : i32
        %eq3A_464 = arith.cmpi eq, %jit3A_462, %eq3A_463 : i32
        %jit3A_465 = arith.constant 1 : i32
        %select_n3A_466 = arith.select %eq3A_464, %jit3A_465, %jit3A_462 : i32
        %rem3A_467 = arith.remsi %add3A_461, %select_n3A_466 : i32
        %ne3A_468 = arith.constant 0 : i32
        %ne3A_469 = arith.cmpi ne, %rem3A_467, %ne3A_468 : i32
        %lt3A_470 = arith.constant 0 : i32
        %lt3A_471 = arith.cmpi slt, %rem3A_467, %lt3A_470 : i32
        %lt3A_472 = arith.constant 0 : i32
        %lt3A_473 = arith.cmpi slt, %select_n3A_466, %lt3A_472 : i32
        %ne3A_474 = arith.xori %lt3A_471, %lt3A_473 : i1
        %and3A_475 = arith.andi %ne3A_474, %ne3A_469 : i1
        %add3A_476 = arith.addi %rem3A_467, %select_n3A_466 : i32
        %select_n3A_477 = arith.select %and3A_475, %add3A_476, %rem3A_467 : i32
        %add3A_478 = arith.constant 1 : i32
        %add3A_479 = arith.addi %select_n3A, %add3A_478 : i32
        %mul3A_480 = arith.constant 32 : i32
        %mul3A_481 = arith.muli %add3A_479, %mul3A_480 : i32
        %add3A_482 = arith.addi %mul3A_2, %mul3A_481 : i32
        %dma_wait3A_483 = arith.constant 0 : i32
        %dma_wait3A_484 = arith.constant 0 : i32
        %dma_wait3A_485 = tpu.memref_slice %arg7[%select_n3A_477, %dma_wait3A_483, %dma_wait3A_484] : memref<2x32x40xi32, #tpu.memory_space<vmem>> -> memref<1x32x40xi32, #tpu.memory_space<vmem>>
        %dma_wait3A_486 = tpu.memref_squeeze %dma_wait3A_485 : memref<1x32x40xi32, #tpu.memory_space<vmem>> -> memref<32x40xi32, #tpu.memory_space<vmem>>
        %dma_wait3A_487 = arith.constant 0 : i32
        %dma_wait3A_488 = tpu.memref_slice %arg3[%add3A_482, %dma_wait3A_487] : memref<8192x40xi32, #tpu.memory_space<hbm>> -> memref<32x40xi32, #tpu.memory_space<hbm>>
        %dma_wait3A_489 = arith.constant 0 : i32
        %dma_wait3A_490 = arith.constant 0 : i32
        %dma_wait3A_491 = tpu.memref_slice %arg7[%select_n3A_477, %dma_wait3A_489, %dma_wait3A_490] : memref<2x32x40xi32, #tpu.memory_space<vmem>> -> memref<1x32x40xi32, #tpu.memory_space<vmem>>
        %dma_wait3A_492 = tpu.memref_squeeze %dma_wait3A_491 : memref<1x32x40xi32, #tpu.memory_space<vmem>> -> memref<32x40xi32, #tpu.memory_space<vmem>>
        %dma_wait3A_493 = arith.constant 0 : i32
        %dma_wait3A_494 = tpu.memref_slice %arg3[%add3A_482, %dma_wait3A_493] : memref<8192x40xi32, #tpu.memory_space<hbm>> -> memref<32x40xi32, #tpu.memory_space<hbm>>
        tpu.wait_dma2 semaphore(%arg19 : memref<!tpu.dma_semaphore, #tpu.memory_space<semaphore_mem>>) src(%dma_wait3A_494 : memref<32x40xi32, #tpu.memory_space<hbm>>) dst(%dma_wait3A_492 : memref<32x40xi32, #tpu.memory_space<vmem>>)
        %add3A_495 = arith.constant 1 : i32
        %add3A_496 = arith.addi %select_n3A, %add3A_495 : i32
        %mul3A_497 = arith.constant 32 : i32
        %mul3A_498 = arith.muli %add3A_496, %mul3A_497 : i32
        %add3A_499 = arith.addi %mul3A_2, %mul3A_498 : i32
        %dma_wait3A_500 = arith.constant 0 : i32
        %dma_wait3A_501 = arith.constant 0 : i32
        %dma_wait3A_502 = tpu.memref_slice %arg8[%select_n3A_477, %dma_wait3A_500, %dma_wait3A_501] : memref<2x32x40xi32, #tpu.memory_space<vmem>> -> memref<1x32x40xi32, #tpu.memory_space<vmem>>
        %dma_wait3A_503 = tpu.memref_squeeze %dma_wait3A_502 : memref<1x32x40xi32, #tpu.memory_space<vmem>> -> memref<32x40xi32, #tpu.memory_space<vmem>>
        %dma_wait3A_504 = arith.constant 0 : i32
        %dma_wait3A_505 = tpu.memref_slice %arg4[%add3A_499, %dma_wait3A_504] : memref<8192x40xi32, #tpu.memory_space<hbm>> -> memref<32x40xi32, #tpu.memory_space<hbm>>
        %dma_wait3A_506 = arith.constant 0 : i32
        %dma_wait3A_507 = arith.constant 0 : i32
        %dma_wait3A_508 = tpu.memref_slice %arg8[%select_n3A_477, %dma_wait3A_506, %dma_wait3A_507] : memref<2x32x40xi32, #tpu.memory_space<vmem>> -> memref<1x32x40xi32, #tpu.memory_space<vmem>>
        %dma_wait3A_509 = tpu.memref_squeeze %dma_wait3A_508 : memref<1x32x40xi32, #tpu.memory_space<vmem>> -> memref<32x40xi32, #tpu.memory_space<vmem>>
        %dma_wait3A_510 = arith.constant 0 : i32
        %dma_wait3A_511 = tpu.memref_slice %arg4[%add3A_499, %dma_wait3A_510] : memref<8192x40xi32, #tpu.memory_space<hbm>> -> memref<32x40xi32, #tpu.memory_space<hbm>>
        tpu.wait_dma2 semaphore(%arg20 : memref<!tpu.dma_semaphore, #tpu.memory_space<semaphore_mem>>) src(%dma_wait3A_511 : memref<32x40xi32, #tpu.memory_space<hbm>>) dst(%dma_wait3A_509 : memref<32x40xi32, #tpu.memory_space<vmem>>)
      } else {
      }
      %add3A_424 = arith.constant 4 : i32
      %add3A_425 = arith.addi %mul3A_120, %add3A_424 : i32
      %add3A_426 = arith.constant 0 : i32
      %add3A_427 = arith.addi %add3A_425, %add3A_426 : i32
      %lt3A_428 = arith.constant 256 : i32
      %lt3A_429 = arith.cmpi slt, %add3A_427, %lt3A_428 : i32
      %convert_element_type3A_430 = arith.extui %lt3A_429 : i1 to i32
      %cond3A_431 = arith.constant 0 : i32
      %cond3A_432 = arith.cmpi ne, %convert_element_type3A_430, %cond3A_431 : i32
      scf.if %cond3A_432 {
        %add3A_460 = arith.constant 0 : i32
        %add3A_461 = arith.addi %mul3A_120, %add3A_460 : i32
        %jit3A_462 = arith.constant 32 : i32
        %div3A_463 = arith.divsi %add3A_461, %jit3A_462 : i32
        %sign3A_464 = arith.constant 0 : i32
        %sign3A_465 = arith.cmpi sgt, %add3A_461, %sign3A_464 : i32
        %sign3A_466 = arith.extui %sign3A_465 : i1 to i32
        %sign3A_467 = arith.constant 0 : i32
        %sign3A_468 = arith.cmpi slt, %add3A_461, %sign3A_467 : i32
        %sign3A_469 = arith.extui %sign3A_468 : i1 to i32
        %sign3A_470 = arith.subi %sign3A_466, %sign3A_469 : i32
        %sign3A_471 = arith.constant 0 : i32
        %sign3A_472 = arith.cmpi sgt, %jit3A_462, %sign3A_471 : i32
        %sign3A_473 = arith.extui %sign3A_472 : i1 to i32
        %sign3A_474 = arith.constant 0 : i32
        %sign3A_475 = arith.cmpi slt, %jit3A_462, %sign3A_474 : i32
        %sign3A_476 = arith.extui %sign3A_475 : i1 to i32
        %sign3A_477 = arith.subi %sign3A_473, %sign3A_476 : i32
        %ne3A_478 = arith.cmpi ne, %sign3A_470, %sign3A_477 : i32
        %rem3A_479 = arith.remsi %add3A_461, %jit3A_462 : i32
        %ne3A_480 = arith.constant 0 : i32
        %ne3A_481 = arith.cmpi ne, %rem3A_479, %ne3A_480 : i32
        %and3A_482 = arith.andi %ne3A_478, %ne3A_481 : i1
        %sub3A_483 = arith.constant 1 : i32
        %sub3A_484 = arith.subi %div3A_463, %sub3A_483 : i32
        %select_n3A_485 = arith.select %and3A_482, %sub3A_484, %div3A_463 : i32
        %jit3A_486 = arith.constant 2 : i32
        %eq3A_487 = arith.constant 0 : i32
        %eq3A_488 = arith.cmpi eq, %jit3A_486, %eq3A_487 : i32
        %jit3A_489 = arith.constant 1 : i32
        %select_n3A_490 = arith.select %eq3A_488, %jit3A_489, %jit3A_486 : i32
        %rem3A_491 = arith.remsi %select_n3A_485, %select_n3A_490 : i32
        %ne3A_492 = arith.constant 0 : i32
        %ne3A_493 = arith.cmpi ne, %rem3A_491, %ne3A_492 : i32
        %lt3A_494 = arith.constant 0 : i32
        %lt3A_495 = arith.cmpi slt, %rem3A_491, %lt3A_494 : i32
        %lt3A_496 = arith.constant 0 : i32
        %lt3A_497 = arith.cmpi slt, %select_n3A_490, %lt3A_496 : i32
        %ne3A_498 = arith.xori %lt3A_495, %lt3A_497 : i1
        %and3A_499 = arith.andi %ne3A_498, %ne3A_493 : i1
        %add3A_500 = arith.addi %rem3A_491, %select_n3A_490 : i32
        %select_n3A_501 = arith.select %and3A_499, %add3A_500, %rem3A_491 : i32
        %mul3A_502 = arith.constant 32 : i32
        %mul3A_503 = arith.muli %select_n3A_485, %mul3A_502 : i32
        %sub3A_504 = arith.subi %add3A_461, %mul3A_503 : i32
        %dma_wait3A_505 = arith.constant 0 : i32
        %dma_wait3A_506 = arith.constant 0 : i32
        %dma_wait3A_507 = arith.constant 0 : i32
        %dma_wait3A_508 = tpu.memref_slice %arg9[%dma_wait3A_505, %dma_wait3A_506, %dma_wait3A_507] : memref<4x40x128xf32, #tpu.memory_space<vmem>> -> memref<1x40x128xf32, #tpu.memory_space<vmem>>
        %dma_wait3A_509 = tpu.memref_squeeze %dma_wait3A_508 : memref<1x40x128xf32, #tpu.memory_space<vmem>> -> memref<40x128xf32, #tpu.memory_space<vmem>>
        %dma_wait3A_510 = arith.constant 0 : i32
        %dma_wait3A_511 = tpu.memref_slice %arg8[%select_n3A_501, %sub3A_504, %dma_wait3A_510] : memref<2x32x40xi32, #tpu.memory_space<vmem>> -> memref<1x1x40xi32, #tpu.memory_space<vmem>>
        %dma_wait3A_512 = tpu.memref_squeeze %dma_wait3A_511 : memref<1x1x40xi32, #tpu.memory_space<vmem>> -> memref<40xi32, #tpu.memory_space<vmem>>
        %dma_wait3A_513 = arith.constant 0 : i32
        %dma_wait3A_514 = arith.constant 0 : i32
        %dma_wait3A_515 = tpu.memref_slice %arg10[%dma_wait3A_513, %dma_wait3A_514] : memref<10112x128xf32, #tpu.memory_space<vmem_shared>> -> memref<10112x128xf32, #tpu.memory_space<vmem_shared>>
        tpu.wait_indirect_dma semaphore(%arg15 : memref<!tpu.dma_semaphore, #tpu.memory_space<semaphore_mem>>) src(%dma_wait3A_509 : memref<40x128xf32, #tpu.memory_space<vmem>>) dst(%dma_wait3A_515 : memref<10112x128xf32, #tpu.memory_space<vmem_shared>>)
        %jit3A_516 = arith.constant 32 : i32
        %div3A_517 = arith.divsi %add3A_427, %jit3A_516 : i32
        %sign3A_518 = arith.constant 0 : i32
        %sign3A_519 = arith.cmpi sgt, %add3A_427, %sign3A_518 : i32
        %sign3A_520 = arith.extui %sign3A_519 : i1 to i32
        %sign3A_521 = arith.constant 0 : i32
        %sign3A_522 = arith.cmpi slt, %add3A_427, %sign3A_521 : i32
        %sign3A_523 = arith.extui %sign3A_522 : i1 to i32
        %sign3A_524 = arith.subi %sign3A_520, %sign3A_523 : i32
        %sign3A_525 = arith.constant 0 : i32
        %sign3A_526 = arith.cmpi sgt, %jit3A_516, %sign3A_525 : i32
        %sign3A_527 = arith.extui %sign3A_526 : i1 to i32
        %sign3A_528 = arith.constant 0 : i32
        %sign3A_529 = arith.cmpi slt, %jit3A_516, %sign3A_528 : i32
        %sign3A_530 = arith.extui %sign3A_529 : i1 to i32
        %sign3A_531 = arith.subi %sign3A_527, %sign3A_530 : i32
        %ne3A_532 = arith.cmpi ne, %sign3A_524, %sign3A_531 : i32
        %rem3A_533 = arith.remsi %add3A_427, %jit3A_516 : i32
        %ne3A_534 = arith.constant 0 : i32
        %ne3A_535 = arith.cmpi ne, %rem3A_533, %ne3A_534 : i32
        %and3A_536 = arith.andi %ne3A_532, %ne3A_535 : i1
        %sub3A_537 = arith.constant 1 : i32
        %sub3A_538 = arith.subi %div3A_517, %sub3A_537 : i32
        %select_n3A_539 = arith.select %and3A_536, %sub3A_538, %div3A_517 : i32
        %jit3A_540 = arith.constant 2 : i32
        %eq3A_541 = arith.constant 0 : i32
        %eq3A_542 = arith.cmpi eq, %jit3A_540, %eq3A_541 : i32
        %jit3A_543 = arith.constant 1 : i32
        %select_n3A_544 = arith.select %eq3A_542, %jit3A_543, %jit3A_540 : i32
        %rem3A_545 = arith.remsi %select_n3A_539, %select_n3A_544 : i32
        %ne3A_546 = arith.constant 0 : i32
        %ne3A_547 = arith.cmpi ne, %rem3A_545, %ne3A_546 : i32
        %lt3A_548 = arith.constant 0 : i32
        %lt3A_549 = arith.cmpi slt, %rem3A_545, %lt3A_548 : i32
        %lt3A_550 = arith.constant 0 : i32
        %lt3A_551 = arith.cmpi slt, %select_n3A_544, %lt3A_550 : i32
        %ne3A_552 = arith.xori %lt3A_549, %lt3A_551 : i1
        %and3A_553 = arith.andi %ne3A_552, %ne3A_547 : i1
        %add3A_554 = arith.addi %rem3A_545, %select_n3A_544 : i32
        %select_n3A_555 = arith.select %and3A_553, %add3A_554, %rem3A_545 : i32
        %mul3A_556 = arith.constant 32 : i32
        %mul3A_557 = arith.muli %select_n3A_539, %mul3A_556 : i32
        %sub3A_558 = arith.subi %add3A_427, %mul3A_557 : i32
        %dma_start3A_559 = arith.constant 0 : i32
        %dma_start3A_560 = arith.constant 0 : i32
        %dma_start3A_561 = arith.constant 0 : i32
        %dma_start3A_562 = tpu.memref_slice %arg9[%dma_start3A_559, %dma_start3A_560, %dma_start3A_561] : memref<4x40x128xf32, #tpu.memory_space<vmem>> -> memref<1x40x128xf32, #tpu.memory_space<vmem>>
        %dma_start3A_563 = tpu.memref_squeeze %dma_start3A_562 : memref<1x40x128xf32, #tpu.memory_space<vmem>> -> memref<40x128xf32, #tpu.memory_space<vmem>>
        %dma_start3A_564 = arith.constant 0 : i32
        %dma_start3A_565 = tpu.memref_slice %arg7[%select_n3A_555, %sub3A_558, %dma_start3A_564] : memref<2x32x40xi32, #tpu.memory_space<vmem>> -> memref<1x1x40xi32, #tpu.memory_space<vmem>>
        %dma_start3A_566 = tpu.memref_squeeze %dma_start3A_565 : memref<1x1x40xi32, #tpu.memory_space<vmem>> -> memref<40xi32, #tpu.memory_space<vmem>>
        %dma_start3A_567 = arith.constant 0 : i32
        %dma_start3A_568 = arith.constant 0 : i32
        %dma_start3A_569 = tpu.memref_slice %arg2[%dma_start3A_567, %dma_start3A_568] : memref<10016x128xf32, #tpu.memory_space<hbm>> -> memref<10016x128xf32, #tpu.memory_space<hbm>>
        tpu.enqueue_indirect_dma source(%dma_start3A_569 : memref<10016x128xf32, #tpu.memory_space<hbm>>) target(%dma_start3A_563 : memref<40x128xf32, #tpu.memory_space<vmem>>) offsets(%dma_start3A_566 : memref<40xi32, #tpu.memory_space<vmem>>) semaphore(%arg11 : memref<!tpu.dma_semaphore, #tpu.memory_space<semaphore_mem>>)
      } else {
      }
      %add3A_433 = arith.constant 4 : i32
      %add3A_434 = arith.addi %mul3A_120, %add3A_433 : i32
      %add3A_435 = arith.constant 1 : i32
      %add3A_436 = arith.addi %add3A_434, %add3A_435 : i32
      %lt3A_437 = arith.constant 256 : i32
      %lt3A_438 = arith.cmpi slt, %add3A_436, %lt3A_437 : i32
      %convert_element_type3A_439 = arith.extui %lt3A_438 : i1 to i32
      %cond3A_440 = arith.constant 0 : i32
      %cond3A_441 = arith.cmpi ne, %convert_element_type3A_439, %cond3A_440 : i32
      scf.if %cond3A_441 {
        %add3A_460 = arith.constant 1 : i32
        %add3A_461 = arith.addi %mul3A_120, %add3A_460 : i32
        %jit3A_462 = arith.constant 32 : i32
        %div3A_463 = arith.divsi %add3A_461, %jit3A_462 : i32
        %sign3A_464 = arith.constant 0 : i32
        %sign3A_465 = arith.cmpi sgt, %add3A_461, %sign3A_464 : i32
        %sign3A_466 = arith.extui %sign3A_465 : i1 to i32
        %sign3A_467 = arith.constant 0 : i32
        %sign3A_468 = arith.cmpi slt, %add3A_461, %sign3A_467 : i32
        %sign3A_469 = arith.extui %sign3A_468 : i1 to i32
        %sign3A_470 = arith.subi %sign3A_466, %sign3A_469 : i32
        %sign3A_471 = arith.constant 0 : i32
        %sign3A_472 = arith.cmpi sgt, %jit3A_462, %sign3A_471 : i32
        %sign3A_473 = arith.extui %sign3A_472 : i1 to i32
        %sign3A_474 = arith.constant 0 : i32
        %sign3A_475 = arith.cmpi slt, %jit3A_462, %sign3A_474 : i32
        %sign3A_476 = arith.extui %sign3A_475 : i1 to i32
        %sign3A_477 = arith.subi %sign3A_473, %sign3A_476 : i32
        %ne3A_478 = arith.cmpi ne, %sign3A_470, %sign3A_477 : i32
        %rem3A_479 = arith.remsi %add3A_461, %jit3A_462 : i32
        %ne3A_480 = arith.constant 0 : i32
        %ne3A_481 = arith.cmpi ne, %rem3A_479, %ne3A_480 : i32
        %and3A_482 = arith.andi %ne3A_478, %ne3A_481 : i1
        %sub3A_483 = arith.constant 1 : i32
        %sub3A_484 = arith.subi %div3A_463, %sub3A_483 : i32
        %select_n3A_485 = arith.select %and3A_482, %sub3A_484, %div3A_463 : i32
        %jit3A_486 = arith.constant 2 : i32
        %eq3A_487 = arith.constant 0 : i32
        %eq3A_488 = arith.cmpi eq, %jit3A_486, %eq3A_487 : i32
        %jit3A_489 = arith.constant 1 : i32
        %select_n3A_490 = arith.select %eq3A_488, %jit3A_489, %jit3A_486 : i32
        %rem3A_491 = arith.remsi %select_n3A_485, %select_n3A_490 : i32
        %ne3A_492 = arith.constant 0 : i32
        %ne3A_493 = arith.cmpi ne, %rem3A_491, %ne3A_492 : i32
        %lt3A_494 = arith.constant 0 : i32
        %lt3A_495 = arith.cmpi slt, %rem3A_491, %lt3A_494 : i32
        %lt3A_496 = arith.constant 0 : i32
        %lt3A_497 = arith.cmpi slt, %select_n3A_490, %lt3A_496 : i32
        %ne3A_498 = arith.xori %lt3A_495, %lt3A_497 : i1
        %and3A_499 = arith.andi %ne3A_498, %ne3A_493 : i1
        %add3A_500 = arith.addi %rem3A_491, %select_n3A_490 : i32
        %select_n3A_501 = arith.select %and3A_499, %add3A_500, %rem3A_491 : i32
        %mul3A_502 = arith.constant 32 : i32
        %mul3A_503 = arith.muli %select_n3A_485, %mul3A_502 : i32
        %sub3A_504 = arith.subi %add3A_461, %mul3A_503 : i32
        %dma_wait3A_505 = arith.constant 1 : i32
        %dma_wait3A_506 = arith.constant 0 : i32
        %dma_wait3A_507 = arith.constant 0 : i32
        %dma_wait3A_508 = tpu.memref_slice %arg9[%dma_wait3A_505, %dma_wait3A_506, %dma_wait3A_507] : memref<4x40x128xf32, #tpu.memory_space<vmem>> -> memref<1x40x128xf32, #tpu.memory_space<vmem>>
        %dma_wait3A_509 = tpu.memref_squeeze %dma_wait3A_508 : memref<1x40x128xf32, #tpu.memory_space<vmem>> -> memref<40x128xf32, #tpu.memory_space<vmem>>
        %dma_wait3A_510 = arith.constant 0 : i32
        %dma_wait3A_511 = tpu.memref_slice %arg8[%select_n3A_501, %sub3A_504, %dma_wait3A_510] : memref<2x32x40xi32, #tpu.memory_space<vmem>> -> memref<1x1x40xi32, #tpu.memory_space<vmem>>
        %dma_wait3A_512 = tpu.memref_squeeze %dma_wait3A_511 : memref<1x1x40xi32, #tpu.memory_space<vmem>> -> memref<40xi32, #tpu.memory_space<vmem>>
        %dma_wait3A_513 = arith.constant 0 : i32
        %dma_wait3A_514 = arith.constant 0 : i32
        %dma_wait3A_515 = tpu.memref_slice %arg10[%dma_wait3A_513, %dma_wait3A_514] : memref<10112x128xf32, #tpu.memory_space<vmem_shared>> -> memref<10112x128xf32, #tpu.memory_space<vmem_shared>>
        tpu.wait_indirect_dma semaphore(%arg16 : memref<!tpu.dma_semaphore, #tpu.memory_space<semaphore_mem>>) src(%dma_wait3A_509 : memref<40x128xf32, #tpu.memory_space<vmem>>) dst(%dma_wait3A_515 : memref<10112x128xf32, #tpu.memory_space<vmem_shared>>)
        %jit3A_516 = arith.constant 32 : i32
        %div3A_517 = arith.divsi %add3A_436, %jit3A_516 : i32
        %sign3A_518 = arith.constant 0 : i32
        %sign3A_519 = arith.cmpi sgt, %add3A_436, %sign3A_518 : i32
        %sign3A_520 = arith.extui %sign3A_519 : i1 to i32
        %sign3A_521 = arith.constant 0 : i32
        %sign3A_522 = arith.cmpi slt, %add3A_436, %sign3A_521 : i32
        %sign3A_523 = arith.extui %sign3A_522 : i1 to i32
        %sign3A_524 = arith.subi %sign3A_520, %sign3A_523 : i32
        %sign3A_525 = arith.constant 0 : i32
        %sign3A_526 = arith.cmpi sgt, %jit3A_516, %sign3A_525 : i32
        %sign3A_527 = arith.extui %sign3A_526 : i1 to i32
        %sign3A_528 = arith.constant 0 : i32
        %sign3A_529 = arith.cmpi slt, %jit3A_516, %sign3A_528 : i32
        %sign3A_530 = arith.extui %sign3A_529 : i1 to i32
        %sign3A_531 = arith.subi %sign3A_527, %sign3A_530 : i32
        %ne3A_532 = arith.cmpi ne, %sign3A_524, %sign3A_531 : i32
        %rem3A_533 = arith.remsi %add3A_436, %jit3A_516 : i32
        %ne3A_534 = arith.constant 0 : i32
        %ne3A_535 = arith.cmpi ne, %rem3A_533, %ne3A_534 : i32
        %and3A_536 = arith.andi %ne3A_532, %ne3A_535 : i1
        %sub3A_537 = arith.constant 1 : i32
        %sub3A_538 = arith.subi %div3A_517, %sub3A_537 : i32
        %select_n3A_539 = arith.select %and3A_536, %sub3A_538, %div3A_517 : i32
        %jit3A_540 = arith.constant 2 : i32
        %eq3A_541 = arith.constant 0 : i32
        %eq3A_542 = arith.cmpi eq, %jit3A_540, %eq3A_541 : i32
        %jit3A_543 = arith.constant 1 : i32
        %select_n3A_544 = arith.select %eq3A_542, %jit3A_543, %jit3A_540 : i32
        %rem3A_545 = arith.remsi %select_n3A_539, %select_n3A_544 : i32
        %ne3A_546 = arith.constant 0 : i32
        %ne3A_547 = arith.cmpi ne, %rem3A_545, %ne3A_546 : i32
        %lt3A_548 = arith.constant 0 : i32
        %lt3A_549 = arith.cmpi slt, %rem3A_545, %lt3A_548 : i32
        %lt3A_550 = arith.constant 0 : i32
        %lt3A_551 = arith.cmpi slt, %select_n3A_544, %lt3A_550 : i32
        %ne3A_552 = arith.xori %lt3A_549, %lt3A_551 : i1
        %and3A_553 = arith.andi %ne3A_552, %ne3A_547 : i1
        %add3A_554 = arith.addi %rem3A_545, %select_n3A_544 : i32
        %select_n3A_555 = arith.select %and3A_553, %add3A_554, %rem3A_545 : i32
        %mul3A_556 = arith.constant 32 : i32
        %mul3A_557 = arith.muli %select_n3A_539, %mul3A_556 : i32
        %sub3A_558 = arith.subi %add3A_436, %mul3A_557 : i32
        %dma_start3A_559 = arith.constant 1 : i32
        %dma_start3A_560 = arith.constant 0 : i32
        %dma_start3A_561 = arith.constant 0 : i32
        %dma_start3A_562 = tpu.memref_slice %arg9[%dma_start3A_559, %dma_start3A_560, %dma_start3A_561] : memref<4x40x128xf32, #tpu.memory_space<vmem>> -> memref<1x40x128xf32, #tpu.memory_space<vmem>>
        %dma_start3A_563 = tpu.memref_squeeze %dma_start3A_562 : memref<1x40x128xf32, #tpu.memory_space<vmem>> -> memref<40x128xf32, #tpu.memory_space<vmem>>
        %dma_start3A_564 = arith.constant 0 : i32
        %dma_start3A_565 = tpu.memref_slice %arg7[%select_n3A_555, %sub3A_558, %dma_start3A_564] : memref<2x32x40xi32, #tpu.memory_space<vmem>> -> memref<1x1x40xi32, #tpu.memory_space<vmem>>
        %dma_start3A_566 = tpu.memref_squeeze %dma_start3A_565 : memref<1x1x40xi32, #tpu.memory_space<vmem>> -> memref<40xi32, #tpu.memory_space<vmem>>
        %dma_start3A_567 = arith.constant 0 : i32
        %dma_start3A_568 = arith.constant 0 : i32
        %dma_start3A_569 = tpu.memref_slice %arg2[%dma_start3A_567, %dma_start3A_568] : memref<10016x128xf32, #tpu.memory_space<hbm>> -> memref<10016x128xf32, #tpu.memory_space<hbm>>
        tpu.enqueue_indirect_dma source(%dma_start3A_569 : memref<10016x128xf32, #tpu.memory_space<hbm>>) target(%dma_start3A_563 : memref<40x128xf32, #tpu.memory_space<vmem>>) offsets(%dma_start3A_566 : memref<40xi32, #tpu.memory_space<vmem>>) semaphore(%arg12 : memref<!tpu.dma_semaphore, #tpu.memory_space<semaphore_mem>>)
      } else {
      }
      %add3A_442 = arith.constant 4 : i32
      %add3A_443 = arith.addi %mul3A_120, %add3A_442 : i32
      %add3A_444 = arith.constant 2 : i32
      %add3A_445 = arith.addi %add3A_443, %add3A_444 : i32
      %lt3A_446 = arith.constant 256 : i32
      %lt3A_447 = arith.cmpi slt, %add3A_445, %lt3A_446 : i32
      %convert_element_type3A_448 = arith.extui %lt3A_447 : i1 to i32
      %cond3A_449 = arith.constant 0 : i32
      %cond3A_450 = arith.cmpi ne, %convert_element_type3A_448, %cond3A_449 : i32
      scf.if %cond3A_450 {
        %add3A_460 = arith.constant 2 : i32
        %add3A_461 = arith.addi %mul3A_120, %add3A_460 : i32
        %jit3A_462 = arith.constant 32 : i32
        %div3A_463 = arith.divsi %add3A_461, %jit3A_462 : i32
        %sign3A_464 = arith.constant 0 : i32
        %sign3A_465 = arith.cmpi sgt, %add3A_461, %sign3A_464 : i32
        %sign3A_466 = arith.extui %sign3A_465 : i1 to i32
        %sign3A_467 = arith.constant 0 : i32
        %sign3A_468 = arith.cmpi slt, %add3A_461, %sign3A_467 : i32
        %sign3A_469 = arith.extui %sign3A_468 : i1 to i32
        %sign3A_470 = arith.subi %sign3A_466, %sign3A_469 : i32
        %sign3A_471 = arith.constant 0 : i32
        %sign3A_472 = arith.cmpi sgt, %jit3A_462, %sign3A_471 : i32
        %sign3A_473 = arith.extui %sign3A_472 : i1 to i32
        %sign3A_474 = arith.constant 0 : i32
        %sign3A_475 = arith.cmpi slt, %jit3A_462, %sign3A_474 : i32
        %sign3A_476 = arith.extui %sign3A_475 : i1 to i32
        %sign3A_477 = arith.subi %sign3A_473, %sign3A_476 : i32
        %ne3A_478 = arith.cmpi ne, %sign3A_470, %sign3A_477 : i32
        %rem3A_479 = arith.remsi %add3A_461, %jit3A_462 : i32
        %ne3A_480 = arith.constant 0 : i32
        %ne3A_481 = arith.cmpi ne, %rem3A_479, %ne3A_480 : i32
        %and3A_482 = arith.andi %ne3A_478, %ne3A_481 : i1
        %sub3A_483 = arith.constant 1 : i32
        %sub3A_484 = arith.subi %div3A_463, %sub3A_483 : i32
        %select_n3A_485 = arith.select %and3A_482, %sub3A_484, %div3A_463 : i32
        %jit3A_486 = arith.constant 2 : i32
        %eq3A_487 = arith.constant 0 : i32
        %eq3A_488 = arith.cmpi eq, %jit3A_486, %eq3A_487 : i32
        %jit3A_489 = arith.constant 1 : i32
        %select_n3A_490 = arith.select %eq3A_488, %jit3A_489, %jit3A_486 : i32
        %rem3A_491 = arith.remsi %select_n3A_485, %select_n3A_490 : i32
        %ne3A_492 = arith.constant 0 : i32
        %ne3A_493 = arith.cmpi ne, %rem3A_491, %ne3A_492 : i32
        %lt3A_494 = arith.constant 0 : i32
        %lt3A_495 = arith.cmpi slt, %rem3A_491, %lt3A_494 : i32
        %lt3A_496 = arith.constant 0 : i32
        %lt3A_497 = arith.cmpi slt, %select_n3A_490, %lt3A_496 : i32
        %ne3A_498 = arith.xori %lt3A_495, %lt3A_497 : i1
        %and3A_499 = arith.andi %ne3A_498, %ne3A_493 : i1
        %add3A_500 = arith.addi %rem3A_491, %select_n3A_490 : i32
        %select_n3A_501 = arith.select %and3A_499, %add3A_500, %rem3A_491 : i32
        %mul3A_502 = arith.constant 32 : i32
        %mul3A_503 = arith.muli %select_n3A_485, %mul3A_502 : i32
        %sub3A_504 = arith.subi %add3A_461, %mul3A_503 : i32
        %dma_wait3A_505 = arith.constant 2 : i32
        %dma_wait3A_506 = arith.constant 0 : i32
        %dma_wait3A_507 = arith.constant 0 : i32
        %dma_wait3A_508 = tpu.memref_slice %arg9[%dma_wait3A_505, %dma_wait3A_506, %dma_wait3A_507] : memref<4x40x128xf32, #tpu.memory_space<vmem>> -> memref<1x40x128xf32, #tpu.memory_space<vmem>>
        %dma_wait3A_509 = tpu.memref_squeeze %dma_wait3A_508 : memref<1x40x128xf32, #tpu.memory_space<vmem>> -> memref<40x128xf32, #tpu.memory_space<vmem>>
        %dma_wait3A_510 = arith.constant 0 : i32
        %dma_wait3A_511 = tpu.memref_slice %arg8[%select_n3A_501, %sub3A_504, %dma_wait3A_510] : memref<2x32x40xi32, #tpu.memory_space<vmem>> -> memref<1x1x40xi32, #tpu.memory_space<vmem>>
        %dma_wait3A_512 = tpu.memref_squeeze %dma_wait3A_511 : memref<1x1x40xi32, #tpu.memory_space<vmem>> -> memref<40xi32, #tpu.memory_space<vmem>>
        %dma_wait3A_513 = arith.constant 0 : i32
        %dma_wait3A_514 = arith.constant 0 : i32
        %dma_wait3A_515 = tpu.memref_slice %arg10[%dma_wait3A_513, %dma_wait3A_514] : memref<10112x128xf32, #tpu.memory_space<vmem_shared>> -> memref<10112x128xf32, #tpu.memory_space<vmem_shared>>
        tpu.wait_indirect_dma semaphore(%arg17 : memref<!tpu.dma_semaphore, #tpu.memory_space<semaphore_mem>>) src(%dma_wait3A_509 : memref<40x128xf32, #tpu.memory_space<vmem>>) dst(%dma_wait3A_515 : memref<10112x128xf32, #tpu.memory_space<vmem_shared>>)
        %jit3A_516 = arith.constant 32 : i32
        %div3A_517 = arith.divsi %add3A_445, %jit3A_516 : i32
        %sign3A_518 = arith.constant 0 : i32
        %sign3A_519 = arith.cmpi sgt, %add3A_445, %sign3A_518 : i32
        %sign3A_520 = arith.extui %sign3A_519 : i1 to i32
        %sign3A_521 = arith.constant 0 : i32
        %sign3A_522 = arith.cmpi slt, %add3A_445, %sign3A_521 : i32
        %sign3A_523 = arith.extui %sign3A_522 : i1 to i32
        %sign3A_524 = arith.subi %sign3A_520, %sign3A_523 : i32
        %sign3A_525 = arith.constant 0 : i32
        %sign3A_526 = arith.cmpi sgt, %jit3A_516, %sign3A_525 : i32
        %sign3A_527 = arith.extui %sign3A_526 : i1 to i32
        %sign3A_528 = arith.constant 0 : i32
        %sign3A_529 = arith.cmpi slt, %jit3A_516, %sign3A_528 : i32
        %sign3A_530 = arith.extui %sign3A_529 : i1 to i32
        %sign3A_531 = arith.subi %sign3A_527, %sign3A_530 : i32
        %ne3A_532 = arith.cmpi ne, %sign3A_524, %sign3A_531 : i32
        %rem3A_533 = arith.remsi %add3A_445, %jit3A_516 : i32
        %ne3A_534 = arith.constant 0 : i32
        %ne3A_535 = arith.cmpi ne, %rem3A_533, %ne3A_534 : i32
        %and3A_536 = arith.andi %ne3A_532, %ne3A_535 : i1
        %sub3A_537 = arith.constant 1 : i32
        %sub3A_538 = arith.subi %div3A_517, %sub3A_537 : i32
        %select_n3A_539 = arith.select %and3A_536, %sub3A_538, %div3A_517 : i32
        %jit3A_540 = arith.constant 2 : i32
        %eq3A_541 = arith.constant 0 : i32
        %eq3A_542 = arith.cmpi eq, %jit3A_540, %eq3A_541 : i32
        %jit3A_543 = arith.constant 1 : i32
        %select_n3A_544 = arith.select %eq3A_542, %jit3A_543, %jit3A_540 : i32
        %rem3A_545 = arith.remsi %select_n3A_539, %select_n3A_544 : i32
        %ne3A_546 = arith.constant 0 : i32
        %ne3A_547 = arith.cmpi ne, %rem3A_545, %ne3A_546 : i32
        %lt3A_548 = arith.constant 0 : i32
        %lt3A_549 = arith.cmpi slt, %rem3A_545, %lt3A_548 : i32
        %lt3A_550 = arith.constant 0 : i32
        %lt3A_551 = arith.cmpi slt, %select_n3A_544, %lt3A_550 : i32
        %ne3A_552 = arith.xori %lt3A_549, %lt3A_551 : i1
        %and3A_553 = arith.andi %ne3A_552, %ne3A_547 : i1
        %add3A_554 = arith.addi %rem3A_545, %select_n3A_544 : i32
        %select_n3A_555 = arith.select %and3A_553, %add3A_554, %rem3A_545 : i32
        %mul3A_556 = arith.constant 32 : i32
        %mul3A_557 = arith.muli %select_n3A_539, %mul3A_556 : i32
        %sub3A_558 = arith.subi %add3A_445, %mul3A_557 : i32
        %dma_start3A_559 = arith.constant 2 : i32
        %dma_start3A_560 = arith.constant 0 : i32
        %dma_start3A_561 = arith.constant 0 : i32
        %dma_start3A_562 = tpu.memref_slice %arg9[%dma_start3A_559, %dma_start3A_560, %dma_start3A_561] : memref<4x40x128xf32, #tpu.memory_space<vmem>> -> memref<1x40x128xf32, #tpu.memory_space<vmem>>
        %dma_start3A_563 = tpu.memref_squeeze %dma_start3A_562 : memref<1x40x128xf32, #tpu.memory_space<vmem>> -> memref<40x128xf32, #tpu.memory_space<vmem>>
        %dma_start3A_564 = arith.constant 0 : i32
        %dma_start3A_565 = tpu.memref_slice %arg7[%select_n3A_555, %sub3A_558, %dma_start3A_564] : memref<2x32x40xi32, #tpu.memory_space<vmem>> -> memref<1x1x40xi32, #tpu.memory_space<vmem>>
        %dma_start3A_566 = tpu.memref_squeeze %dma_start3A_565 : memref<1x1x40xi32, #tpu.memory_space<vmem>> -> memref<40xi32, #tpu.memory_space<vmem>>
        %dma_start3A_567 = arith.constant 0 : i32
        %dma_start3A_568 = arith.constant 0 : i32
        %dma_start3A_569 = tpu.memref_slice %arg2[%dma_start3A_567, %dma_start3A_568] : memref<10016x128xf32, #tpu.memory_space<hbm>> -> memref<10016x128xf32, #tpu.memory_space<hbm>>
        tpu.enqueue_indirect_dma source(%dma_start3A_569 : memref<10016x128xf32, #tpu.memory_space<hbm>>) target(%dma_start3A_563 : memref<40x128xf32, #tpu.memory_space<vmem>>) offsets(%dma_start3A_566 : memref<40xi32, #tpu.memory_space<vmem>>) semaphore(%arg13 : memref<!tpu.dma_semaphore, #tpu.memory_space<semaphore_mem>>)
      } else {
      }
      %add3A_451 = arith.constant 4 : i32
      %add3A_452 = arith.addi %mul3A_120, %add3A_451 : i32
      %add3A_453 = arith.constant 3 : i32
      %add3A_454 = arith.addi %add3A_452, %add3A_453 : i32
      %lt3A_455 = arith.constant 256 : i32
      %lt3A_456 = arith.cmpi slt, %add3A_454, %lt3A_455 : i32
      %convert_element_type3A_457 = arith.extui %lt3A_456 : i1 to i32
      %cond3A_458 = arith.constant 0 : i32
      %cond3A_459 = arith.cmpi ne, %convert_element_type3A_457, %cond3A_458 : i32
      scf.if %cond3A_459 {
        %add3A_460 = arith.constant 3 : i32
        %add3A_461 = arith.addi %mul3A_120, %add3A_460 : i32
        %jit3A_462 = arith.constant 32 : i32
        %div3A_463 = arith.divsi %add3A_461, %jit3A_462 : i32
        %sign3A_464 = arith.constant 0 : i32
        %sign3A_465 = arith.cmpi sgt, %add3A_461, %sign3A_464 : i32
        %sign3A_466 = arith.extui %sign3A_465 : i1 to i32
        %sign3A_467 = arith.constant 0 : i32
        %sign3A_468 = arith.cmpi slt, %add3A_461, %sign3A_467 : i32
        %sign3A_469 = arith.extui %sign3A_468 : i1 to i32
        %sign3A_470 = arith.subi %sign3A_466, %sign3A_469 : i32
        %sign3A_471 = arith.constant 0 : i32
        %sign3A_472 = arith.cmpi sgt, %jit3A_462, %sign3A_471 : i32
        %sign3A_473 = arith.extui %sign3A_472 : i1 to i32
        %sign3A_474 = arith.constant 0 : i32
        %sign3A_475 = arith.cmpi slt, %jit3A_462, %sign3A_474 : i32
        %sign3A_476 = arith.extui %sign3A_475 : i1 to i32
        %sign3A_477 = arith.subi %sign3A_473, %sign3A_476 : i32
        %ne3A_478 = arith.cmpi ne, %sign3A_470, %sign3A_477 : i32
        %rem3A_479 = arith.remsi %add3A_461, %jit3A_462 : i32
        %ne3A_480 = arith.constant 0 : i32
        %ne3A_481 = arith.cmpi ne, %rem3A_479, %ne3A_480 : i32
        %and3A_482 = arith.andi %ne3A_478, %ne3A_481 : i1
        %sub3A_483 = arith.constant 1 : i32
        %sub3A_484 = arith.subi %div3A_463, %sub3A_483 : i32
        %select_n3A_485 = arith.select %and3A_482, %sub3A_484, %div3A_463 : i32
        %jit3A_486 = arith.constant 2 : i32
        %eq3A_487 = arith.constant 0 : i32
        %eq3A_488 = arith.cmpi eq, %jit3A_486, %eq3A_487 : i32
        %jit3A_489 = arith.constant 1 : i32
        %select_n3A_490 = arith.select %eq3A_488, %jit3A_489, %jit3A_486 : i32
        %rem3A_491 = arith.remsi %select_n3A_485, %select_n3A_490 : i32
        %ne3A_492 = arith.constant 0 : i32
        %ne3A_493 = arith.cmpi ne, %rem3A_491, %ne3A_492 : i32
        %lt3A_494 = arith.constant 0 : i32
        %lt3A_495 = arith.cmpi slt, %rem3A_491, %lt3A_494 : i32
        %lt3A_496 = arith.constant 0 : i32
        %lt3A_497 = arith.cmpi slt, %select_n3A_490, %lt3A_496 : i32
        %ne3A_498 = arith.xori %lt3A_495, %lt3A_497 : i1
        %and3A_499 = arith.andi %ne3A_498, %ne3A_493 : i1
        %add3A_500 = arith.addi %rem3A_491, %select_n3A_490 : i32
        %select_n3A_501 = arith.select %and3A_499, %add3A_500, %rem3A_491 : i32
        %mul3A_502 = arith.constant 32 : i32
        %mul3A_503 = arith.muli %select_n3A_485, %mul3A_502 : i32
        %sub3A_504 = arith.subi %add3A_461, %mul3A_503 : i32
        %dma_wait3A_505 = arith.constant 3 : i32
        %dma_wait3A_506 = arith.constant 0 : i32
        %dma_wait3A_507 = arith.constant 0 : i32
        %dma_wait3A_508 = tpu.memref_slice %arg9[%dma_wait3A_505, %dma_wait3A_506, %dma_wait3A_507] : memref<4x40x128xf32, #tpu.memory_space<vmem>> -> memref<1x40x128xf32, #tpu.memory_space<vmem>>
        %dma_wait3A_509 = tpu.memref_squeeze %dma_wait3A_508 : memref<1x40x128xf32, #tpu.memory_space<vmem>> -> memref<40x128xf32, #tpu.memory_space<vmem>>
        %dma_wait3A_510 = arith.constant 0 : i32
        %dma_wait3A_511 = tpu.memref_slice %arg8[%select_n3A_501, %sub3A_504, %dma_wait3A_510] : memref<2x32x40xi32, #tpu.memory_space<vmem>> -> memref<1x1x40xi32, #tpu.memory_space<vmem>>
        %dma_wait3A_512 = tpu.memref_squeeze %dma_wait3A_511 : memref<1x1x40xi32, #tpu.memory_space<vmem>> -> memref<40xi32, #tpu.memory_space<vmem>>
        %dma_wait3A_513 = arith.constant 0 : i32
        %dma_wait3A_514 = arith.constant 0 : i32
        %dma_wait3A_515 = tpu.memref_slice %arg10[%dma_wait3A_513, %dma_wait3A_514] : memref<10112x128xf32, #tpu.memory_space<vmem_shared>> -> memref<10112x128xf32, #tpu.memory_space<vmem_shared>>
        tpu.wait_indirect_dma semaphore(%arg18 : memref<!tpu.dma_semaphore, #tpu.memory_space<semaphore_mem>>) src(%dma_wait3A_509 : memref<40x128xf32, #tpu.memory_space<vmem>>) dst(%dma_wait3A_515 : memref<10112x128xf32, #tpu.memory_space<vmem_shared>>)
        %jit3A_516 = arith.constant 32 : i32
        %div3A_517 = arith.divsi %add3A_454, %jit3A_516 : i32
        %sign3A_518 = arith.constant 0 : i32
        %sign3A_519 = arith.cmpi sgt, %add3A_454, %sign3A_518 : i32
        %sign3A_520 = arith.extui %sign3A_519 : i1 to i32
        %sign3A_521 = arith.constant 0 : i32
        %sign3A_522 = arith.cmpi slt, %add3A_454, %sign3A_521 : i32
        %sign3A_523 = arith.extui %sign3A_522 : i1 to i32
        %sign3A_524 = arith.subi %sign3A_520, %sign3A_523 : i32
        %sign3A_525 = arith.constant 0 : i32
        %sign3A_526 = arith.cmpi sgt, %jit3A_516, %sign3A_525 : i32
        %sign3A_527 = arith.extui %sign3A_526 : i1 to i32
        %sign3A_528 = arith.constant 0 : i32
        %sign3A_529 = arith.cmpi slt, %jit3A_516, %sign3A_528 : i32
        %sign3A_530 = arith.extui %sign3A_529 : i1 to i32
        %sign3A_531 = arith.subi %sign3A_527, %sign3A_530 : i32
        %ne3A_532 = arith.cmpi ne, %sign3A_524, %sign3A_531 : i32
        %rem3A_533 = arith.remsi %add3A_454, %jit3A_516 : i32
        %ne3A_534 = arith.constant 0 : i32
        %ne3A_535 = arith.cmpi ne, %rem3A_533, %ne3A_534 : i32
        %and3A_536 = arith.andi %ne3A_532, %ne3A_535 : i1
        %sub3A_537 = arith.constant 1 : i32
        %sub3A_538 = arith.subi %div3A_517, %sub3A_537 : i32
        %select_n3A_539 = arith.select %and3A_536, %sub3A_538, %div3A_517 : i32
        %jit3A_540 = arith.constant 2 : i32
        %eq3A_541 = arith.constant 0 : i32
        %eq3A_542 = arith.cmpi eq, %jit3A_540, %eq3A_541 : i32
        %jit3A_543 = arith.constant 1 : i32
        %select_n3A_544 = arith.select %eq3A_542, %jit3A_543, %jit3A_540 : i32
        %rem3A_545 = arith.remsi %select_n3A_539, %select_n3A_544 : i32
        %ne3A_546 = arith.constant 0 : i32
        %ne3A_547 = arith.cmpi ne, %rem3A_545, %ne3A_546 : i32
        %lt3A_548 = arith.constant 0 : i32
        %lt3A_549 = arith.cmpi slt, %rem3A_545, %lt3A_548 : i32
        %lt3A_550 = arith.constant 0 : i32
        %lt3A_551 = arith.cmpi slt, %select_n3A_544, %lt3A_550 : i32
        %ne3A_552 = arith.xori %lt3A_549, %lt3A_551 : i1
        %and3A_553 = arith.andi %ne3A_552, %ne3A_547 : i1
        %add3A_554 = arith.addi %rem3A_545, %select_n3A_544 : i32
        %select_n3A_555 = arith.select %and3A_553, %add3A_554, %rem3A_545 : i32
        %mul3A_556 = arith.constant 32 : i32
        %mul3A_557 = arith.muli %select_n3A_539, %mul3A_556 : i32
        %sub3A_558 = arith.subi %add3A_454, %mul3A_557 : i32
        %dma_start3A_559 = arith.constant 3 : i32
        %dma_start3A_560 = arith.constant 0 : i32
        %dma_start3A_561 = arith.constant 0 : i32
        %dma_start3A_562 = tpu.memref_slice %arg9[%dma_start3A_559, %dma_start3A_560, %dma_start3A_561] : memref<4x40x128xf32, #tpu.memory_space<vmem>> -> memref<1x40x128xf32, #tpu.memory_space<vmem>>
        %dma_start3A_563 = tpu.memref_squeeze %dma_start3A_562 : memref<1x40x128xf32, #tpu.memory_space<vmem>> -> memref<40x128xf32, #tpu.memory_space<vmem>>
        %dma_start3A_564 = arith.constant 0 : i32
        %dma_start3A_565 = tpu.memref_slice %arg7[%select_n3A_555, %sub3A_558, %dma_start3A_564] : memref<2x32x40xi32, #tpu.memory_space<vmem>> -> memref<1x1x40xi32, #tpu.memory_space<vmem>>
        %dma_start3A_566 = tpu.memref_squeeze %dma_start3A_565 : memref<1x1x40xi32, #tpu.memory_space<vmem>> -> memref<40xi32, #tpu.memory_space<vmem>>
        %dma_start3A_567 = arith.constant 0 : i32
        %dma_start3A_568 = arith.constant 0 : i32
        %dma_start3A_569 = tpu.memref_slice %arg2[%dma_start3A_567, %dma_start3A_568] : memref<10016x128xf32, #tpu.memory_space<hbm>> -> memref<10016x128xf32, #tpu.memory_space<hbm>>
        tpu.enqueue_indirect_dma source(%dma_start3A_569 : memref<10016x128xf32, #tpu.memory_space<hbm>>) target(%dma_start3A_563 : memref<40x128xf32, #tpu.memory_space<vmem>>) offsets(%dma_start3A_566 : memref<40xi32, #tpu.memory_space<vmem>>) semaphore(%arg14 : memref<!tpu.dma_semaphore, #tpu.memory_space<semaphore_mem>>)
      } else {
      }
    }
    %scan3A_61 = arith.constant 64 : i32
    %dma_wait3A = arith.constant 0 : i32
    %dma_wait3A_62 = arith.constant 1 : i32
    %dma_wait3A_63 = arith.constant 28 : i32
    %dma_wait3A_64 = arith.constant 0 : i32
    %dma_wait3A_65 = arith.constant 0 : i32
    %dma_wait3A_66 = tpu.memref_slice %arg9[%dma_wait3A, %dma_wait3A_64, %dma_wait3A_65] : memref<4x40x128xf32, #tpu.memory_space<vmem>> -> memref<1x40x128xf32, #tpu.memory_space<vmem>>
    %dma_wait3A_67 = tpu.memref_squeeze %dma_wait3A_66 : memref<1x40x128xf32, #tpu.memory_space<vmem>> -> memref<40x128xf32, #tpu.memory_space<vmem>>
    %dma_wait3A_68 = arith.constant 0 : i32
    %dma_wait3A_69 = tpu.memref_slice %arg8[%dma_wait3A_62, %dma_wait3A_63, %dma_wait3A_68] : memref<2x32x40xi32, #tpu.memory_space<vmem>> -> memref<1x1x40xi32, #tpu.memory_space<vmem>>
    %dma_wait3A_70 = tpu.memref_squeeze %dma_wait3A_69 : memref<1x1x40xi32, #tpu.memory_space<vmem>> -> memref<40xi32, #tpu.memory_space<vmem>>
    %dma_wait3A_71 = arith.constant 0 : i32
    %dma_wait3A_72 = arith.constant 0 : i32
    %dma_wait3A_73 = tpu.memref_slice %arg10[%dma_wait3A_71, %dma_wait3A_72] : memref<10112x128xf32, #tpu.memory_space<vmem_shared>> -> memref<10112x128xf32, #tpu.memory_space<vmem_shared>>
    tpu.wait_indirect_dma semaphore(%arg15 : memref<!tpu.dma_semaphore, #tpu.memory_space<semaphore_mem>>) src(%dma_wait3A_67 : memref<40x128xf32, #tpu.memory_space<vmem>>) dst(%dma_wait3A_73 : memref<10112x128xf32, #tpu.memory_space<vmem_shared>>)
    %dma_wait3A_74 = arith.constant 1 : i32
    %dma_wait3A_75 = arith.constant 1 : i32
    %dma_wait3A_76 = arith.constant 29 : i32
    %dma_wait3A_77 = arith.constant 0 : i32
    %dma_wait3A_78 = arith.constant 0 : i32
    %dma_wait3A_79 = tpu.memref_slice %arg9[%dma_wait3A_74, %dma_wait3A_77, %dma_wait3A_78] : memref<4x40x128xf32, #tpu.memory_space<vmem>> -> memref<1x40x128xf32, #tpu.memory_space<vmem>>
    %dma_wait3A_80 = tpu.memref_squeeze %dma_wait3A_79 : memref<1x40x128xf32, #tpu.memory_space<vmem>> -> memref<40x128xf32, #tpu.memory_space<vmem>>
    %dma_wait3A_81 = arith.constant 0 : i32
    %dma_wait3A_82 = tpu.memref_slice %arg8[%dma_wait3A_75, %dma_wait3A_76, %dma_wait3A_81] : memref<2x32x40xi32, #tpu.memory_space<vmem>> -> memref<1x1x40xi32, #tpu.memory_space<vmem>>
    %dma_wait3A_83 = tpu.memref_squeeze %dma_wait3A_82 : memref<1x1x40xi32, #tpu.memory_space<vmem>> -> memref<40xi32, #tpu.memory_space<vmem>>
    %dma_wait3A_84 = arith.constant 0 : i32
    %dma_wait3A_85 = arith.constant 0 : i32
    %dma_wait3A_86 = tpu.memref_slice %arg10[%dma_wait3A_84, %dma_wait3A_85] : memref<10112x128xf32, #tpu.memory_space<vmem_shared>> -> memref<10112x128xf32, #tpu.memory_space<vmem_shared>>
    tpu.wait_indirect_dma semaphore(%arg16 : memref<!tpu.dma_semaphore, #tpu.memory_space<semaphore_mem>>) src(%dma_wait3A_80 : memref<40x128xf32, #tpu.memory_space<vmem>>) dst(%dma_wait3A_86 : memref<10112x128xf32, #tpu.memory_space<vmem_shared>>)
    %dma_wait3A_87 = arith.constant 2 : i32
    %dma_wait3A_88 = arith.constant 1 : i32
    %dma_wait3A_89 = arith.constant 30 : i32
    %dma_wait3A_90 = arith.constant 0 : i32
    %dma_wait3A_91 = arith.constant 0 : i32
    %dma_wait3A_92 = tpu.memref_slice %arg9[%dma_wait3A_87, %dma_wait3A_90, %dma_wait3A_91] : memref<4x40x128xf32, #tpu.memory_space<vmem>> -> memref<1x40x128xf32, #tpu.memory_space<vmem>>
    %dma_wait3A_93 = tpu.memref_squeeze %dma_wait3A_92 : memref<1x40x128xf32, #tpu.memory_space<vmem>> -> memref<40x128xf32, #tpu.memory_space<vmem>>
    %dma_wait3A_94 = arith.constant 0 : i32
    %dma_wait3A_95 = tpu.memref_slice %arg8[%dma_wait3A_88, %dma_wait3A_89, %dma_wait3A_94] : memref<2x32x40xi32, #tpu.memory_space<vmem>> -> memref<1x1x40xi32, #tpu.memory_space<vmem>>
    %dma_wait3A_96 = tpu.memref_squeeze %dma_wait3A_95 : memref<1x1x40xi32, #tpu.memory_space<vmem>> -> memref<40xi32, #tpu.memory_space<vmem>>
    %dma_wait3A_97 = arith.constant 0 : i32
    %dma_wait3A_98 = arith.constant 0 : i32
    %dma_wait3A_99 = tpu.memref_slice %arg10[%dma_wait3A_97, %dma_wait3A_98] : memref<10112x128xf32, #tpu.memory_space<vmem_shared>> -> memref<10112x128xf32, #tpu.memory_space<vmem_shared>>
    tpu.wait_indirect_dma semaphore(%arg17 : memref<!tpu.dma_semaphore, #tpu.memory_space<semaphore_mem>>) src(%dma_wait3A_93 : memref<40x128xf32, #tpu.memory_space<vmem>>) dst(%dma_wait3A_99 : memref<10112x128xf32, #tpu.memory_space<vmem_shared>>)
    %dma_wait3A_100 = arith.constant 3 : i32
    %dma_wait3A_101 = arith.constant 1 : i32
    %dma_wait3A_102 = arith.constant 31 : i32
    %dma_wait3A_103 = arith.constant 0 : i32
    %dma_wait3A_104 = arith.constant 0 : i32
    %dma_wait3A_105 = tpu.memref_slice %arg9[%dma_wait3A_100, %dma_wait3A_103, %dma_wait3A_104] : memref<4x40x128xf32, #tpu.memory_space<vmem>> -> memref<1x40x128xf32, #tpu.memory_space<vmem>>
    %dma_wait3A_106 = tpu.memref_squeeze %dma_wait3A_105 : memref<1x40x128xf32, #tpu.memory_space<vmem>> -> memref<40x128xf32, #tpu.memory_space<vmem>>
    %dma_wait3A_107 = arith.constant 0 : i32
    %dma_wait3A_108 = tpu.memref_slice %arg8[%dma_wait3A_101, %dma_wait3A_102, %dma_wait3A_107] : memref<2x32x40xi32, #tpu.memory_space<vmem>> -> memref<1x1x40xi32, #tpu.memory_space<vmem>>
    %dma_wait3A_109 = tpu.memref_squeeze %dma_wait3A_108 : memref<1x1x40xi32, #tpu.memory_space<vmem>> -> memref<40xi32, #tpu.memory_space<vmem>>
    %dma_wait3A_110 = arith.constant 0 : i32
    %dma_wait3A_111 = arith.constant 0 : i32
    %dma_wait3A_112 = tpu.memref_slice %arg10[%dma_wait3A_110, %dma_wait3A_111] : memref<10112x128xf32, #tpu.memory_space<vmem_shared>> -> memref<10112x128xf32, #tpu.memory_space<vmem_shared>>
    tpu.wait_indirect_dma semaphore(%arg18 : memref<!tpu.dma_semaphore, #tpu.memory_space<semaphore_mem>>) src(%dma_wait3A_106 : memref<40x128xf32, #tpu.memory_space<vmem>>) dst(%dma_wait3A_112 : memref<10112x128xf32, #tpu.memory_space<vmem_shared>>)
    %barrier3A_113 = arith.constant 0 : index
    tpu.barrier barrier_id(%barrier3A_113)
    %mul3A_114 = arith.constant 632 : i32
    %mul3A_115 = arith.muli %arg1, %mul3A_114 : i32
    %mul3A_116 = arith.constant 632 : i32
    %mul3A_117 = arith.muli %arg1, %mul3A_116 : i32
    "tpu.region"() ({
      %run_scoped3A_118 = tpu.sem_alloc : memref<!tpu.dma_semaphore, #tpu.memory_space<semaphore_mem>>
      %dma_start3A_119 = arith.constant 0 : i32
      %dma_start3A_120 = tpu.memref_slice %arg6[%arg0, %mul3A_117, %dma_start3A_119] : memref<2x10112x128xf32, #tpu.memory_space<hbm>> -> memref<1x632x128xf32, #tpu.memory_space<hbm>>
      %dma_start3A_121 = tpu.memref_squeeze %dma_start3A_120 : memref<1x632x128xf32, #tpu.memory_space<hbm>> -> memref<632x128xf32, #tpu.memory_space<hbm>>
      %dma_start3A_122 = arith.constant 0 : i32
      %dma_start3A_123 = tpu.memref_slice %arg10[%mul3A_115, %dma_start3A_122] : memref<10112x128xf32, #tpu.memory_space<vmem_shared>> -> memref<632x128xf32, #tpu.memory_space<vmem_shared>>
      tpu.enqueue_dma source(%dma_start3A_123 : memref<632x128xf32, #tpu.memory_space<vmem_shared>>) target(%dma_start3A_121 : memref<632x128xf32, #tpu.memory_space<hbm>>) target_semaphore(%run_scoped3A_118 : memref<!tpu.dma_semaphore, #tpu.memory_space<semaphore_mem>>)
      %dma_wait3A_124 = arith.constant 0 : i32
      %dma_wait3A_125 = tpu.memref_slice %arg6[%arg0, %mul3A_117, %dma_wait3A_124] : memref<2x10112x128xf32, #tpu.memory_space<hbm>> -> memref<1x632x128xf32, #tpu.memory_space<hbm>>
      %dma_wait3A_126 = tpu.memref_squeeze %dma_wait3A_125 : memref<1x632x128xf32, #tpu.memory_space<hbm>> -> memref<632x128xf32, #tpu.memory_space<hbm>>
      %dma_wait3A_127 = arith.constant 0 : i32
      %dma_wait3A_128 = tpu.memref_slice %arg10[%mul3A_115, %dma_wait3A_127] : memref<10112x128xf32, #tpu.memory_space<vmem_shared>> -> memref<632x128xf32, #tpu.memory_space<vmem_shared>>
      tpu.wait_dma2 semaphore(%run_scoped3A_118 : memref<!tpu.dma_semaphore, #tpu.memory_space<semaphore_mem>>) src(%dma_wait3A_128 : memref<632x128xf32, #tpu.memory_space<vmem_shared>>) dst(%dma_wait3A_126 : memref<632x128xf32, #tpu.memory_space<hbm>>)
      tpu.yield
    }) : () -> ()
    return
  }
}

#map = affine_map<(d0, d1) -> (0, 0)>
#map1 = affine_map<(d0, d1) -> (0, 0, 0)>
module attributes {stable_mosaic.version = 14 : i64} {
  func.func @msg_kernel(%arg0: i32, %arg1: i32, %arg2: memref<10016x128xf32, #tpu.memory_space<hbm>>, %arg3: memref<8192x40xi32, #tpu.memory_space<hbm>>, %arg4: memref<8192x40xi32, #tpu.memory_space<hbm>>, %arg5: memref<632x128xf32, #tpu.memory_space<hbm>>, %arg6: memref<2x10112x128xf32, #tpu.memory_space<hbm>>, %arg7: memref<2x32x40xi32, #tpu.memory_space<vmem>>, %arg8: memref<2x32x40xi32, #tpu.memory_space<vmem>>, %arg9: memref<4x40x128xf32, #tpu.memory_space<vmem>>, %arg10: memref<10112x128xf32, #tpu.memory_space<vmem_shared>>, %arg11: memref<!tpu.dma_semaphore, #tpu.memory_space<semaphore_mem>>, %arg12: memref<!tpu.dma_semaphore, #tpu.memory_space<semaphore_mem>>, %arg13: memref<!tpu.dma_semaphore, #tpu.memory_space<semaphore_mem>>, %arg14: memref<!tpu.dma_semaphore, #tpu.memory_space<semaphore_mem>>, %arg15: memref<!tpu.dma_semaphore, #tpu.memory_space<semaphore_mem>>, %arg16: memref<!tpu.dma_semaphore, #tpu.memory_space<semaphore_mem>>, %arg17: memref<!tpu.dma_semaphore, #tpu.memory_space<semaphore_mem>>, %arg18: memref<!tpu.dma_semaphore, #tpu.memory_space<semaphore_mem>>, %arg19: memref<!tpu.dma_semaphore, #tpu.memory_space<semaphore_mem>>, %arg20: memref<!tpu.dma_semaphore, #tpu.memory_space<semaphore_mem>>) attributes {dimension_semantics = [#tpu.dimension_semantics<core_parallel>, #tpu.dimension_semantics<subcore_parallel>], iteration_bounds = array<i64: 2, 16>, scalar_prefetch = 0 : i64, scratch_operands = 14 : i64, tpu.core_type = #tpu.core_type<sc_vector_subcore>, window_params = [{transform_indices = #map}, {transform_indices = #map}, {transform_indices = #map}, {transform_indices = #map}, {transform_indices = #map1}]} {
    %mul3A = arith.constant 16 : i32
    %mul3A_0 = arith.muli %arg0, %mul3A : i32
    %add3A = arith.addi %mul3A_0, %arg1 : i32
    %mul3A_1 = arith.constant 256 : i32
    %mul3A_2 = arith.muli %add3A, %mul3A_1 : i32
    %mul3A_3 = arith.constant 632 : i32
    %mul3A_4 = arith.muli %arg1, %mul3A_3 : i32
    "tpu.region"() ({
      %run_scoped3A_118 = tpu.sem_alloc : memref<!tpu.dma_semaphore, #tpu.memory_space<semaphore_mem>>
      %dma_start3A_119 = arith.constant 0 : i32
      %dma_start3A_120 = tpu.memref_slice %arg10[%mul3A_4, %dma_start3A_119] : memref<10112x128xf32, #tpu.memory_space<vmem_shared>> -> memref<632x128xf32, #tpu.memory_space<vmem_shared>>
      tpu.enqueue_dma source(%arg5 : memref<632x128xf32, #tpu.memory_space<hbm>>) target(%dma_start3A_120 : memref<632x128xf32, #tpu.memory_space<vmem_shared>>) target_semaphore(%run_scoped3A_118 : memref<!tpu.dma_semaphore, #tpu.memory_space<semaphore_mem>>)
      %dma_wait3A_121 = arith.constant 0 : i32
      %dma_wait3A_122 = tpu.memref_slice %arg10[%mul3A_4, %dma_wait3A_121] : memref<10112x128xf32, #tpu.memory_space<vmem_shared>> -> memref<632x128xf32, #tpu.memory_space<vmem_shared>>
      tpu.wait_dma2 semaphore(%run_scoped3A_118 : memref<!tpu.dma_semaphore, #tpu.memory_space<semaphore_mem>>) src(%arg5 : memref<632x128xf32, #tpu.memory_space<hbm>>) dst(%dma_wait3A_122 : memref<632x128xf32, #tpu.memory_space<vmem_shared>>)
      tpu.yield
    }) : () -> ()
    %barrier3A = arith.constant 0 : index
    tpu.barrier barrier_id(%barrier3A)
    %run_scoped3A = arith.constant 0 : i32
    "tpu.region"() ({
      %run_scoped3A_118 = tpu.sem_alloc : memref<!tpu.dma_semaphore, #tpu.memory_space<semaphore_mem>>
      %dma_start3A_119 = arith.constant 0 : i32
      %dma_start3A_120 = arith.constant 0 : i32
      %dma_start3A_121 = tpu.memref_slice %arg7[%run_scoped3A, %dma_start3A_119, %dma_start3A_120] : memref<2x32x40xi32, #tpu.memory_space<vmem>> -> memref<1x32x40xi32, #tpu.memory_space<vmem>>
      %dma_start3A_122 = tpu.memref_squeeze %dma_start3A_121 : memref<1x32x40xi32, #tpu.memory_space<vmem>> -> memref<32x40xi32, #tpu.memory_space<vmem>>
      %dma_start3A_123 = arith.constant 0 : i32
      %dma_start3A_124 = tpu.memref_slice %arg3[%mul3A_2, %dma_start3A_123] : memref<8192x40xi32, #tpu.memory_space<hbm>> -> memref<32x40xi32, #tpu.memory_space<hbm>>
      %dma_start3A_125 = arith.constant 0 : i32
      %dma_start3A_126 = arith.constant 0 : i32
      %dma_start3A_127 = tpu.memref_slice %arg7[%run_scoped3A, %dma_start3A_125, %dma_start3A_126] : memref<2x32x40xi32, #tpu.memory_space<vmem>> -> memref<1x32x40xi32, #tpu.memory_space<vmem>>
      %dma_start3A_128 = tpu.memref_squeeze %dma_start3A_127 : memref<1x32x40xi32, #tpu.memory_space<vmem>> -> memref<32x40xi32, #tpu.memory_space<vmem>>
      %dma_start3A_129 = arith.constant 0 : i32
      %dma_start3A_130 = tpu.memref_slice %arg3[%mul3A_2, %dma_start3A_129] : memref<8192x40xi32, #tpu.memory_space<hbm>> -> memref<32x40xi32, #tpu.memory_space<hbm>>
      tpu.enqueue_dma source(%dma_start3A_130 : memref<32x40xi32, #tpu.memory_space<hbm>>) target(%dma_start3A_128 : memref<32x40xi32, #tpu.memory_space<vmem>>) target_semaphore(%run_scoped3A_118 : memref<!tpu.dma_semaphore, #tpu.memory_space<semaphore_mem>>)
      %dma_wait3A_131 = arith.constant 0 : i32
      %dma_wait3A_132 = arith.constant 0 : i32
      %dma_wait3A_133 = tpu.memref_slice %arg7[%run_scoped3A, %dma_wait3A_131, %dma_wait3A_132] : memref<2x32x40xi32, #tpu.memory_space<vmem>> -> memref<1x32x40xi32, #tpu.memory_space<vmem>>
      %dma_wait3A_134 = tpu.memref_squeeze %dma_wait3A_133 : memref<1x32x40xi32, #tpu.memory_space<vmem>> -> memref<32x40xi32, #tpu.memory_space<vmem>>
      %dma_wait3A_135 = arith.constant 0 : i32
      %dma_wait3A_136 = tpu.memref_slice %arg3[%mul3A_2, %dma_wait3A_135] : memref<8192x40xi32, #tpu.memory_space<hbm>> -> memref<32x40xi32, #tpu.memory_space<hbm>>
      %dma_wait3A_137 = arith.constant 0 : i32
      %dma_wait3A_138 = arith.constant 0 : i32
      %dma_wait3A_139 = tpu.memref_slice %arg7[%run_scoped3A, %dma_wait3A_137, %dma_wait3A_138] : memref<2x32x40xi32, #tpu.memory_space<vmem>> -> memref<1x32x40xi32, #tpu.memory_space<vmem>>
      %dma_wait3A_140 = tpu.memref_squeeze %dma_wait3A_139 : memref<1x32x40xi32, #tpu.memory_space<vmem>> -> memref<32x40xi32, #tpu.memory_space<vmem>>
      %dma_wait3A_141 = arith.constant 0 : i32
      %dma_wait3A_142 = tpu.memref_slice %arg3[%mul3A_2, %dma_wait3A_141] : memref<8192x40xi32, #tpu.memory_space<hbm>> -> memref<32x40xi32, #tpu.memory_space<hbm>>
      tpu.wait_dma2 semaphore(%run_scoped3A_118 : memref<!tpu.dma_semaphore, #tpu.memory_space<semaphore_mem>>) src(%dma_wait3A_142 : memref<32x40xi32, #tpu.memory_space<hbm>>) dst(%dma_wait3A_140 : memref<32x40xi32, #tpu.memory_space<vmem>>)
      tpu.yield
    }) : () -> ()
    %run_scoped3A_5 = arith.constant 0 : i32
    "tpu.region"() ({
      %run_scoped3A_118 = tpu.sem_alloc : memref<!tpu.dma_semaphore, #tpu.memory_space<semaphore_mem>>
      %dma_start3A_119 = arith.constant 0 : i32
      %dma_start3A_120 = arith.constant 0 : i32
      %dma_start3A_121 = tpu.memref_slice %arg8[%run_scoped3A_5, %dma_start3A_119, %dma_start3A_120] : memref<2x32x40xi32, #tpu.memory_space<vmem>> -> memref<1x32x40xi32, #tpu.memory_space<vmem>>
      %dma_start3A_122 = tpu.memref_squeeze %dma_start3A_121 : memref<1x32x40xi32, #tpu.memory_space<vmem>> -> memref<32x40xi32, #tpu.memory_space<vmem>>
      %dma_start3A_123 = arith.constant 0 : i32
      %dma_start3A_124 = tpu.memref_slice %arg4[%mul3A_2, %dma_start3A_123] : memref<8192x40xi32, #tpu.memory_space<hbm>> -> memref<32x40xi32, #tpu.memory_space<hbm>>
      %dma_start3A_125 = arith.constant 0 : i32
      %dma_start3A_126 = arith.constant 0 : i32
      %dma_start3A_127 = tpu.memref_slice %arg8[%run_scoped3A_5, %dma_start3A_125, %dma_start3A_126] : memref<2x32x40xi32, #tpu.memory_space<vmem>> -> memref<1x32x40xi32, #tpu.memory_space<vmem>>
      %dma_start3A_128 = tpu.memref_squeeze %dma_start3A_127 : memref<1x32x40xi32, #tpu.memory_space<vmem>> -> memref<32x40xi32, #tpu.memory_space<vmem>>
      %dma_start3A_129 = arith.constant 0 : i32
      %dma_start3A_130 = tpu.memref_slice %arg4[%mul3A_2, %dma_start3A_129] : memref<8192x40xi32, #tpu.memory_space<hbm>> -> memref<32x40xi32, #tpu.memory_space<hbm>>
      tpu.enqueue_dma source(%dma_start3A_130 : memref<32x40xi32, #tpu.memory_space<hbm>>) target(%dma_start3A_128 : memref<32x40xi32, #tpu.memory_space<vmem>>) target_semaphore(%run_scoped3A_118 : memref<!tpu.dma_semaphore, #tpu.memory_space<semaphore_mem>>)
      %dma_wait3A_131 = arith.constant 0 : i32
      %dma_wait3A_132 = arith.constant 0 : i32
      %dma_wait3A_133 = tpu.memref_slice %arg8[%run_scoped3A_5, %dma_wait3A_131, %dma_wait3A_132] : memref<2x32x40xi32, #tpu.memory_space<vmem>> -> memref<1x32x40xi32, #tpu.memory_space<vmem>>
      %dma_wait3A_134 = tpu.memref_squeeze %dma_wait3A_133 : memref<1x32x40xi32, #tpu.memory_space<vmem>> -> memref<32x40xi32, #tpu.memory_space<vmem>>
      %dma_wait3A_135 = arith.constant 0 : i32
      %dma_wait3A_136 = tpu.memref_slice %arg4[%mul3A_2, %dma_wait3A_135] : memref<8192x40xi32, #tpu.memory_space<hbm>> -> memref<32x40xi32, #tpu.memory_space<hbm>>
      %dma_wait3A_137 = arith.constant 0 : i32
      %dma_wait3A_138 = arith.constant 0 : i32
      %dma_wait3A_139 = tpu.memref_slice %arg8[%run_scoped3A_5, %dma_wait3A_137, %dma_wait3A_138] : memref<2x32x40xi32, #tpu.memory_space<vmem>> -> memref<1x32x40xi32, #tpu.memory_space<vmem>>
      %dma_wait3A_140 = tpu.memref_squeeze %dma_wait3A_139 : memref<1x32x40xi32, #tpu.memory_space<vmem>> -> memref<32x40xi32, #tpu.memory_space<vmem>>
      %dma_wait3A_141 = arith.constant 0 : i32
      %dma_wait3A_142 = tpu.memref_slice %arg4[%mul3A_2, %dma_wait3A_141] : memref<8192x40xi32, #tpu.memory_space<hbm>> -> memref<32x40xi32, #tpu.memory_space<hbm>>
      tpu.wait_dma2 semaphore(%run_scoped3A_118 : memref<!tpu.dma_semaphore, #tpu.memory_space<semaphore_mem>>) src(%dma_wait3A_142 : memref<32x40xi32, #tpu.memory_space<hbm>>) dst(%dma_wait3A_140 : memref<32x40xi32, #tpu.memory_space<vmem>>)
      tpu.yield
    }) : () -> ()
    %dma_start3A = arith.constant 0 : i32
    %dma_start3A_6 = arith.constant 0 : i32
    %dma_start3A_7 = arith.constant 0 : i32
    %dma_start3A_8 = arith.constant 0 : i32
    %dma_start3A_9 = arith.constant 0 : i32
    %dma_start3A_10 = tpu.memref_slice %arg9[%dma_start3A_7, %dma_start3A_8, %dma_start3A_9] : memref<4x40x128xf32, #tpu.memory_space<vmem>> -> memref<1x40x128xf32, #tpu.memory_space<vmem>>
    %dma_start3A_11 = tpu.memref_squeeze %dma_start3A_10 : memref<1x40x128xf32, #tpu.memory_space<vmem>> -> memref<40x128xf32, #tpu.memory_space<vmem>>
    %dma_start3A_12 = arith.constant 0 : i32
    %dma_start3A_13 = tpu.memref_slice %arg7[%dma_start3A, %dma_start3A_6, %dma_start3A_12] : memref<2x32x40xi32, #tpu.memory_space<vmem>> -> memref<1x1x40xi32, #tpu.memory_space<vmem>>
    %dma_start3A_14 = tpu.memref_squeeze %dma_start3A_13 : memref<1x1x40xi32, #tpu.memory_space<vmem>> -> memref<40xi32, #tpu.memory_space<vmem>>
    %dma_start3A_15 = arith.constant 0 : i32
    %dma_start3A_16 = arith.constant 0 : i32
    %dma_start3A_17 = tpu.memref_slice %arg2[%dma_start3A_15, %dma_start3A_16] : memref<10016x128xf32, #tpu.memory_space<hbm>> -> memref<10016x128xf32, #tpu.memory_space<hbm>>
    tpu.enqueue_indirect_dma source(%dma_start3A_17 : memref<10016x128xf32, #tpu.memory_space<hbm>>) target(%dma_start3A_11 : memref<40x128xf32, #tpu.memory_space<vmem>>) offsets(%dma_start3A_14 : memref<40xi32, #tpu.memory_space<vmem>>) semaphore(%arg11 : memref<!tpu.dma_semaphore, #tpu.memory_space<semaphore_mem>>)
    %dma_start3A_18 = arith.constant 0 : i32
    %dma_start3A_19 = arith.constant 1 : i32
    %dma_start3A_20 = arith.constant 1 : i32
    %dma_start3A_21 = arith.constant 0 : i32
    %dma_start3A_22 = arith.constant 0 : i32
    %dma_start3A_23 = tpu.memref_slice %arg9[%dma_start3A_20, %dma_start3A_21, %dma_start3A_22] : memref<4x40x128xf32, #tpu.memory_space<vmem>> -> memref<1x40x128xf32, #tpu.memory_space<vmem>>
    %dma_start3A_24 = tpu.memref_squeeze %dma_start3A_23 : memref<1x40x128xf32, #tpu.memory_space<vmem>> -> memref<40x128xf32, #tpu.memory_space<vmem>>
    %dma_start3A_25 = arith.constant 0 : i32
    %dma_start3A_26 = tpu.memref_slice %arg7[%dma_start3A_18, %dma_start3A_19, %dma_start3A_25] : memref<2x32x40xi32, #tpu.memory_space<vmem>> -> memref<1x1x40xi32, #tpu.memory_space<vmem>>
    %dma_start3A_27 = tpu.memref_squeeze %dma_start3A_26 : memref<1x1x40xi32, #tpu.memory_space<vmem>> -> memref<40xi32, #tpu.memory_space<vmem>>
    %dma_start3A_28 = arith.constant 0 : i32
    %dma_start3A_29 = arith.constant 0 : i32
    %dma_start3A_30 = tpu.memref_slice %arg2[%dma_start3A_28, %dma_start3A_29] : memref<10016x128xf32, #tpu.memory_space<hbm>> -> memref<10016x128xf32, #tpu.memory_space<hbm>>
    tpu.enqueue_indirect_dma source(%dma_start3A_30 : memref<10016x128xf32, #tpu.memory_space<hbm>>) target(%dma_start3A_24 : memref<40x128xf32, #tpu.memory_space<vmem>>) offsets(%dma_start3A_27 : memref<40xi32, #tpu.memory_space<vmem>>) semaphore(%arg12 : memref<!tpu.dma_semaphore, #tpu.memory_space<semaphore_mem>>)
    %dma_start3A_31 = arith.constant 0 : i32
    %dma_start3A_32 = arith.constant 2 : i32
    %dma_start3A_33 = arith.constant 2 : i32
    %dma_start3A_34 = arith.constant 0 : i32
    %dma_start3A_35 = arith.constant 0 : i32
    %dma_start3A_36 = tpu.memref_slice %arg9[%dma_start3A_33, %dma_start3A_34, %dma_start3A_35] : memref<4x40x128xf32, #tpu.memory_space<vmem>> -> memref<1x40x128xf32, #tpu.memory_space<vmem>>
    %dma_start3A_37 = tpu.memref_squeeze %dma_start3A_36 : memref<1x40x128xf32, #tpu.memory_space<vmem>> -> memref<40x128xf32, #tpu.memory_space<vmem>>
    %dma_start3A_38 = arith.constant 0 : i32
    %dma_start3A_39 = tpu.memref_slice %arg7[%dma_start3A_31, %dma_start3A_32, %dma_start3A_38] : memref<2x32x40xi32, #tpu.memory_space<vmem>> -> memref<1x1x40xi32, #tpu.memory_space<vmem>>
    %dma_start3A_40 = tpu.memref_squeeze %dma_start3A_39 : memref<1x1x40xi32, #tpu.memory_space<vmem>> -> memref<40xi32, #tpu.memory_space<vmem>>
    %dma_start3A_41 = arith.constant 0 : i32
    %dma_start3A_42 = arith.constant 0 : i32
    %dma_start3A_43 = tpu.memref_slice %arg2[%dma_start3A_41, %dma_start3A_42] : memref<10016x128xf32, #tpu.memory_space<hbm>> -> memref<10016x128xf32, #tpu.memory_space<hbm>>
    tpu.enqueue_indirect_dma source(%dma_start3A_43 : memref<10016x128xf32, #tpu.memory_space<hbm>>) target(%dma_start3A_37 : memref<40x128xf32, #tpu.memory_space<vmem>>) offsets(%dma_start3A_40 : memref<40xi32, #tpu.memory_space<vmem>>) semaphore(%arg13 : memref<!tpu.dma_semaphore, #tpu.memory_space<semaphore_mem>>)
    %dma_start3A_44 = arith.constant 0 : i32
    %dma_start3A_45 = arith.constant 3 : i32
    %dma_start3A_46 = arith.constant 3 : i32
    %dma_start3A_47 = arith.constant 0 : i32
    %dma_start3A_48 = arith.constant 0 : i32
    %dma_start3A_49 = tpu.memref_slice %arg9[%dma_start3A_46, %dma_start3A_47, %dma_start3A_48] : memref<4x40x128xf32, #tpu.memory_space<vmem>> -> memref<1x40x128xf32, #tpu.memory_space<vmem>>
    %dma_start3A_50 = tpu.memref_squeeze %dma_start3A_49 : memref<1x40x128xf32, #tpu.memory_space<vmem>> -> memref<40x128xf32, #tpu.memory_space<vmem>>
    %dma_start3A_51 = arith.constant 0 : i32
    %dma_start3A_52 = tpu.memref_slice %arg7[%dma_start3A_44, %dma_start3A_45, %dma_start3A_51] : memref<2x32x40xi32, #tpu.memory_space<vmem>> -> memref<1x1x40xi32, #tpu.memory_space<vmem>>
    %dma_start3A_53 = tpu.memref_squeeze %dma_start3A_52 : memref<1x1x40xi32, #tpu.memory_space<vmem>> -> memref<40xi32, #tpu.memory_space<vmem>>
    %dma_start3A_54 = arith.constant 0 : i32
    %dma_start3A_55 = arith.constant 0 : i32
    %dma_start3A_56 = tpu.memref_slice %arg2[%dma_start3A_54, %dma_start3A_55] : memref<10016x128xf32, #tpu.memory_space<hbm>> -> memref<10016x128xf32, #tpu.memory_space<hbm>>
    tpu.enqueue_indirect_dma source(%dma_start3A_56 : memref<10016x128xf32, #tpu.memory_space<hbm>>) target(%dma_start3A_50 : memref<40x128xf32, #tpu.memory_space<vmem>>) offsets(%dma_start3A_53 : memref<40xi32, #tpu.memory_space<vmem>>) semaphore(%arg14 : memref<!tpu.dma_semaphore, #tpu.memory_space<semaphore_mem>>)
    %scan3A = arith.constant 0 : i32
    %scan3A_57 = arith.constant 0 : i32
    %scan3A_58 = arith.constant 64 : i32
    %scan3A_59 = arith.addi %scan3A_57, %scan3A_58 : i32
    %scan3A_60 = arith.constant 1 : i32
    scf.for %scan3A_118 = %scan3A_57 to %scan3A_59 step %scan3A_60  : i32 {
      %mul3A_119 = arith.constant 4 : i32
      %mul3A_120 = arith.muli %mul3A_119, %scan3A_118 : i32
      %jit3A = arith.constant 8 : i32
      %div3A = arith.divsi %scan3A_118, %jit3A : i32
      %sign3A = arith.constant 0 : i32
      %sign3A_121 = arith.cmpi sgt, %scan3A_118, %sign3A : i32
      %sign3A_122 = arith.extui %sign3A_121 : i1 to i32
      %sign3A_123 = arith.constant 0 : i32
      %sign3A_124 = arith.cmpi slt, %scan3A_118, %sign3A_123 : i32
      %sign3A_125 = arith.extui %sign3A_124 : i1 to i32
      %sign3A_126 = arith.subi %sign3A_122, %sign3A_125 : i32
      %sign3A_127 = arith.constant 0 : i32
      %sign3A_128 = arith.cmpi sgt, %jit3A, %sign3A_127 : i32
      %sign3A_129 = arith.extui %sign3A_128 : i1 to i32
      %sign3A_130 = arith.constant 0 : i32
      %sign3A_131 = arith.cmpi slt, %jit3A, %sign3A_130 : i32
      %sign3A_132 = arith.extui %sign3A_131 : i1 to i32
      %sign3A_133 = arith.subi %sign3A_129, %sign3A_132 : i32
      %ne3A = arith.cmpi ne, %sign3A_126, %sign3A_133 : i32
      %rem3A = arith.remsi %scan3A_118, %jit3A : i32
      %ne3A_134 = arith.constant 0 : i32
      %ne3A_135 = arith.cmpi ne, %rem3A, %ne3A_134 : i32
      %and3A = arith.andi %ne3A, %ne3A_135 : i1
      %sub3A = arith.constant 1 : i32
      %sub3A_136 = arith.subi %div3A, %sub3A : i32
      %select_n3A = arith.select %and3A, %sub3A_136, %div3A : i32
      %mul3A_137 = arith.constant 8 : i32
      %mul3A_138 = arith.muli %select_n3A, %mul3A_137 : i32
      %sub3A_139 = arith.subi %scan3A_118, %mul3A_138 : i32
      %eq3A = arith.constant 0 : i32
      %eq3A_140 = arith.cmpi eq, %sub3A_139, %eq3A : i32
      %add3A_141 = arith.constant 1 : i32
      %add3A_142 = arith.addi %select_n3A, %add3A_141 : i32
      %lt3A = arith.constant 8 : i32
      %lt3A_143 = arith.cmpi slt, %add3A_142, %lt3A : i32
      %and3A_144 = arith.andi %eq3A_140, %lt3A_143 : i1
      %convert_element_type3A = arith.extui %and3A_144 : i1 to i32
      %cond3A = arith.constant 0 : i32
      %cond3A_145 = arith.cmpi ne, %convert_element_type3A, %cond3A : i32
      scf.if %cond3A_145 {
        %add3A_460 = arith.constant 1 : i32
        %add3A_461 = arith.addi %select_n3A, %add3A_460 : i32
        %jit3A_462 = arith.constant 2 : i32
        %eq3A_463 = arith.constant 0 : i32
        %eq3A_464 = arith.cmpi eq, %jit3A_462, %eq3A_463 : i32
        %jit3A_465 = arith.constant 1 : i32
        %select_n3A_466 = arith.select %eq3A_464, %jit3A_465, %jit3A_462 : i32
        %rem3A_467 = arith.remsi %add3A_461, %select_n3A_466 : i32
        %ne3A_468 = arith.constant 0 : i32
        %ne3A_469 = arith.cmpi ne, %rem3A_467, %ne3A_468 : i32
        %lt3A_470 = arith.constant 0 : i32
        %lt3A_471 = arith.cmpi slt, %rem3A_467, %lt3A_470 : i32
        %lt3A_472 = arith.constant 0 : i32
        %lt3A_473 = arith.cmpi slt, %select_n3A_466, %lt3A_472 : i32
        %ne3A_474 = arith.xori %lt3A_471, %lt3A_473 : i1
        %and3A_475 = arith.andi %ne3A_474, %ne3A_469 : i1
        %add3A_476 = arith.addi %rem3A_467, %select_n3A_466 : i32
        %select_n3A_477 = arith.select %and3A_475, %add3A_476, %rem3A_467 : i32
        %add3A_478 = arith.constant 1 : i32
        %add3A_479 = arith.addi %select_n3A, %add3A_478 : i32
        %mul3A_480 = arith.constant 32 : i32
        %mul3A_481 = arith.muli %add3A_479, %mul3A_480 : i32
        %add3A_482 = arith.addi %mul3A_2, %mul3A_481 : i32
        %dma_start3A_483 = arith.constant 0 : i32
        %dma_start3A_484 = arith.constant 0 : i32
        %dma_start3A_485 = tpu.memref_slice %arg7[%select_n3A_477, %dma_start3A_483, %dma_start3A_484] : memref<2x32x40xi32, #tpu.memory_space<vmem>> -> memref<1x32x40xi32, #tpu.memory_space<vmem>>
        %dma_start3A_486 = tpu.memref_squeeze %dma_start3A_485 : memref<1x32x40xi32, #tpu.memory_space<vmem>> -> memref<32x40xi32, #tpu.memory_space<vmem>>
        %dma_start3A_487 = arith.constant 0 : i32
        %dma_start3A_488 = tpu.memref_slice %arg3[%add3A_482, %dma_start3A_487] : memref<8192x40xi32, #tpu.memory_space<hbm>> -> memref<32x40xi32, #tpu.memory_space<hbm>>
        %dma_start3A_489 = arith.constant 0 : i32
        %dma_start3A_490 = arith.constant 0 : i32
        %dma_start3A_491 = tpu.memref_slice %arg7[%select_n3A_477, %dma_start3A_489, %dma_start3A_490] : memref<2x32x40xi32, #tpu.memory_space<vmem>> -> memref<1x32x40xi32, #tpu.memory_space<vmem>>
        %dma_start3A_492 = tpu.memref_squeeze %dma_start3A_491 : memref<1x32x40xi32, #tpu.memory_space<vmem>> -> memref<32x40xi32, #tpu.memory_space<vmem>>
        %dma_start3A_493 = arith.constant 0 : i32
        %dma_start3A_494 = tpu.memref_slice %arg3[%add3A_482, %dma_start3A_493] : memref<8192x40xi32, #tpu.memory_space<hbm>> -> memref<32x40xi32, #tpu.memory_space<hbm>>
        tpu.enqueue_dma source(%dma_start3A_494 : memref<32x40xi32, #tpu.memory_space<hbm>>) target(%dma_start3A_492 : memref<32x40xi32, #tpu.memory_space<vmem>>) target_semaphore(%arg19 : memref<!tpu.dma_semaphore, #tpu.memory_space<semaphore_mem>>)
        %add3A_495 = arith.constant 1 : i32
        %add3A_496 = arith.addi %select_n3A, %add3A_495 : i32
        %mul3A_497 = arith.constant 32 : i32
        %mul3A_498 = arith.muli %add3A_496, %mul3A_497 : i32
        %add3A_499 = arith.addi %mul3A_2, %mul3A_498 : i32
        %dma_start3A_500 = arith.constant 0 : i32
        %dma_start3A_501 = arith.constant 0 : i32
        %dma_start3A_502 = tpu.memref_slice %arg8[%select_n3A_477, %dma_start3A_500, %dma_start3A_501] : memref<2x32x40xi32, #tpu.memory_space<vmem>> -> memref<1x32x40xi32, #tpu.memory_space<vmem>>
        %dma_start3A_503 = tpu.memref_squeeze %dma_start3A_502 : memref<1x32x40xi32, #tpu.memory_space<vmem>> -> memref<32x40xi32, #tpu.memory_space<vmem>>
        %dma_start3A_504 = arith.constant 0 : i32
        %dma_start3A_505 = tpu.memref_slice %arg4[%add3A_499, %dma_start3A_504] : memref<8192x40xi32, #tpu.memory_space<hbm>> -> memref<32x40xi32, #tpu.memory_space<hbm>>
        %dma_start3A_506 = arith.constant 0 : i32
        %dma_start3A_507 = arith.constant 0 : i32
        %dma_start3A_508 = tpu.memref_slice %arg8[%select_n3A_477, %dma_start3A_506, %dma_start3A_507] : memref<2x32x40xi32, #tpu.memory_space<vmem>> -> memref<1x32x40xi32, #tpu.memory_space<vmem>>
        %dma_start3A_509 = tpu.memref_squeeze %dma_start3A_508 : memref<1x32x40xi32, #tpu.memory_space<vmem>> -> memref<32x40xi32, #tpu.memory_space<vmem>>
        %dma_start3A_510 = arith.constant 0 : i32
        %dma_start3A_511 = tpu.memref_slice %arg4[%add3A_499, %dma_start3A_510] : memref<8192x40xi32, #tpu.memory_space<hbm>> -> memref<32x40xi32, #tpu.memory_space<hbm>>
        tpu.enqueue_dma source(%dma_start3A_511 : memref<32x40xi32, #tpu.memory_space<hbm>>) target(%dma_start3A_509 : memref<32x40xi32, #tpu.memory_space<vmem>>) target_semaphore(%arg20 : memref<!tpu.dma_semaphore, #tpu.memory_space<semaphore_mem>>)
      } else {
      }
      %add3A_146 = arith.constant 0 : i32
      %add3A_147 = arith.addi %mul3A_120, %add3A_146 : i32
      %jit3A_148 = arith.constant 32 : i32
      %div3A_149 = arith.divsi %add3A_147, %jit3A_148 : i32
      %sign3A_150 = arith.constant 0 : i32
      %sign3A_151 = arith.cmpi sgt, %add3A_147, %sign3A_150 : i32
      %sign3A_152 = arith.extui %sign3A_151 : i1 to i32
      %sign3A_153 = arith.constant 0 : i32
      %sign3A_154 = arith.cmpi slt, %add3A_147, %sign3A_153 : i32
      %sign3A_155 = arith.extui %sign3A_154 : i1 to i32
      %sign3A_156 = arith.subi %sign3A_152, %sign3A_155 : i32
      %sign3A_157 = arith.constant 0 : i32
      %sign3A_158 = arith.cmpi sgt, %jit3A_148, %sign3A_157 : i32
      %sign3A_159 = arith.extui %sign3A_158 : i1 to i32
      %sign3A_160 = arith.constant 0 : i32
      %sign3A_161 = arith.cmpi slt, %jit3A_148, %sign3A_160 : i32
      %sign3A_162 = arith.extui %sign3A_161 : i1 to i32
      %sign3A_163 = arith.subi %sign3A_159, %sign3A_162 : i32
      %ne3A_164 = arith.cmpi ne, %sign3A_156, %sign3A_163 : i32
      %rem3A_165 = arith.remsi %add3A_147, %jit3A_148 : i32
      %ne3A_166 = arith.constant 0 : i32
      %ne3A_167 = arith.cmpi ne, %rem3A_165, %ne3A_166 : i32
      %and3A_168 = arith.andi %ne3A_164, %ne3A_167 : i1
      %sub3A_169 = arith.constant 1 : i32
      %sub3A_170 = arith.subi %div3A_149, %sub3A_169 : i32
      %select_n3A_171 = arith.select %and3A_168, %sub3A_170, %div3A_149 : i32
      %jit3A_172 = arith.constant 2 : i32
      %eq3A_173 = arith.constant 0 : i32
      %eq3A_174 = arith.cmpi eq, %jit3A_172, %eq3A_173 : i32
      %jit3A_175 = arith.constant 1 : i32
      %select_n3A_176 = arith.select %eq3A_174, %jit3A_175, %jit3A_172 : i32
      %rem3A_177 = arith.remsi %select_n3A_171, %select_n3A_176 : i32
      %ne3A_178 = arith.constant 0 : i32
      %ne3A_179 = arith.cmpi ne, %rem3A_177, %ne3A_178 : i32
      %lt3A_180 = arith.constant 0 : i32
      %lt3A_181 = arith.cmpi slt, %rem3A_177, %lt3A_180 : i32
      %lt3A_182 = arith.constant 0 : i32
      %lt3A_183 = arith.cmpi slt, %select_n3A_176, %lt3A_182 : i32
      %ne3A_184 = arith.xori %lt3A_181, %lt3A_183 : i1
      %and3A_185 = arith.andi %ne3A_184, %ne3A_179 : i1
      %add3A_186 = arith.addi %rem3A_177, %select_n3A_176 : i32
      %select_n3A_187 = arith.select %and3A_185, %add3A_186, %rem3A_177 : i32
      %mul3A_188 = arith.constant 32 : i32
      %mul3A_189 = arith.muli %select_n3A_171, %mul3A_188 : i32
      %sub3A_190 = arith.subi %add3A_147, %mul3A_189 : i32
      %dma_wait3A_191 = arith.constant 0 : i32
      %dma_wait3A_192 = arith.constant 0 : i32
      %dma_wait3A_193 = arith.constant 0 : i32
      %dma_wait3A_194 = tpu.memref_slice %arg9[%dma_wait3A_191, %dma_wait3A_192, %dma_wait3A_193] : memref<4x40x128xf32, #tpu.memory_space<vmem>> -> memref<1x40x128xf32, #tpu.memory_space<vmem>>
      %dma_wait3A_195 = tpu.memref_squeeze %dma_wait3A_194 : memref<1x40x128xf32, #tpu.memory_space<vmem>> -> memref<40x128xf32, #tpu.memory_space<vmem>>
      %dma_wait3A_196 = arith.constant 0 : i32
      %dma_wait3A_197 = tpu.memref_slice %arg7[%select_n3A_187, %sub3A_190, %dma_wait3A_196] : memref<2x32x40xi32, #tpu.memory_space<vmem>> -> memref<1x1x40xi32, #tpu.memory_space<vmem>>
      %dma_wait3A_198 = tpu.memref_squeeze %dma_wait3A_197 : memref<1x1x40xi32, #tpu.memory_space<vmem>> -> memref<40xi32, #tpu.memory_space<vmem>>
      %dma_wait3A_199 = arith.constant 0 : i32
      %dma_wait3A_200 = arith.constant 0 : i32
      %dma_wait3A_201 = tpu.memref_slice %arg2[%dma_wait3A_199, %dma_wait3A_200] : memref<10016x128xf32, #tpu.memory_space<hbm>> -> memref<10016x128xf32, #tpu.memory_space<hbm>>
      tpu.wait_indirect_dma semaphore(%arg11 : memref<!tpu.dma_semaphore, #tpu.memory_space<semaphore_mem>>) src(%dma_wait3A_201 : memref<10016x128xf32, #tpu.memory_space<hbm>>) dst(%dma_wait3A_195 : memref<40x128xf32, #tpu.memory_space<vmem>>)
      %dma_start3A_202 = arith.constant 0 : i32
      %dma_start3A_203 = arith.constant 0 : i32
      %dma_start3A_204 = arith.constant 0 : i32
      %dma_start3A_205 = tpu.memref_slice %arg9[%dma_start3A_202, %dma_start3A_203, %dma_start3A_204] : memref<4x40x128xf32, #tpu.memory_space<vmem>> -> memref<1x40x128xf32, #tpu.memory_space<vmem>>
      %dma_start3A_206 = tpu.memref_squeeze %dma_start3A_205 : memref<1x40x128xf32, #tpu.memory_space<vmem>> -> memref<40x128xf32, #tpu.memory_space<vmem>>
      %dma_start3A_207 = arith.constant 0 : i32
      %dma_start3A_208 = tpu.memref_slice %arg8[%select_n3A_187, %sub3A_190, %dma_start3A_207] : memref<2x32x40xi32, #tpu.memory_space<vmem>> -> memref<1x1x40xi32, #tpu.memory_space<vmem>>
      %dma_start3A_209 = tpu.memref_squeeze %dma_start3A_208 : memref<1x1x40xi32, #tpu.memory_space<vmem>> -> memref<40xi32, #tpu.memory_space<vmem>>
      %dma_start3A_210 = arith.constant 0 : i32
      %dma_start3A_211 = arith.constant 0 : i32
      %dma_start3A_212 = tpu.memref_slice %arg10[%dma_start3A_210, %dma_start3A_211] : memref<10112x128xf32, #tpu.memory_space<vmem_shared>> -> memref<10112x128xf32, #tpu.memory_space<vmem_shared>>
      tpu.enqueue_indirect_dma source(%dma_start3A_206 : memref<40x128xf32, #tpu.memory_space<vmem>>) target(%dma_start3A_212 : memref<10112x128xf32, #tpu.memory_space<vmem_shared>>) offsets(%dma_start3A_209 : memref<40xi32, #tpu.memory_space<vmem>>) semaphore(%arg15 : memref<!tpu.dma_semaphore, #tpu.memory_space<semaphore_mem>>) {add = true}
      %add3A_213 = arith.constant 1 : i32
      %add3A_214 = arith.addi %mul3A_120, %add3A_213 : i32
      %jit3A_215 = arith.constant 32 : i32
      %div3A_216 = arith.divsi %add3A_214, %jit3A_215 : i32
      %sign3A_217 = arith.constant 0 : i32
      %sign3A_218 = arith.cmpi sgt, %add3A_214, %sign3A_217 : i32
      %sign3A_219 = arith.extui %sign3A_218 : i1 to i32
      %sign3A_220 = arith.constant 0 : i32
      %sign3A_221 = arith.cmpi slt, %add3A_214, %sign3A_220 : i32
      %sign3A_222 = arith.extui %sign3A_221 : i1 to i32
      %sign3A_223 = arith.subi %sign3A_219, %sign3A_222 : i32
      %sign3A_224 = arith.constant 0 : i32
      %sign3A_225 = arith.cmpi sgt, %jit3A_215, %sign3A_224 : i32
      %sign3A_226 = arith.extui %sign3A_225 : i1 to i32
      %sign3A_227 = arith.constant 0 : i32
      %sign3A_228 = arith.cmpi slt, %jit3A_215, %sign3A_227 : i32
      %sign3A_229 = arith.extui %sign3A_228 : i1 to i32
      %sign3A_230 = arith.subi %sign3A_226, %sign3A_229 : i32
      %ne3A_231 = arith.cmpi ne, %sign3A_223, %sign3A_230 : i32
      %rem3A_232 = arith.remsi %add3A_214, %jit3A_215 : i32
      %ne3A_233 = arith.constant 0 : i32
      %ne3A_234 = arith.cmpi ne, %rem3A_232, %ne3A_233 : i32
      %and3A_235 = arith.andi %ne3A_231, %ne3A_234 : i1
      %sub3A_236 = arith.constant 1 : i32
      %sub3A_237 = arith.subi %div3A_216, %sub3A_236 : i32
      %select_n3A_238 = arith.select %and3A_235, %sub3A_237, %div3A_216 : i32
      %jit3A_239 = arith.constant 2 : i32
      %eq3A_240 = arith.constant 0 : i32
      %eq3A_241 = arith.cmpi eq, %jit3A_239, %eq3A_240 : i32
      %jit3A_242 = arith.constant 1 : i32
      %select_n3A_243 = arith.select %eq3A_241, %jit3A_242, %jit3A_239 : i32
      %rem3A_244 = arith.remsi %select_n3A_238, %select_n3A_243 : i32
      %ne3A_245 = arith.constant 0 : i32
      %ne3A_246 = arith.cmpi ne, %rem3A_244, %ne3A_245 : i32
      %lt3A_247 = arith.constant 0 : i32
      %lt3A_248 = arith.cmpi slt, %rem3A_244, %lt3A_247 : i32
      %lt3A_249 = arith.constant 0 : i32
      %lt3A_250 = arith.cmpi slt, %select_n3A_243, %lt3A_249 : i32
      %ne3A_251 = arith.xori %lt3A_248, %lt3A_250 : i1
      %and3A_252 = arith.andi %ne3A_251, %ne3A_246 : i1
      %add3A_253 = arith.addi %rem3A_244, %select_n3A_243 : i32
      %select_n3A_254 = arith.select %and3A_252, %add3A_253, %rem3A_244 : i32
      %mul3A_255 = arith.constant 32 : i32
      %mul3A_256 = arith.muli %select_n3A_238, %mul3A_255 : i32
      %sub3A_257 = arith.subi %add3A_214, %mul3A_256 : i32
      %dma_wait3A_258 = arith.constant 1 : i32
      %dma_wait3A_259 = arith.constant 0 : i32
      %dma_wait3A_260 = arith.constant 0 : i32
      %dma_wait3A_261 = tpu.memref_slice %arg9[%dma_wait3A_258, %dma_wait3A_259, %dma_wait3A_260] : memref<4x40x128xf32, #tpu.memory_space<vmem>> -> memref<1x40x128xf32, #tpu.memory_space<vmem>>
      %dma_wait3A_262 = tpu.memref_squeeze %dma_wait3A_261 : memref<1x40x128xf32, #tpu.memory_space<vmem>> -> memref<40x128xf32, #tpu.memory_space<vmem>>
      %dma_wait3A_263 = arith.constant 0 : i32
      %dma_wait3A_264 = tpu.memref_slice %arg7[%select_n3A_254, %sub3A_257, %dma_wait3A_263] : memref<2x32x40xi32, #tpu.memory_space<vmem>> -> memref<1x1x40xi32, #tpu.memory_space<vmem>>
      %dma_wait3A_265 = tpu.memref_squeeze %dma_wait3A_264 : memref<1x1x40xi32, #tpu.memory_space<vmem>> -> memref<40xi32, #tpu.memory_space<vmem>>
      %dma_wait3A_266 = arith.constant 0 : i32
      %dma_wait3A_267 = arith.constant 0 : i32
      %dma_wait3A_268 = tpu.memref_slice %arg2[%dma_wait3A_266, %dma_wait3A_267] : memref<10016x128xf32, #tpu.memory_space<hbm>> -> memref<10016x128xf32, #tpu.memory_space<hbm>>
      tpu.wait_indirect_dma semaphore(%arg12 : memref<!tpu.dma_semaphore, #tpu.memory_space<semaphore_mem>>) src(%dma_wait3A_268 : memref<10016x128xf32, #tpu.memory_space<hbm>>) dst(%dma_wait3A_262 : memref<40x128xf32, #tpu.memory_space<vmem>>)
      %dma_start3A_269 = arith.constant 1 : i32
      %dma_start3A_270 = arith.constant 0 : i32
      %dma_start3A_271 = arith.constant 0 : i32
      %dma_start3A_272 = tpu.memref_slice %arg9[%dma_start3A_269, %dma_start3A_270, %dma_start3A_271] : memref<4x40x128xf32, #tpu.memory_space<vmem>> -> memref<1x40x128xf32, #tpu.memory_space<vmem>>
      %dma_start3A_273 = tpu.memref_squeeze %dma_start3A_272 : memref<1x40x128xf32, #tpu.memory_space<vmem>> -> memref<40x128xf32, #tpu.memory_space<vmem>>
      %dma_start3A_274 = arith.constant 0 : i32
      %dma_start3A_275 = tpu.memref_slice %arg8[%select_n3A_254, %sub3A_257, %dma_start3A_274] : memref<2x32x40xi32, #tpu.memory_space<vmem>> -> memref<1x1x40xi32, #tpu.memory_space<vmem>>
      %dma_start3A_276 = tpu.memref_squeeze %dma_start3A_275 : memref<1x1x40xi32, #tpu.memory_space<vmem>> -> memref<40xi32, #tpu.memory_space<vmem>>
      %dma_start3A_277 = arith.constant 0 : i32
      %dma_start3A_278 = arith.constant 0 : i32
      %dma_start3A_279 = tpu.memref_slice %arg10[%dma_start3A_277, %dma_start3A_278] : memref<10112x128xf32, #tpu.memory_space<vmem_shared>> -> memref<10112x128xf32, #tpu.memory_space<vmem_shared>>
      tpu.enqueue_indirect_dma source(%dma_start3A_273 : memref<40x128xf32, #tpu.memory_space<vmem>>) target(%dma_start3A_279 : memref<10112x128xf32, #tpu.memory_space<vmem_shared>>) offsets(%dma_start3A_276 : memref<40xi32, #tpu.memory_space<vmem>>) semaphore(%arg16 : memref<!tpu.dma_semaphore, #tpu.memory_space<semaphore_mem>>) {add = true}
      %add3A_280 = arith.constant 2 : i32
      %add3A_281 = arith.addi %mul3A_120, %add3A_280 : i32
      %jit3A_282 = arith.constant 32 : i32
      %div3A_283 = arith.divsi %add3A_281, %jit3A_282 : i32
      %sign3A_284 = arith.constant 0 : i32
      %sign3A_285 = arith.cmpi sgt, %add3A_281, %sign3A_284 : i32
      %sign3A_286 = arith.extui %sign3A_285 : i1 to i32
      %sign3A_287 = arith.constant 0 : i32
      %sign3A_288 = arith.cmpi slt, %add3A_281, %sign3A_287 : i32
      %sign3A_289 = arith.extui %sign3A_288 : i1 to i32
      %sign3A_290 = arith.subi %sign3A_286, %sign3A_289 : i32
      %sign3A_291 = arith.constant 0 : i32
      %sign3A_292 = arith.cmpi sgt, %jit3A_282, %sign3A_291 : i32
      %sign3A_293 = arith.extui %sign3A_292 : i1 to i32
      %sign3A_294 = arith.constant 0 : i32
      %sign3A_295 = arith.cmpi slt, %jit3A_282, %sign3A_294 : i32
      %sign3A_296 = arith.extui %sign3A_295 : i1 to i32
      %sign3A_297 = arith.subi %sign3A_293, %sign3A_296 : i32
      %ne3A_298 = arith.cmpi ne, %sign3A_290, %sign3A_297 : i32
      %rem3A_299 = arith.remsi %add3A_281, %jit3A_282 : i32
      %ne3A_300 = arith.constant 0 : i32
      %ne3A_301 = arith.cmpi ne, %rem3A_299, %ne3A_300 : i32
      %and3A_302 = arith.andi %ne3A_298, %ne3A_301 : i1
      %sub3A_303 = arith.constant 1 : i32
      %sub3A_304 = arith.subi %div3A_283, %sub3A_303 : i32
      %select_n3A_305 = arith.select %and3A_302, %sub3A_304, %div3A_283 : i32
      %jit3A_306 = arith.constant 2 : i32
      %eq3A_307 = arith.constant 0 : i32
      %eq3A_308 = arith.cmpi eq, %jit3A_306, %eq3A_307 : i32
      %jit3A_309 = arith.constant 1 : i32
      %select_n3A_310 = arith.select %eq3A_308, %jit3A_309, %jit3A_306 : i32
      %rem3A_311 = arith.remsi %select_n3A_305, %select_n3A_310 : i32
      %ne3A_312 = arith.constant 0 : i32
      %ne3A_313 = arith.cmpi ne, %rem3A_311, %ne3A_312 : i32
      %lt3A_314 = arith.constant 0 : i32
      %lt3A_315 = arith.cmpi slt, %rem3A_311, %lt3A_314 : i32
      %lt3A_316 = arith.constant 0 : i32
      %lt3A_317 = arith.cmpi slt, %select_n3A_310, %lt3A_316 : i32
      %ne3A_318 = arith.xori %lt3A_315, %lt3A_317 : i1
      %and3A_319 = arith.andi %ne3A_318, %ne3A_313 : i1
      %add3A_320 = arith.addi %rem3A_311, %select_n3A_310 : i32
      %select_n3A_321 = arith.select %and3A_319, %add3A_320, %rem3A_311 : i32
      %mul3A_322 = arith.constant 32 : i32
      %mul3A_323 = arith.muli %select_n3A_305, %mul3A_322 : i32
      %sub3A_324 = arith.subi %add3A_281, %mul3A_323 : i32
      %dma_wait3A_325 = arith.constant 2 : i32
      %dma_wait3A_326 = arith.constant 0 : i32
      %dma_wait3A_327 = arith.constant 0 : i32
      %dma_wait3A_328 = tpu.memref_slice %arg9[%dma_wait3A_325, %dma_wait3A_326, %dma_wait3A_327] : memref<4x40x128xf32, #tpu.memory_space<vmem>> -> memref<1x40x128xf32, #tpu.memory_space<vmem>>
      %dma_wait3A_329 = tpu.memref_squeeze %dma_wait3A_328 : memref<1x40x128xf32, #tpu.memory_space<vmem>> -> memref<40x128xf32, #tpu.memory_space<vmem>>
      %dma_wait3A_330 = arith.constant 0 : i32
      %dma_wait3A_331 = tpu.memref_slice %arg7[%select_n3A_321, %sub3A_324, %dma_wait3A_330] : memref<2x32x40xi32, #tpu.memory_space<vmem>> -> memref<1x1x40xi32, #tpu.memory_space<vmem>>
      %dma_wait3A_332 = tpu.memref_squeeze %dma_wait3A_331 : memref<1x1x40xi32, #tpu.memory_space<vmem>> -> memref<40xi32, #tpu.memory_space<vmem>>
      %dma_wait3A_333 = arith.constant 0 : i32
      %dma_wait3A_334 = arith.constant 0 : i32
      %dma_wait3A_335 = tpu.memref_slice %arg2[%dma_wait3A_333, %dma_wait3A_334] : memref<10016x128xf32, #tpu.memory_space<hbm>> -> memref<10016x128xf32, #tpu.memory_space<hbm>>
      tpu.wait_indirect_dma semaphore(%arg13 : memref<!tpu.dma_semaphore, #tpu.memory_space<semaphore_mem>>) src(%dma_wait3A_335 : memref<10016x128xf32, #tpu.memory_space<hbm>>) dst(%dma_wait3A_329 : memref<40x128xf32, #tpu.memory_space<vmem>>)
      %dma_start3A_336 = arith.constant 2 : i32
      %dma_start3A_337 = arith.constant 0 : i32
      %dma_start3A_338 = arith.constant 0 : i32
      %dma_start3A_339 = tpu.memref_slice %arg9[%dma_start3A_336, %dma_start3A_337, %dma_start3A_338] : memref<4x40x128xf32, #tpu.memory_space<vmem>> -> memref<1x40x128xf32, #tpu.memory_space<vmem>>
      %dma_start3A_340 = tpu.memref_squeeze %dma_start3A_339 : memref<1x40x128xf32, #tpu.memory_space<vmem>> -> memref<40x128xf32, #tpu.memory_space<vmem>>
      %dma_start3A_341 = arith.constant 0 : i32
      %dma_start3A_342 = tpu.memref_slice %arg8[%select_n3A_321, %sub3A_324, %dma_start3A_341] : memref<2x32x40xi32, #tpu.memory_space<vmem>> -> memref<1x1x40xi32, #tpu.memory_space<vmem>>
      %dma_start3A_343 = tpu.memref_squeeze %dma_start3A_342 : memref<1x1x40xi32, #tpu.memory_space<vmem>> -> memref<40xi32, #tpu.memory_space<vmem>>
      %dma_start3A_344 = arith.constant 0 : i32
      %dma_start3A_345 = arith.constant 0 : i32
      %dma_start3A_346 = tpu.memref_slice %arg10[%dma_start3A_344, %dma_start3A_345] : memref<10112x128xf32, #tpu.memory_space<vmem_shared>> -> memref<10112x128xf32, #tpu.memory_space<vmem_shared>>
      tpu.enqueue_indirect_dma source(%dma_start3A_340 : memref<40x128xf32, #tpu.memory_space<vmem>>) target(%dma_start3A_346 : memref<10112x128xf32, #tpu.memory_space<vmem_shared>>) offsets(%dma_start3A_343 : memref<40xi32, #tpu.memory_space<vmem>>) semaphore(%arg17 : memref<!tpu.dma_semaphore, #tpu.memory_space<semaphore_mem>>) {add = true}
      %add3A_347 = arith.constant 3 : i32
      %add3A_348 = arith.addi %mul3A_120, %add3A_347 : i32
      %jit3A_349 = arith.constant 32 : i32
      %div3A_350 = arith.divsi %add3A_348, %jit3A_349 : i32
      %sign3A_351 = arith.constant 0 : i32
      %sign3A_352 = arith.cmpi sgt, %add3A_348, %sign3A_351 : i32
      %sign3A_353 = arith.extui %sign3A_352 : i1 to i32
      %sign3A_354 = arith.constant 0 : i32
      %sign3A_355 = arith.cmpi slt, %add3A_348, %sign3A_354 : i32
      %sign3A_356 = arith.extui %sign3A_355 : i1 to i32
      %sign3A_357 = arith.subi %sign3A_353, %sign3A_356 : i32
      %sign3A_358 = arith.constant 0 : i32
      %sign3A_359 = arith.cmpi sgt, %jit3A_349, %sign3A_358 : i32
      %sign3A_360 = arith.extui %sign3A_359 : i1 to i32
      %sign3A_361 = arith.constant 0 : i32
      %sign3A_362 = arith.cmpi slt, %jit3A_349, %sign3A_361 : i32
      %sign3A_363 = arith.extui %sign3A_362 : i1 to i32
      %sign3A_364 = arith.subi %sign3A_360, %sign3A_363 : i32
      %ne3A_365 = arith.cmpi ne, %sign3A_357, %sign3A_364 : i32
      %rem3A_366 = arith.remsi %add3A_348, %jit3A_349 : i32
      %ne3A_367 = arith.constant 0 : i32
      %ne3A_368 = arith.cmpi ne, %rem3A_366, %ne3A_367 : i32
      %and3A_369 = arith.andi %ne3A_365, %ne3A_368 : i1
      %sub3A_370 = arith.constant 1 : i32
      %sub3A_371 = arith.subi %div3A_350, %sub3A_370 : i32
      %select_n3A_372 = arith.select %and3A_369, %sub3A_371, %div3A_350 : i32
      %jit3A_373 = arith.constant 2 : i32
      %eq3A_374 = arith.constant 0 : i32
      %eq3A_375 = arith.cmpi eq, %jit3A_373, %eq3A_374 : i32
      %jit3A_376 = arith.constant 1 : i32
      %select_n3A_377 = arith.select %eq3A_375, %jit3A_376, %jit3A_373 : i32
      %rem3A_378 = arith.remsi %select_n3A_372, %select_n3A_377 : i32
      %ne3A_379 = arith.constant 0 : i32
      %ne3A_380 = arith.cmpi ne, %rem3A_378, %ne3A_379 : i32
      %lt3A_381 = arith.constant 0 : i32
      %lt3A_382 = arith.cmpi slt, %rem3A_378, %lt3A_381 : i32
      %lt3A_383 = arith.constant 0 : i32
      %lt3A_384 = arith.cmpi slt, %select_n3A_377, %lt3A_383 : i32
      %ne3A_385 = arith.xori %lt3A_382, %lt3A_384 : i1
      %and3A_386 = arith.andi %ne3A_385, %ne3A_380 : i1
      %add3A_387 = arith.addi %rem3A_378, %select_n3A_377 : i32
      %select_n3A_388 = arith.select %and3A_386, %add3A_387, %rem3A_378 : i32
      %mul3A_389 = arith.constant 32 : i32
      %mul3A_390 = arith.muli %select_n3A_372, %mul3A_389 : i32
      %sub3A_391 = arith.subi %add3A_348, %mul3A_390 : i32
      %dma_wait3A_392 = arith.constant 3 : i32
      %dma_wait3A_393 = arith.constant 0 : i32
      %dma_wait3A_394 = arith.constant 0 : i32
      %dma_wait3A_395 = tpu.memref_slice %arg9[%dma_wait3A_392, %dma_wait3A_393, %dma_wait3A_394] : memref<4x40x128xf32, #tpu.memory_space<vmem>> -> memref<1x40x128xf32, #tpu.memory_space<vmem>>
      %dma_wait3A_396 = tpu.memref_squeeze %dma_wait3A_395 : memref<1x40x128xf32, #tpu.memory_space<vmem>> -> memref<40x128xf32, #tpu.memory_space<vmem>>
      %dma_wait3A_397 = arith.constant 0 : i32
      %dma_wait3A_398 = tpu.memref_slice %arg7[%select_n3A_388, %sub3A_391, %dma_wait3A_397] : memref<2x32x40xi32, #tpu.memory_space<vmem>> -> memref<1x1x40xi32, #tpu.memory_space<vmem>>
      %dma_wait3A_399 = tpu.memref_squeeze %dma_wait3A_398 : memref<1x1x40xi32, #tpu.memory_space<vmem>> -> memref<40xi32, #tpu.memory_space<vmem>>
      %dma_wait3A_400 = arith.constant 0 : i32
      %dma_wait3A_401 = arith.constant 0 : i32
      %dma_wait3A_402 = tpu.memref_slice %arg2[%dma_wait3A_400, %dma_wait3A_401] : memref<10016x128xf32, #tpu.memory_space<hbm>> -> memref<10016x128xf32, #tpu.memory_space<hbm>>
      tpu.wait_indirect_dma semaphore(%arg14 : memref<!tpu.dma_semaphore, #tpu.memory_space<semaphore_mem>>) src(%dma_wait3A_402 : memref<10016x128xf32, #tpu.memory_space<hbm>>) dst(%dma_wait3A_396 : memref<40x128xf32, #tpu.memory_space<vmem>>)
      %dma_start3A_403 = arith.constant 3 : i32
      %dma_start3A_404 = arith.constant 0 : i32
      %dma_start3A_405 = arith.constant 0 : i32
      %dma_start3A_406 = tpu.memref_slice %arg9[%dma_start3A_403, %dma_start3A_404, %dma_start3A_405] : memref<4x40x128xf32, #tpu.memory_space<vmem>> -> memref<1x40x128xf32, #tpu.memory_space<vmem>>
      %dma_start3A_407 = tpu.memref_squeeze %dma_start3A_406 : memref<1x40x128xf32, #tpu.memory_space<vmem>> -> memref<40x128xf32, #tpu.memory_space<vmem>>
      %dma_start3A_408 = arith.constant 0 : i32
      %dma_start3A_409 = tpu.memref_slice %arg8[%select_n3A_388, %sub3A_391, %dma_start3A_408] : memref<2x32x40xi32, #tpu.memory_space<vmem>> -> memref<1x1x40xi32, #tpu.memory_space<vmem>>
      %dma_start3A_410 = tpu.memref_squeeze %dma_start3A_409 : memref<1x1x40xi32, #tpu.memory_space<vmem>> -> memref<40xi32, #tpu.memory_space<vmem>>
      %dma_start3A_411 = arith.constant 0 : i32
      %dma_start3A_412 = arith.constant 0 : i32
      %dma_start3A_413 = tpu.memref_slice %arg10[%dma_start3A_411, %dma_start3A_412] : memref<10112x128xf32, #tpu.memory_space<vmem_shared>> -> memref<10112x128xf32, #tpu.memory_space<vmem_shared>>
      tpu.enqueue_indirect_dma source(%dma_start3A_407 : memref<40x128xf32, #tpu.memory_space<vmem>>) target(%dma_start3A_413 : memref<10112x128xf32, #tpu.memory_space<vmem_shared>>) offsets(%dma_start3A_410 : memref<40xi32, #tpu.memory_space<vmem>>) semaphore(%arg18 : memref<!tpu.dma_semaphore, #tpu.memory_space<semaphore_mem>>) {add = true}
      %eq3A_414 = arith.constant 7 : i32
      %eq3A_415 = arith.cmpi eq, %sub3A_139, %eq3A_414 : i32
      %add3A_416 = arith.constant 1 : i32
      %add3A_417 = arith.addi %select_n3A, %add3A_416 : i32
      %lt3A_418 = arith.constant 8 : i32
      %lt3A_419 = arith.cmpi slt, %add3A_417, %lt3A_418 : i32
      %and3A_420 = arith.andi %eq3A_415, %lt3A_419 : i1
      %convert_element_type3A_421 = arith.extui %and3A_420 : i1 to i32
      %cond3A_422 = arith.constant 0 : i32
      %cond3A_423 = arith.cmpi ne, %convert_element_type3A_421, %cond3A_422 : i32
      scf.if %cond3A_423 {
        %add3A_460 = arith.constant 1 : i32
        %add3A_461 = arith.addi %select_n3A, %add3A_460 : i32
        %jit3A_462 = arith.constant 2 : i32
        %eq3A_463 = arith.constant 0 : i32
        %eq3A_464 = arith.cmpi eq, %jit3A_462, %eq3A_463 : i32
        %jit3A_465 = arith.constant 1 : i32
        %select_n3A_466 = arith.select %eq3A_464, %jit3A_465, %jit3A_462 : i32
        %rem3A_467 = arith.remsi %add3A_461, %select_n3A_466 : i32
        %ne3A_468 = arith.constant 0 : i32
        %ne3A_469 = arith.cmpi ne, %rem3A_467, %ne3A_468 : i32
        %lt3A_470 = arith.constant 0 : i32
        %lt3A_471 = arith.cmpi slt, %rem3A_467, %lt3A_470 : i32
        %lt3A_472 = arith.constant 0 : i32
        %lt3A_473 = arith.cmpi slt, %select_n3A_466, %lt3A_472 : i32
        %ne3A_474 = arith.xori %lt3A_471, %lt3A_473 : i1
        %and3A_475 = arith.andi %ne3A_474, %ne3A_469 : i1
        %add3A_476 = arith.addi %rem3A_467, %select_n3A_466 : i32
        %select_n3A_477 = arith.select %and3A_475, %add3A_476, %rem3A_467 : i32
        %add3A_478 = arith.constant 1 : i32
        %add3A_479 = arith.addi %select_n3A, %add3A_478 : i32
        %mul3A_480 = arith.constant 32 : i32
        %mul3A_481 = arith.muli %add3A_479, %mul3A_480 : i32
        %add3A_482 = arith.addi %mul3A_2, %mul3A_481 : i32
        %dma_wait3A_483 = arith.constant 0 : i32
        %dma_wait3A_484 = arith.constant 0 : i32
        %dma_wait3A_485 = tpu.memref_slice %arg7[%select_n3A_477, %dma_wait3A_483, %dma_wait3A_484] : memref<2x32x40xi32, #tpu.memory_space<vmem>> -> memref<1x32x40xi32, #tpu.memory_space<vmem>>
        %dma_wait3A_486 = tpu.memref_squeeze %dma_wait3A_485 : memref<1x32x40xi32, #tpu.memory_space<vmem>> -> memref<32x40xi32, #tpu.memory_space<vmem>>
        %dma_wait3A_487 = arith.constant 0 : i32
        %dma_wait3A_488 = tpu.memref_slice %arg3[%add3A_482, %dma_wait3A_487] : memref<8192x40xi32, #tpu.memory_space<hbm>> -> memref<32x40xi32, #tpu.memory_space<hbm>>
        %dma_wait3A_489 = arith.constant 0 : i32
        %dma_wait3A_490 = arith.constant 0 : i32
        %dma_wait3A_491 = tpu.memref_slice %arg7[%select_n3A_477, %dma_wait3A_489, %dma_wait3A_490] : memref<2x32x40xi32, #tpu.memory_space<vmem>> -> memref<1x32x40xi32, #tpu.memory_space<vmem>>
        %dma_wait3A_492 = tpu.memref_squeeze %dma_wait3A_491 : memref<1x32x40xi32, #tpu.memory_space<vmem>> -> memref<32x40xi32, #tpu.memory_space<vmem>>
        %dma_wait3A_493 = arith.constant 0 : i32
        %dma_wait3A_494 = tpu.memref_slice %arg3[%add3A_482, %dma_wait3A_493] : memref<8192x40xi32, #tpu.memory_space<hbm>> -> memref<32x40xi32, #tpu.memory_space<hbm>>
        tpu.wait_dma2 semaphore(%arg19 : memref<!tpu.dma_semaphore, #tpu.memory_space<semaphore_mem>>) src(%dma_wait3A_494 : memref<32x40xi32, #tpu.memory_space<hbm>>) dst(%dma_wait3A_492 : memref<32x40xi32, #tpu.memory_space<vmem>>)
        %add3A_495 = arith.constant 1 : i32
        %add3A_496 = arith.addi %select_n3A, %add3A_495 : i32
        %mul3A_497 = arith.constant 32 : i32
        %mul3A_498 = arith.muli %add3A_496, %mul3A_497 : i32
        %add3A_499 = arith.addi %mul3A_2, %mul3A_498 : i32
        %dma_wait3A_500 = arith.constant 0 : i32
        %dma_wait3A_501 = arith.constant 0 : i32
        %dma_wait3A_502 = tpu.memref_slice %arg8[%select_n3A_477, %dma_wait3A_500, %dma_wait3A_501] : memref<2x32x40xi32, #tpu.memory_space<vmem>> -> memref<1x32x40xi32, #tpu.memory_space<vmem>>
        %dma_wait3A_503 = tpu.memref_squeeze %dma_wait3A_502 : memref<1x32x40xi32, #tpu.memory_space<vmem>> -> memref<32x40xi32, #tpu.memory_space<vmem>>
        %dma_wait3A_504 = arith.constant 0 : i32
        %dma_wait3A_505 = tpu.memref_slice %arg4[%add3A_499, %dma_wait3A_504] : memref<8192x40xi32, #tpu.memory_space<hbm>> -> memref<32x40xi32, #tpu.memory_space<hbm>>
        %dma_wait3A_506 = arith.constant 0 : i32
        %dma_wait3A_507 = arith.constant 0 : i32
        %dma_wait3A_508 = tpu.memref_slice %arg8[%select_n3A_477, %dma_wait3A_506, %dma_wait3A_507] : memref<2x32x40xi32, #tpu.memory_space<vmem>> -> memref<1x32x40xi32, #tpu.memory_space<vmem>>
        %dma_wait3A_509 = tpu.memref_squeeze %dma_wait3A_508 : memref<1x32x40xi32, #tpu.memory_space<vmem>> -> memref<32x40xi32, #tpu.memory_space<vmem>>
        %dma_wait3A_510 = arith.constant 0 : i32
        %dma_wait3A_511 = tpu.memref_slice %arg4[%add3A_499, %dma_wait3A_510] : memref<8192x40xi32, #tpu.memory_space<hbm>> -> memref<32x40xi32, #tpu.memory_space<hbm>>
        tpu.wait_dma2 semaphore(%arg20 : memref<!tpu.dma_semaphore, #tpu.memory_space<semaphore_mem>>) src(%dma_wait3A_511 : memref<32x40xi32, #tpu.memory_space<hbm>>) dst(%dma_wait3A_509 : memref<32x40xi32, #tpu.memory_space<vmem>>)
      } else {
      }
      %add3A_424 = arith.constant 4 : i32
      %add3A_425 = arith.addi %mul3A_120, %add3A_424 : i32
      %add3A_426 = arith.constant 0 : i32
      %add3A_427 = arith.addi %add3A_425, %add3A_426 : i32
      %lt3A_428 = arith.constant 256 : i32
      %lt3A_429 = arith.cmpi slt, %add3A_427, %lt3A_428 : i32
      %convert_element_type3A_430 = arith.extui %lt3A_429 : i1 to i32
      %cond3A_431 = arith.constant 0 : i32
      %cond3A_432 = arith.cmpi ne, %convert_element_type3A_430, %cond3A_431 : i32
      scf.if %cond3A_432 {
        %add3A_460 = arith.constant 0 : i32
        %add3A_461 = arith.addi %mul3A_120, %add3A_460 : i32
        %jit3A_462 = arith.constant 32 : i32
        %div3A_463 = arith.divsi %add3A_461, %jit3A_462 : i32
        %sign3A_464 = arith.constant 0 : i32
        %sign3A_465 = arith.cmpi sgt, %add3A_461, %sign3A_464 : i32
        %sign3A_466 = arith.extui %sign3A_465 : i1 to i32
        %sign3A_467 = arith.constant 0 : i32
        %sign3A_468 = arith.cmpi slt, %add3A_461, %sign3A_467 : i32
        %sign3A_469 = arith.extui %sign3A_468 : i1 to i32
        %sign3A_470 = arith.subi %sign3A_466, %sign3A_469 : i32
        %sign3A_471 = arith.constant 0 : i32
        %sign3A_472 = arith.cmpi sgt, %jit3A_462, %sign3A_471 : i32
        %sign3A_473 = arith.extui %sign3A_472 : i1 to i32
        %sign3A_474 = arith.constant 0 : i32
        %sign3A_475 = arith.cmpi slt, %jit3A_462, %sign3A_474 : i32
        %sign3A_476 = arith.extui %sign3A_475 : i1 to i32
        %sign3A_477 = arith.subi %sign3A_473, %sign3A_476 : i32
        %ne3A_478 = arith.cmpi ne, %sign3A_470, %sign3A_477 : i32
        %rem3A_479 = arith.remsi %add3A_461, %jit3A_462 : i32
        %ne3A_480 = arith.constant 0 : i32
        %ne3A_481 = arith.cmpi ne, %rem3A_479, %ne3A_480 : i32
        %and3A_482 = arith.andi %ne3A_478, %ne3A_481 : i1
        %sub3A_483 = arith.constant 1 : i32
        %sub3A_484 = arith.subi %div3A_463, %sub3A_483 : i32
        %select_n3A_485 = arith.select %and3A_482, %sub3A_484, %div3A_463 : i32
        %jit3A_486 = arith.constant 2 : i32
        %eq3A_487 = arith.constant 0 : i32
        %eq3A_488 = arith.cmpi eq, %jit3A_486, %eq3A_487 : i32
        %jit3A_489 = arith.constant 1 : i32
        %select_n3A_490 = arith.select %eq3A_488, %jit3A_489, %jit3A_486 : i32
        %rem3A_491 = arith.remsi %select_n3A_485, %select_n3A_490 : i32
        %ne3A_492 = arith.constant 0 : i32
        %ne3A_493 = arith.cmpi ne, %rem3A_491, %ne3A_492 : i32
        %lt3A_494 = arith.constant 0 : i32
        %lt3A_495 = arith.cmpi slt, %rem3A_491, %lt3A_494 : i32
        %lt3A_496 = arith.constant 0 : i32
        %lt3A_497 = arith.cmpi slt, %select_n3A_490, %lt3A_496 : i32
        %ne3A_498 = arith.xori %lt3A_495, %lt3A_497 : i1
        %and3A_499 = arith.andi %ne3A_498, %ne3A_493 : i1
        %add3A_500 = arith.addi %rem3A_491, %select_n3A_490 : i32
        %select_n3A_501 = arith.select %and3A_499, %add3A_500, %rem3A_491 : i32
        %mul3A_502 = arith.constant 32 : i32
        %mul3A_503 = arith.muli %select_n3A_485, %mul3A_502 : i32
        %sub3A_504 = arith.subi %add3A_461, %mul3A_503 : i32
        %dma_wait3A_505 = arith.constant 0 : i32
        %dma_wait3A_506 = arith.constant 0 : i32
        %dma_wait3A_507 = arith.constant 0 : i32
        %dma_wait3A_508 = tpu.memref_slice %arg9[%dma_wait3A_505, %dma_wait3A_506, %dma_wait3A_507] : memref<4x40x128xf32, #tpu.memory_space<vmem>> -> memref<1x40x128xf32, #tpu.memory_space<vmem>>
        %dma_wait3A_509 = tpu.memref_squeeze %dma_wait3A_508 : memref<1x40x128xf32, #tpu.memory_space<vmem>> -> memref<40x128xf32, #tpu.memory_space<vmem>>
        %dma_wait3A_510 = arith.constant 0 : i32
        %dma_wait3A_511 = tpu.memref_slice %arg8[%select_n3A_501, %sub3A_504, %dma_wait3A_510] : memref<2x32x40xi32, #tpu.memory_space<vmem>> -> memref<1x1x40xi32, #tpu.memory_space<vmem>>
        %dma_wait3A_512 = tpu.memref_squeeze %dma_wait3A_511 : memref<1x1x40xi32, #tpu.memory_space<vmem>> -> memref<40xi32, #tpu.memory_space<vmem>>
        %dma_wait3A_513 = arith.constant 0 : i32
        %dma_wait3A_514 = arith.constant 0 : i32
        %dma_wait3A_515 = tpu.memref_slice %arg10[%dma_wait3A_513, %dma_wait3A_514] : memref<10112x128xf32, #tpu.memory_space<vmem_shared>> -> memref<10112x128xf32, #tpu.memory_space<vmem_shared>>
        tpu.wait_indirect_dma semaphore(%arg15 : memref<!tpu.dma_semaphore, #tpu.memory_space<semaphore_mem>>) src(%dma_wait3A_509 : memref<40x128xf32, #tpu.memory_space<vmem>>) dst(%dma_wait3A_515 : memref<10112x128xf32, #tpu.memory_space<vmem_shared>>)
        %jit3A_516 = arith.constant 32 : i32
        %div3A_517 = arith.divsi %add3A_427, %jit3A_516 : i32
        %sign3A_518 = arith.constant 0 : i32
        %sign3A_519 = arith.cmpi sgt, %add3A_427, %sign3A_518 : i32
        %sign3A_520 = arith.extui %sign3A_519 : i1 to i32
        %sign3A_521 = arith.constant 0 : i32
        %sign3A_522 = arith.cmpi slt, %add3A_427, %sign3A_521 : i32
        %sign3A_523 = arith.extui %sign3A_522 : i1 to i32
        %sign3A_524 = arith.subi %sign3A_520, %sign3A_523 : i32
        %sign3A_525 = arith.constant 0 : i32
        %sign3A_526 = arith.cmpi sgt, %jit3A_516, %sign3A_525 : i32
        %sign3A_527 = arith.extui %sign3A_526 : i1 to i32
        %sign3A_528 = arith.constant 0 : i32
        %sign3A_529 = arith.cmpi slt, %jit3A_516, %sign3A_528 : i32
        %sign3A_530 = arith.extui %sign3A_529 : i1 to i32
        %sign3A_531 = arith.subi %sign3A_527, %sign3A_530 : i32
        %ne3A_532 = arith.cmpi ne, %sign3A_524, %sign3A_531 : i32
        %rem3A_533 = arith.remsi %add3A_427, %jit3A_516 : i32
        %ne3A_534 = arith.constant 0 : i32
        %ne3A_535 = arith.cmpi ne, %rem3A_533, %ne3A_534 : i32
        %and3A_536 = arith.andi %ne3A_532, %ne3A_535 : i1
        %sub3A_537 = arith.constant 1 : i32
        %sub3A_538 = arith.subi %div3A_517, %sub3A_537 : i32
        %select_n3A_539 = arith.select %and3A_536, %sub3A_538, %div3A_517 : i32
        %jit3A_540 = arith.constant 2 : i32
        %eq3A_541 = arith.constant 0 : i32
        %eq3A_542 = arith.cmpi eq, %jit3A_540, %eq3A_541 : i32
        %jit3A_543 = arith.constant 1 : i32
        %select_n3A_544 = arith.select %eq3A_542, %jit3A_543, %jit3A_540 : i32
        %rem3A_545 = arith.remsi %select_n3A_539, %select_n3A_544 : i32
        %ne3A_546 = arith.constant 0 : i32
        %ne3A_547 = arith.cmpi ne, %rem3A_545, %ne3A_546 : i32
        %lt3A_548 = arith.constant 0 : i32
        %lt3A_549 = arith.cmpi slt, %rem3A_545, %lt3A_548 : i32
        %lt3A_550 = arith.constant 0 : i32
        %lt3A_551 = arith.cmpi slt, %select_n3A_544, %lt3A_550 : i32
        %ne3A_552 = arith.xori %lt3A_549, %lt3A_551 : i1
        %and3A_553 = arith.andi %ne3A_552, %ne3A_547 : i1
        %add3A_554 = arith.addi %rem3A_545, %select_n3A_544 : i32
        %select_n3A_555 = arith.select %and3A_553, %add3A_554, %rem3A_545 : i32
        %mul3A_556 = arith.constant 32 : i32
        %mul3A_557 = arith.muli %select_n3A_539, %mul3A_556 : i32
        %sub3A_558 = arith.subi %add3A_427, %mul3A_557 : i32
        %dma_start3A_559 = arith.constant 0 : i32
        %dma_start3A_560 = arith.constant 0 : i32
        %dma_start3A_561 = arith.constant 0 : i32
        %dma_start3A_562 = tpu.memref_slice %arg9[%dma_start3A_559, %dma_start3A_560, %dma_start3A_561] : memref<4x40x128xf32, #tpu.memory_space<vmem>> -> memref<1x40x128xf32, #tpu.memory_space<vmem>>
        %dma_start3A_563 = tpu.memref_squeeze %dma_start3A_562 : memref<1x40x128xf32, #tpu.memory_space<vmem>> -> memref<40x128xf32, #tpu.memory_space<vmem>>
        %dma_start3A_564 = arith.constant 0 : i32
        %dma_start3A_565 = tpu.memref_slice %arg7[%select_n3A_555, %sub3A_558, %dma_start3A_564] : memref<2x32x40xi32, #tpu.memory_space<vmem>> -> memref<1x1x40xi32, #tpu.memory_space<vmem>>
        %dma_start3A_566 = tpu.memref_squeeze %dma_start3A_565 : memref<1x1x40xi32, #tpu.memory_space<vmem>> -> memref<40xi32, #tpu.memory_space<vmem>>
        %dma_start3A_567 = arith.constant 0 : i32
        %dma_start3A_568 = arith.constant 0 : i32
        %dma_start3A_569 = tpu.memref_slice %arg2[%dma_start3A_567, %dma_start3A_568] : memref<10016x128xf32, #tpu.memory_space<hbm>> -> memref<10016x128xf32, #tpu.memory_space<hbm>>
        tpu.enqueue_indirect_dma source(%dma_start3A_569 : memref<10016x128xf32, #tpu.memory_space<hbm>>) target(%dma_start3A_563 : memref<40x128xf32, #tpu.memory_space<vmem>>) offsets(%dma_start3A_566 : memref<40xi32, #tpu.memory_space<vmem>>) semaphore(%arg11 : memref<!tpu.dma_semaphore, #tpu.memory_space<semaphore_mem>>)
      } else {
      }
      %add3A_433 = arith.constant 4 : i32
      %add3A_434 = arith.addi %mul3A_120, %add3A_433 : i32
      %add3A_435 = arith.constant 1 : i32
      %add3A_436 = arith.addi %add3A_434, %add3A_435 : i32
      %lt3A_437 = arith.constant 256 : i32
      %lt3A_438 = arith.cmpi slt, %add3A_436, %lt3A_437 : i32
      %convert_element_type3A_439 = arith.extui %lt3A_438 : i1 to i32
      %cond3A_440 = arith.constant 0 : i32
      %cond3A_441 = arith.cmpi ne, %convert_element_type3A_439, %cond3A_440 : i32
      scf.if %cond3A_441 {
        %add3A_460 = arith.constant 1 : i32
        %add3A_461 = arith.addi %mul3A_120, %add3A_460 : i32
        %jit3A_462 = arith.constant 32 : i32
        %div3A_463 = arith.divsi %add3A_461, %jit3A_462 : i32
        %sign3A_464 = arith.constant 0 : i32
        %sign3A_465 = arith.cmpi sgt, %add3A_461, %sign3A_464 : i32
        %sign3A_466 = arith.extui %sign3A_465 : i1 to i32
        %sign3A_467 = arith.constant 0 : i32
        %sign3A_468 = arith.cmpi slt, %add3A_461, %sign3A_467 : i32
        %sign3A_469 = arith.extui %sign3A_468 : i1 to i32
        %sign3A_470 = arith.subi %sign3A_466, %sign3A_469 : i32
        %sign3A_471 = arith.constant 0 : i32
        %sign3A_472 = arith.cmpi sgt, %jit3A_462, %sign3A_471 : i32
        %sign3A_473 = arith.extui %sign3A_472 : i1 to i32
        %sign3A_474 = arith.constant 0 : i32
        %sign3A_475 = arith.cmpi slt, %jit3A_462, %sign3A_474 : i32
        %sign3A_476 = arith.extui %sign3A_475 : i1 to i32
        %sign3A_477 = arith.subi %sign3A_473, %sign3A_476 : i32
        %ne3A_478 = arith.cmpi ne, %sign3A_470, %sign3A_477 : i32
        %rem3A_479 = arith.remsi %add3A_461, %jit3A_462 : i32
        %ne3A_480 = arith.constant 0 : i32
        %ne3A_481 = arith.cmpi ne, %rem3A_479, %ne3A_480 : i32
        %and3A_482 = arith.andi %ne3A_478, %ne3A_481 : i1
        %sub3A_483 = arith.constant 1 : i32
        %sub3A_484 = arith.subi %div3A_463, %sub3A_483 : i32
        %select_n3A_485 = arith.select %and3A_482, %sub3A_484, %div3A_463 : i32
        %jit3A_486 = arith.constant 2 : i32
        %eq3A_487 = arith.constant 0 : i32
        %eq3A_488 = arith.cmpi eq, %jit3A_486, %eq3A_487 : i32
        %jit3A_489 = arith.constant 1 : i32
        %select_n3A_490 = arith.select %eq3A_488, %jit3A_489, %jit3A_486 : i32
        %rem3A_491 = arith.remsi %select_n3A_485, %select_n3A_490 : i32
        %ne3A_492 = arith.constant 0 : i32
        %ne3A_493 = arith.cmpi ne, %rem3A_491, %ne3A_492 : i32
        %lt3A_494 = arith.constant 0 : i32
        %lt3A_495 = arith.cmpi slt, %rem3A_491, %lt3A_494 : i32
        %lt3A_496 = arith.constant 0 : i32
        %lt3A_497 = arith.cmpi slt, %select_n3A_490, %lt3A_496 : i32
        %ne3A_498 = arith.xori %lt3A_495, %lt3A_497 : i1
        %and3A_499 = arith.andi %ne3A_498, %ne3A_493 : i1
        %add3A_500 = arith.addi %rem3A_491, %select_n3A_490 : i32
        %select_n3A_501 = arith.select %and3A_499, %add3A_500, %rem3A_491 : i32
        %mul3A_502 = arith.constant 32 : i32
        %mul3A_503 = arith.muli %select_n3A_485, %mul3A_502 : i32
        %sub3A_504 = arith.subi %add3A_461, %mul3A_503 : i32
        %dma_wait3A_505 = arith.constant 1 : i32
        %dma_wait3A_506 = arith.constant 0 : i32
        %dma_wait3A_507 = arith.constant 0 : i32
        %dma_wait3A_508 = tpu.memref_slice %arg9[%dma_wait3A_505, %dma_wait3A_506, %dma_wait3A_507] : memref<4x40x128xf32, #tpu.memory_space<vmem>> -> memref<1x40x128xf32, #tpu.memory_space<vmem>>
        %dma_wait3A_509 = tpu.memref_squeeze %dma_wait3A_508 : memref<1x40x128xf32, #tpu.memory_space<vmem>> -> memref<40x128xf32, #tpu.memory_space<vmem>>
        %dma_wait3A_510 = arith.constant 0 : i32
        %dma_wait3A_511 = tpu.memref_slice %arg8[%select_n3A_501, %sub3A_504, %dma_wait3A_510] : memref<2x32x40xi32, #tpu.memory_space<vmem>> -> memref<1x1x40xi32, #tpu.memory_space<vmem>>
        %dma_wait3A_512 = tpu.memref_squeeze %dma_wait3A_511 : memref<1x1x40xi32, #tpu.memory_space<vmem>> -> memref<40xi32, #tpu.memory_space<vmem>>
        %dma_wait3A_513 = arith.constant 0 : i32
        %dma_wait3A_514 = arith.constant 0 : i32
        %dma_wait3A_515 = tpu.memref_slice %arg10[%dma_wait3A_513, %dma_wait3A_514] : memref<10112x128xf32, #tpu.memory_space<vmem_shared>> -> memref<10112x128xf32, #tpu.memory_space<vmem_shared>>
        tpu.wait_indirect_dma semaphore(%arg16 : memref<!tpu.dma_semaphore, #tpu.memory_space<semaphore_mem>>) src(%dma_wait3A_509 : memref<40x128xf32, #tpu.memory_space<vmem>>) dst(%dma_wait3A_515 : memref<10112x128xf32, #tpu.memory_space<vmem_shared>>)
        %jit3A_516 = arith.constant 32 : i32
        %div3A_517 = arith.divsi %add3A_436, %jit3A_516 : i32
        %sign3A_518 = arith.constant 0 : i32
        %sign3A_519 = arith.cmpi sgt, %add3A_436, %sign3A_518 : i32
        %sign3A_520 = arith.extui %sign3A_519 : i1 to i32
        %sign3A_521 = arith.constant 0 : i32
        %sign3A_522 = arith.cmpi slt, %add3A_436, %sign3A_521 : i32
        %sign3A_523 = arith.extui %sign3A_522 : i1 to i32
        %sign3A_524 = arith.subi %sign3A_520, %sign3A_523 : i32
        %sign3A_525 = arith.constant 0 : i32
        %sign3A_526 = arith.cmpi sgt, %jit3A_516, %sign3A_525 : i32
        %sign3A_527 = arith.extui %sign3A_526 : i1 to i32
        %sign3A_528 = arith.constant 0 : i32
        %sign3A_529 = arith.cmpi slt, %jit3A_516, %sign3A_528 : i32
        %sign3A_530 = arith.extui %sign3A_529 : i1 to i32
        %sign3A_531 = arith.subi %sign3A_527, %sign3A_530 : i32
        %ne3A_532 = arith.cmpi ne, %sign3A_524, %sign3A_531 : i32
        %rem3A_533 = arith.remsi %add3A_436, %jit3A_516 : i32
        %ne3A_534 = arith.constant 0 : i32
        %ne3A_535 = arith.cmpi ne, %rem3A_533, %ne3A_534 : i32
        %and3A_536 = arith.andi %ne3A_532, %ne3A_535 : i1
        %sub3A_537 = arith.constant 1 : i32
        %sub3A_538 = arith.subi %div3A_517, %sub3A_537 : i32
        %select_n3A_539 = arith.select %and3A_536, %sub3A_538, %div3A_517 : i32
        %jit3A_540 = arith.constant 2 : i32
        %eq3A_541 = arith.constant 0 : i32
        %eq3A_542 = arith.cmpi eq, %jit3A_540, %eq3A_541 : i32
        %jit3A_543 = arith.constant 1 : i32
        %select_n3A_544 = arith.select %eq3A_542, %jit3A_543, %jit3A_540 : i32
        %rem3A_545 = arith.remsi %select_n3A_539, %select_n3A_544 : i32
        %ne3A_546 = arith.constant 0 : i32
        %ne3A_547 = arith.cmpi ne, %rem3A_545, %ne3A_546 : i32
        %lt3A_548 = arith.constant 0 : i32
        %lt3A_549 = arith.cmpi slt, %rem3A_545, %lt3A_548 : i32
        %lt3A_550 = arith.constant 0 : i32
        %lt3A_551 = arith.cmpi slt, %select_n3A_544, %lt3A_550 : i32
        %ne3A_552 = arith.xori %lt3A_549, %lt3A_551 : i1
        %and3A_553 = arith.andi %ne3A_552, %ne3A_547 : i1
        %add3A_554 = arith.addi %rem3A_545, %select_n3A_544 : i32
        %select_n3A_555 = arith.select %and3A_553, %add3A_554, %rem3A_545 : i32
        %mul3A_556 = arith.constant 32 : i32
        %mul3A_557 = arith.muli %select_n3A_539, %mul3A_556 : i32
        %sub3A_558 = arith.subi %add3A_436, %mul3A_557 : i32
        %dma_start3A_559 = arith.constant 1 : i32
        %dma_start3A_560 = arith.constant 0 : i32
        %dma_start3A_561 = arith.constant 0 : i32
        %dma_start3A_562 = tpu.memref_slice %arg9[%dma_start3A_559, %dma_start3A_560, %dma_start3A_561] : memref<4x40x128xf32, #tpu.memory_space<vmem>> -> memref<1x40x128xf32, #tpu.memory_space<vmem>>
        %dma_start3A_563 = tpu.memref_squeeze %dma_start3A_562 : memref<1x40x128xf32, #tpu.memory_space<vmem>> -> memref<40x128xf32, #tpu.memory_space<vmem>>
        %dma_start3A_564 = arith.constant 0 : i32
        %dma_start3A_565 = tpu.memref_slice %arg7[%select_n3A_555, %sub3A_558, %dma_start3A_564] : memref<2x32x40xi32, #tpu.memory_space<vmem>> -> memref<1x1x40xi32, #tpu.memory_space<vmem>>
        %dma_start3A_566 = tpu.memref_squeeze %dma_start3A_565 : memref<1x1x40xi32, #tpu.memory_space<vmem>> -> memref<40xi32, #tpu.memory_space<vmem>>
        %dma_start3A_567 = arith.constant 0 : i32
        %dma_start3A_568 = arith.constant 0 : i32
        %dma_start3A_569 = tpu.memref_slice %arg2[%dma_start3A_567, %dma_start3A_568] : memref<10016x128xf32, #tpu.memory_space<hbm>> -> memref<10016x128xf32, #tpu.memory_space<hbm>>
        tpu.enqueue_indirect_dma source(%dma_start3A_569 : memref<10016x128xf32, #tpu.memory_space<hbm>>) target(%dma_start3A_563 : memref<40x128xf32, #tpu.memory_space<vmem>>) offsets(%dma_start3A_566 : memref<40xi32, #tpu.memory_space<vmem>>) semaphore(%arg12 : memref<!tpu.dma_semaphore, #tpu.memory_space<semaphore_mem>>)
      } else {
      }
      %add3A_442 = arith.constant 4 : i32
      %add3A_443 = arith.addi %mul3A_120, %add3A_442 : i32
      %add3A_444 = arith.constant 2 : i32
      %add3A_445 = arith.addi %add3A_443, %add3A_444 : i32
      %lt3A_446 = arith.constant 256 : i32
      %lt3A_447 = arith.cmpi slt, %add3A_445, %lt3A_446 : i32
      %convert_element_type3A_448 = arith.extui %lt3A_447 : i1 to i32
      %cond3A_449 = arith.constant 0 : i32
      %cond3A_450 = arith.cmpi ne, %convert_element_type3A_448, %cond3A_449 : i32
      scf.if %cond3A_450 {
        %add3A_460 = arith.constant 2 : i32
        %add3A_461 = arith.addi %mul3A_120, %add3A_460 : i32
        %jit3A_462 = arith.constant 32 : i32
        %div3A_463 = arith.divsi %add3A_461, %jit3A_462 : i32
        %sign3A_464 = arith.constant 0 : i32
        %sign3A_465 = arith.cmpi sgt, %add3A_461, %sign3A_464 : i32
        %sign3A_466 = arith.extui %sign3A_465 : i1 to i32
        %sign3A_467 = arith.constant 0 : i32
        %sign3A_468 = arith.cmpi slt, %add3A_461, %sign3A_467 : i32
        %sign3A_469 = arith.extui %sign3A_468 : i1 to i32
        %sign3A_470 = arith.subi %sign3A_466, %sign3A_469 : i32
        %sign3A_471 = arith.constant 0 : i32
        %sign3A_472 = arith.cmpi sgt, %jit3A_462, %sign3A_471 : i32
        %sign3A_473 = arith.extui %sign3A_472 : i1 to i32
        %sign3A_474 = arith.constant 0 : i32
        %sign3A_475 = arith.cmpi slt, %jit3A_462, %sign3A_474 : i32
        %sign3A_476 = arith.extui %sign3A_475 : i1 to i32
        %sign3A_477 = arith.subi %sign3A_473, %sign3A_476 : i32
        %ne3A_478 = arith.cmpi ne, %sign3A_470, %sign3A_477 : i32
        %rem3A_479 = arith.remsi %add3A_461, %jit3A_462 : i32
        %ne3A_480 = arith.constant 0 : i32
        %ne3A_481 = arith.cmpi ne, %rem3A_479, %ne3A_480 : i32
        %and3A_482 = arith.andi %ne3A_478, %ne3A_481 : i1
        %sub3A_483 = arith.constant 1 : i32
        %sub3A_484 = arith.subi %div3A_463, %sub3A_483 : i32
        %select_n3A_485 = arith.select %and3A_482, %sub3A_484, %div3A_463 : i32
        %jit3A_486 = arith.constant 2 : i32
        %eq3A_487 = arith.constant 0 : i32
        %eq3A_488 = arith.cmpi eq, %jit3A_486, %eq3A_487 : i32
        %jit3A_489 = arith.constant 1 : i32
        %select_n3A_490 = arith.select %eq3A_488, %jit3A_489, %jit3A_486 : i32
        %rem3A_491 = arith.remsi %select_n3A_485, %select_n3A_490 : i32
        %ne3A_492 = arith.constant 0 : i32
        %ne3A_493 = arith.cmpi ne, %rem3A_491, %ne3A_492 : i32
        %lt3A_494 = arith.constant 0 : i32
        %lt3A_495 = arith.cmpi slt, %rem3A_491, %lt3A_494 : i32
        %lt3A_496 = arith.constant 0 : i32
        %lt3A_497 = arith.cmpi slt, %select_n3A_490, %lt3A_496 : i32
        %ne3A_498 = arith.xori %lt3A_495, %lt3A_497 : i1
        %and3A_499 = arith.andi %ne3A_498, %ne3A_493 : i1
        %add3A_500 = arith.addi %rem3A_491, %select_n3A_490 : i32
        %select_n3A_501 = arith.select %and3A_499, %add3A_500, %rem3A_491 : i32
        %mul3A_502 = arith.constant 32 : i32
        %mul3A_503 = arith.muli %select_n3A_485, %mul3A_502 : i32
        %sub3A_504 = arith.subi %add3A_461, %mul3A_503 : i32
        %dma_wait3A_505 = arith.constant 2 : i32
        %dma_wait3A_506 = arith.constant 0 : i32
        %dma_wait3A_507 = arith.constant 0 : i32
        %dma_wait3A_508 = tpu.memref_slice %arg9[%dma_wait3A_505, %dma_wait3A_506, %dma_wait3A_507] : memref<4x40x128xf32, #tpu.memory_space<vmem>> -> memref<1x40x128xf32, #tpu.memory_space<vmem>>
        %dma_wait3A_509 = tpu.memref_squeeze %dma_wait3A_508 : memref<1x40x128xf32, #tpu.memory_space<vmem>> -> memref<40x128xf32, #tpu.memory_space<vmem>>
        %dma_wait3A_510 = arith.constant 0 : i32
        %dma_wait3A_511 = tpu.memref_slice %arg8[%select_n3A_501, %sub3A_504, %dma_wait3A_510] : memref<2x32x40xi32, #tpu.memory_space<vmem>> -> memref<1x1x40xi32, #tpu.memory_space<vmem>>
        %dma_wait3A_512 = tpu.memref_squeeze %dma_wait3A_511 : memref<1x1x40xi32, #tpu.memory_space<vmem>> -> memref<40xi32, #tpu.memory_space<vmem>>
        %dma_wait3A_513 = arith.constant 0 : i32
        %dma_wait3A_514 = arith.constant 0 : i32
        %dma_wait3A_515 = tpu.memref_slice %arg10[%dma_wait3A_513, %dma_wait3A_514] : memref<10112x128xf32, #tpu.memory_space<vmem_shared>> -> memref<10112x128xf32, #tpu.memory_space<vmem_shared>>
        tpu.wait_indirect_dma semaphore(%arg17 : memref<!tpu.dma_semaphore, #tpu.memory_space<semaphore_mem>>) src(%dma_wait3A_509 : memref<40x128xf32, #tpu.memory_space<vmem>>) dst(%dma_wait3A_515 : memref<10112x128xf32, #tpu.memory_space<vmem_shared>>)
        %jit3A_516 = arith.constant 32 : i32
        %div3A_517 = arith.divsi %add3A_445, %jit3A_516 : i32
        %sign3A_518 = arith.constant 0 : i32
        %sign3A_519 = arith.cmpi sgt, %add3A_445, %sign3A_518 : i32
        %sign3A_520 = arith.extui %sign3A_519 : i1 to i32
        %sign3A_521 = arith.constant 0 : i32
        %sign3A_522 = arith.cmpi slt, %add3A_445, %sign3A_521 : i32
        %sign3A_523 = arith.extui %sign3A_522 : i1 to i32
        %sign3A_524 = arith.subi %sign3A_520, %sign3A_523 : i32
        %sign3A_525 = arith.constant 0 : i32
        %sign3A_526 = arith.cmpi sgt, %jit3A_516, %sign3A_525 : i32
        %sign3A_527 = arith.extui %sign3A_526 : i1 to i32
        %sign3A_528 = arith.constant 0 : i32
        %sign3A_529 = arith.cmpi slt, %jit3A_516, %sign3A_528 : i32
        %sign3A_530 = arith.extui %sign3A_529 : i1 to i32
        %sign3A_531 = arith.subi %sign3A_527, %sign3A_530 : i32
        %ne3A_532 = arith.cmpi ne, %sign3A_524, %sign3A_531 : i32
        %rem3A_533 = arith.remsi %add3A_445, %jit3A_516 : i32
        %ne3A_534 = arith.constant 0 : i32
        %ne3A_535 = arith.cmpi ne, %rem3A_533, %ne3A_534 : i32
        %and3A_536 = arith.andi %ne3A_532, %ne3A_535 : i1
        %sub3A_537 = arith.constant 1 : i32
        %sub3A_538 = arith.subi %div3A_517, %sub3A_537 : i32
        %select_n3A_539 = arith.select %and3A_536, %sub3A_538, %div3A_517 : i32
        %jit3A_540 = arith.constant 2 : i32
        %eq3A_541 = arith.constant 0 : i32
        %eq3A_542 = arith.cmpi eq, %jit3A_540, %eq3A_541 : i32
        %jit3A_543 = arith.constant 1 : i32
        %select_n3A_544 = arith.select %eq3A_542, %jit3A_543, %jit3A_540 : i32
        %rem3A_545 = arith.remsi %select_n3A_539, %select_n3A_544 : i32
        %ne3A_546 = arith.constant 0 : i32
        %ne3A_547 = arith.cmpi ne, %rem3A_545, %ne3A_546 : i32
        %lt3A_548 = arith.constant 0 : i32
        %lt3A_549 = arith.cmpi slt, %rem3A_545, %lt3A_548 : i32
        %lt3A_550 = arith.constant 0 : i32
        %lt3A_551 = arith.cmpi slt, %select_n3A_544, %lt3A_550 : i32
        %ne3A_552 = arith.xori %lt3A_549, %lt3A_551 : i1
        %and3A_553 = arith.andi %ne3A_552, %ne3A_547 : i1
        %add3A_554 = arith.addi %rem3A_545, %select_n3A_544 : i32
        %select_n3A_555 = arith.select %and3A_553, %add3A_554, %rem3A_545 : i32
        %mul3A_556 = arith.constant 32 : i32
        %mul3A_557 = arith.muli %select_n3A_539, %mul3A_556 : i32
        %sub3A_558 = arith.subi %add3A_445, %mul3A_557 : i32
        %dma_start3A_559 = arith.constant 2 : i32
        %dma_start3A_560 = arith.constant 0 : i32
        %dma_start3A_561 = arith.constant 0 : i32
        %dma_start3A_562 = tpu.memref_slice %arg9[%dma_start3A_559, %dma_start3A_560, %dma_start3A_561] : memref<4x40x128xf32, #tpu.memory_space<vmem>> -> memref<1x40x128xf32, #tpu.memory_space<vmem>>
        %dma_start3A_563 = tpu.memref_squeeze %dma_start3A_562 : memref<1x40x128xf32, #tpu.memory_space<vmem>> -> memref<40x128xf32, #tpu.memory_space<vmem>>
        %dma_start3A_564 = arith.constant 0 : i32
        %dma_start3A_565 = tpu.memref_slice %arg7[%select_n3A_555, %sub3A_558, %dma_start3A_564] : memref<2x32x40xi32, #tpu.memory_space<vmem>> -> memref<1x1x40xi32, #tpu.memory_space<vmem>>
        %dma_start3A_566 = tpu.memref_squeeze %dma_start3A_565 : memref<1x1x40xi32, #tpu.memory_space<vmem>> -> memref<40xi32, #tpu.memory_space<vmem>>
        %dma_start3A_567 = arith.constant 0 : i32
        %dma_start3A_568 = arith.constant 0 : i32
        %dma_start3A_569 = tpu.memref_slice %arg2[%dma_start3A_567, %dma_start3A_568] : memref<10016x128xf32, #tpu.memory_space<hbm>> -> memref<10016x128xf32, #tpu.memory_space<hbm>>
        tpu.enqueue_indirect_dma source(%dma_start3A_569 : memref<10016x128xf32, #tpu.memory_space<hbm>>) target(%dma_start3A_563 : memref<40x128xf32, #tpu.memory_space<vmem>>) offsets(%dma_start3A_566 : memref<40xi32, #tpu.memory_space<vmem>>) semaphore(%arg13 : memref<!tpu.dma_semaphore, #tpu.memory_space<semaphore_mem>>)
      } else {
      }
      %add3A_451 = arith.constant 4 : i32
      %add3A_452 = arith.addi %mul3A_120, %add3A_451 : i32
      %add3A_453 = arith.constant 3 : i32
      %add3A_454 = arith.addi %add3A_452, %add3A_453 : i32
      %lt3A_455 = arith.constant 256 : i32
      %lt3A_456 = arith.cmpi slt, %add3A_454, %lt3A_455 : i32
      %convert_element_type3A_457 = arith.extui %lt3A_456 : i1 to i32
      %cond3A_458 = arith.constant 0 : i32
      %cond3A_459 = arith.cmpi ne, %convert_element_type3A_457, %cond3A_458 : i32
      scf.if %cond3A_459 {
        %add3A_460 = arith.constant 3 : i32
        %add3A_461 = arith.addi %mul3A_120, %add3A_460 : i32
        %jit3A_462 = arith.constant 32 : i32
        %div3A_463 = arith.divsi %add3A_461, %jit3A_462 : i32
        %sign3A_464 = arith.constant 0 : i32
        %sign3A_465 = arith.cmpi sgt, %add3A_461, %sign3A_464 : i32
        %sign3A_466 = arith.extui %sign3A_465 : i1 to i32
        %sign3A_467 = arith.constant 0 : i32
        %sign3A_468 = arith.cmpi slt, %add3A_461, %sign3A_467 : i32
        %sign3A_469 = arith.extui %sign3A_468 : i1 to i32
        %sign3A_470 = arith.subi %sign3A_466, %sign3A_469 : i32
        %sign3A_471 = arith.constant 0 : i32
        %sign3A_472 = arith.cmpi sgt, %jit3A_462, %sign3A_471 : i32
        %sign3A_473 = arith.extui %sign3A_472 : i1 to i32
        %sign3A_474 = arith.constant 0 : i32
        %sign3A_475 = arith.cmpi slt, %jit3A_462, %sign3A_474 : i32
        %sign3A_476 = arith.extui %sign3A_475 : i1 to i32
        %sign3A_477 = arith.subi %sign3A_473, %sign3A_476 : i32
        %ne3A_478 = arith.cmpi ne, %sign3A_470, %sign3A_477 : i32
        %rem3A_479 = arith.remsi %add3A_461, %jit3A_462 : i32
        %ne3A_480 = arith.constant 0 : i32
        %ne3A_481 = arith.cmpi ne, %rem3A_479, %ne3A_480 : i32
        %and3A_482 = arith.andi %ne3A_478, %ne3A_481 : i1
        %sub3A_483 = arith.constant 1 : i32
        %sub3A_484 = arith.subi %div3A_463, %sub3A_483 : i32
        %select_n3A_485 = arith.select %and3A_482, %sub3A_484, %div3A_463 : i32
        %jit3A_486 = arith.constant 2 : i32
        %eq3A_487 = arith.constant 0 : i32
        %eq3A_488 = arith.cmpi eq, %jit3A_486, %eq3A_487 : i32
        %jit3A_489 = arith.constant 1 : i32
        %select_n3A_490 = arith.select %eq3A_488, %jit3A_489, %jit3A_486 : i32
        %rem3A_491 = arith.remsi %select_n3A_485, %select_n3A_490 : i32
        %ne3A_492 = arith.constant 0 : i32
        %ne3A_493 = arith.cmpi ne, %rem3A_491, %ne3A_492 : i32
        %lt3A_494 = arith.constant 0 : i32
        %lt3A_495 = arith.cmpi slt, %rem3A_491, %lt3A_494 : i32
        %lt3A_496 = arith.constant 0 : i32
        %lt3A_497 = arith.cmpi slt, %select_n3A_490, %lt3A_496 : i32
        %ne3A_498 = arith.xori %lt3A_495, %lt3A_497 : i1
        %and3A_499 = arith.andi %ne3A_498, %ne3A_493 : i1
        %add3A_500 = arith.addi %rem3A_491, %select_n3A_490 : i32
        %select_n3A_501 = arith.select %and3A_499, %add3A_500, %rem3A_491 : i32
        %mul3A_502 = arith.constant 32 : i32
        %mul3A_503 = arith.muli %select_n3A_485, %mul3A_502 : i32
        %sub3A_504 = arith.subi %add3A_461, %mul3A_503 : i32
        %dma_wait3A_505 = arith.constant 3 : i32
        %dma_wait3A_506 = arith.constant 0 : i32
        %dma_wait3A_507 = arith.constant 0 : i32
        %dma_wait3A_508 = tpu.memref_slice %arg9[%dma_wait3A_505, %dma_wait3A_506, %dma_wait3A_507] : memref<4x40x128xf32, #tpu.memory_space<vmem>> -> memref<1x40x128xf32, #tpu.memory_space<vmem>>
        %dma_wait3A_509 = tpu.memref_squeeze %dma_wait3A_508 : memref<1x40x128xf32, #tpu.memory_space<vmem>> -> memref<40x128xf32, #tpu.memory_space<vmem>>
        %dma_wait3A_510 = arith.constant 0 : i32
        %dma_wait3A_511 = tpu.memref_slice %arg8[%select_n3A_501, %sub3A_504, %dma_wait3A_510] : memref<2x32x40xi32, #tpu.memory_space<vmem>> -> memref<1x1x40xi32, #tpu.memory_space<vmem>>
        %dma_wait3A_512 = tpu.memref_squeeze %dma_wait3A_511 : memref<1x1x40xi32, #tpu.memory_space<vmem>> -> memref<40xi32, #tpu.memory_space<vmem>>
        %dma_wait3A_513 = arith.constant 0 : i32
        %dma_wait3A_514 = arith.constant 0 : i32
        %dma_wait3A_515 = tpu.memref_slice %arg10[%dma_wait3A_513, %dma_wait3A_514] : memref<10112x128xf32, #tpu.memory_space<vmem_shared>> -> memref<10112x128xf32, #tpu.memory_space<vmem_shared>>
        tpu.wait_indirect_dma semaphore(%arg18 : memref<!tpu.dma_semaphore, #tpu.memory_space<semaphore_mem>>) src(%dma_wait3A_509 : memref<40x128xf32, #tpu.memory_space<vmem>>) dst(%dma_wait3A_515 : memref<10112x128xf32, #tpu.memory_space<vmem_shared>>)
        %jit3A_516 = arith.constant 32 : i32
        %div3A_517 = arith.divsi %add3A_454, %jit3A_516 : i32
        %sign3A_518 = arith.constant 0 : i32
        %sign3A_519 = arith.cmpi sgt, %add3A_454, %sign3A_518 : i32
        %sign3A_520 = arith.extui %sign3A_519 : i1 to i32
        %sign3A_521 = arith.constant 0 : i32
        %sign3A_522 = arith.cmpi slt, %add3A_454, %sign3A_521 : i32
        %sign3A_523 = arith.extui %sign3A_522 : i1 to i32
        %sign3A_524 = arith.subi %sign3A_520, %sign3A_523 : i32
        %sign3A_525 = arith.constant 0 : i32
        %sign3A_526 = arith.cmpi sgt, %jit3A_516, %sign3A_525 : i32
        %sign3A_527 = arith.extui %sign3A_526 : i1 to i32
        %sign3A_528 = arith.constant 0 : i32
        %sign3A_529 = arith.cmpi slt, %jit3A_516, %sign3A_528 : i32
        %sign3A_530 = arith.extui %sign3A_529 : i1 to i32
        %sign3A_531 = arith.subi %sign3A_527, %sign3A_530 : i32
        %ne3A_532 = arith.cmpi ne, %sign3A_524, %sign3A_531 : i32
        %rem3A_533 = arith.remsi %add3A_454, %jit3A_516 : i32
        %ne3A_534 = arith.constant 0 : i32
        %ne3A_535 = arith.cmpi ne, %rem3A_533, %ne3A_534 : i32
        %and3A_536 = arith.andi %ne3A_532, %ne3A_535 : i1
        %sub3A_537 = arith.constant 1 : i32
        %sub3A_538 = arith.subi %div3A_517, %sub3A_537 : i32
        %select_n3A_539 = arith.select %and3A_536, %sub3A_538, %div3A_517 : i32
        %jit3A_540 = arith.constant 2 : i32
        %eq3A_541 = arith.constant 0 : i32
        %eq3A_542 = arith.cmpi eq, %jit3A_540, %eq3A_541 : i32
        %jit3A_543 = arith.constant 1 : i32
        %select_n3A_544 = arith.select %eq3A_542, %jit3A_543, %jit3A_540 : i32
        %rem3A_545 = arith.remsi %select_n3A_539, %select_n3A_544 : i32
        %ne3A_546 = arith.constant 0 : i32
        %ne3A_547 = arith.cmpi ne, %rem3A_545, %ne3A_546 : i32
        %lt3A_548 = arith.constant 0 : i32
        %lt3A_549 = arith.cmpi slt, %rem3A_545, %lt3A_548 : i32
        %lt3A_550 = arith.constant 0 : i32
        %lt3A_551 = arith.cmpi slt, %select_n3A_544, %lt3A_550 : i32
        %ne3A_552 = arith.xori %lt3A_549, %lt3A_551 : i1
        %and3A_553 = arith.andi %ne3A_552, %ne3A_547 : i1
        %add3A_554 = arith.addi %rem3A_545, %select_n3A_544 : i32
        %select_n3A_555 = arith.select %and3A_553, %add3A_554, %rem3A_545 : i32
        %mul3A_556 = arith.constant 32 : i32
        %mul3A_557 = arith.muli %select_n3A_539, %mul3A_556 : i32
        %sub3A_558 = arith.subi %add3A_454, %mul3A_557 : i32
        %dma_start3A_559 = arith.constant 3 : i32
        %dma_start3A_560 = arith.constant 0 : i32
        %dma_start3A_561 = arith.constant 0 : i32
        %dma_start3A_562 = tpu.memref_slice %arg9[%dma_start3A_559, %dma_start3A_560, %dma_start3A_561] : memref<4x40x128xf32, #tpu.memory_space<vmem>> -> memref<1x40x128xf32, #tpu.memory_space<vmem>>
        %dma_start3A_563 = tpu.memref_squeeze %dma_start3A_562 : memref<1x40x128xf32, #tpu.memory_space<vmem>> -> memref<40x128xf32, #tpu.memory_space<vmem>>
        %dma_start3A_564 = arith.constant 0 : i32
        %dma_start3A_565 = tpu.memref_slice %arg7[%select_n3A_555, %sub3A_558, %dma_start3A_564] : memref<2x32x40xi32, #tpu.memory_space<vmem>> -> memref<1x1x40xi32, #tpu.memory_space<vmem>>
        %dma_start3A_566 = tpu.memref_squeeze %dma_start3A_565 : memref<1x1x40xi32, #tpu.memory_space<vmem>> -> memref<40xi32, #tpu.memory_space<vmem>>
        %dma_start3A_567 = arith.constant 0 : i32
        %dma_start3A_568 = arith.constant 0 : i32
        %dma_start3A_569 = tpu.memref_slice %arg2[%dma_start3A_567, %dma_start3A_568] : memref<10016x128xf32, #tpu.memory_space<hbm>> -> memref<10016x128xf32, #tpu.memory_space<hbm>>
        tpu.enqueue_indirect_dma source(%dma_start3A_569 : memref<10016x128xf32, #tpu.memory_space<hbm>>) target(%dma_start3A_563 : memref<40x128xf32, #tpu.memory_space<vmem>>) offsets(%dma_start3A_566 : memref<40xi32, #tpu.memory_space<vmem>>) semaphore(%arg14 : memref<!tpu.dma_semaphore, #tpu.memory_space<semaphore_mem>>)
      } else {
      }
    }
    %scan3A_61 = arith.constant 64 : i32
    %dma_wait3A = arith.constant 0 : i32
    %dma_wait3A_62 = arith.constant 1 : i32
    %dma_wait3A_63 = arith.constant 28 : i32
    %dma_wait3A_64 = arith.constant 0 : i32
    %dma_wait3A_65 = arith.constant 0 : i32
    %dma_wait3A_66 = tpu.memref_slice %arg9[%dma_wait3A, %dma_wait3A_64, %dma_wait3A_65] : memref<4x40x128xf32, #tpu.memory_space<vmem>> -> memref<1x40x128xf32, #tpu.memory_space<vmem>>
    %dma_wait3A_67 = tpu.memref_squeeze %dma_wait3A_66 : memref<1x40x128xf32, #tpu.memory_space<vmem>> -> memref<40x128xf32, #tpu.memory_space<vmem>>
    %dma_wait3A_68 = arith.constant 0 : i32
    %dma_wait3A_69 = tpu.memref_slice %arg8[%dma_wait3A_62, %dma_wait3A_63, %dma_wait3A_68] : memref<2x32x40xi32, #tpu.memory_space<vmem>> -> memref<1x1x40xi32, #tpu.memory_space<vmem>>
    %dma_wait3A_70 = tpu.memref_squeeze %dma_wait3A_69 : memref<1x1x40xi32, #tpu.memory_space<vmem>> -> memref<40xi32, #tpu.memory_space<vmem>>
    %dma_wait3A_71 = arith.constant 0 : i32
    %dma_wait3A_72 = arith.constant 0 : i32
    %dma_wait3A_73 = tpu.memref_slice %arg10[%dma_wait3A_71, %dma_wait3A_72] : memref<10112x128xf32, #tpu.memory_space<vmem_shared>> -> memref<10112x128xf32, #tpu.memory_space<vmem_shared>>
    tpu.wait_indirect_dma semaphore(%arg15 : memref<!tpu.dma_semaphore, #tpu.memory_space<semaphore_mem>>) src(%dma_wait3A_67 : memref<40x128xf32, #tpu.memory_space<vmem>>) dst(%dma_wait3A_73 : memref<10112x128xf32, #tpu.memory_space<vmem_shared>>)
    %dma_wait3A_74 = arith.constant 1 : i32
    %dma_wait3A_75 = arith.constant 1 : i32
    %dma_wait3A_76 = arith.constant 29 : i32
    %dma_wait3A_77 = arith.constant 0 : i32
    %dma_wait3A_78 = arith.constant 0 : i32
    %dma_wait3A_79 = tpu.memref_slice %arg9[%dma_wait3A_74, %dma_wait3A_77, %dma_wait3A_78] : memref<4x40x128xf32, #tpu.memory_space<vmem>> -> memref<1x40x128xf32, #tpu.memory_space<vmem>>
    %dma_wait3A_80 = tpu.memref_squeeze %dma_wait3A_79 : memref<1x40x128xf32, #tpu.memory_space<vmem>> -> memref<40x128xf32, #tpu.memory_space<vmem>>
    %dma_wait3A_81 = arith.constant 0 : i32
    %dma_wait3A_82 = tpu.memref_slice %arg8[%dma_wait3A_75, %dma_wait3A_76, %dma_wait3A_81] : memref<2x32x40xi32, #tpu.memory_space<vmem>> -> memref<1x1x40xi32, #tpu.memory_space<vmem>>
    %dma_wait3A_83 = tpu.memref_squeeze %dma_wait3A_82 : memref<1x1x40xi32, #tpu.memory_space<vmem>> -> memref<40xi32, #tpu.memory_space<vmem>>
    %dma_wait3A_84 = arith.constant 0 : i32
    %dma_wait3A_85 = arith.constant 0 : i32
    %dma_wait3A_86 = tpu.memref_slice %arg10[%dma_wait3A_84, %dma_wait3A_85] : memref<10112x128xf32, #tpu.memory_space<vmem_shared>> -> memref<10112x128xf32, #tpu.memory_space<vmem_shared>>
    tpu.wait_indirect_dma semaphore(%arg16 : memref<!tpu.dma_semaphore, #tpu.memory_space<semaphore_mem>>) src(%dma_wait3A_80 : memref<40x128xf32, #tpu.memory_space<vmem>>) dst(%dma_wait3A_86 : memref<10112x128xf32, #tpu.memory_space<vmem_shared>>)
    %dma_wait3A_87 = arith.constant 2 : i32
    %dma_wait3A_88 = arith.constant 1 : i32
    %dma_wait3A_89 = arith.constant 30 : i32
    %dma_wait3A_90 = arith.constant 0 : i32
    %dma_wait3A_91 = arith.constant 0 : i32
    %dma_wait3A_92 = tpu.memref_slice %arg9[%dma_wait3A_87, %dma_wait3A_90, %dma_wait3A_91] : memref<4x40x128xf32, #tpu.memory_space<vmem>> -> memref<1x40x128xf32, #tpu.memory_space<vmem>>
    %dma_wait3A_93 = tpu.memref_squeeze %dma_wait3A_92 : memref<1x40x128xf32, #tpu.memory_space<vmem>> -> memref<40x128xf32, #tpu.memory_space<vmem>>
    %dma_wait3A_94 = arith.constant 0 : i32
    %dma_wait3A_95 = tpu.memref_slice %arg8[%dma_wait3A_88, %dma_wait3A_89, %dma_wait3A_94] : memref<2x32x40xi32, #tpu.memory_space<vmem>> -> memref<1x1x40xi32, #tpu.memory_space<vmem>>
    %dma_wait3A_96 = tpu.memref_squeeze %dma_wait3A_95 : memref<1x1x40xi32, #tpu.memory_space<vmem>> -> memref<40xi32, #tpu.memory_space<vmem>>
    %dma_wait3A_97 = arith.constant 0 : i32
    %dma_wait3A_98 = arith.constant 0 : i32
    %dma_wait3A_99 = tpu.memref_slice %arg10[%dma_wait3A_97, %dma_wait3A_98] : memref<10112x128xf32, #tpu.memory_space<vmem_shared>> -> memref<10112x128xf32, #tpu.memory_space<vmem_shared>>
    tpu.wait_indirect_dma semaphore(%arg17 : memref<!tpu.dma_semaphore, #tpu.memory_space<semaphore_mem>>) src(%dma_wait3A_93 : memref<40x128xf32, #tpu.memory_space<vmem>>) dst(%dma_wait3A_99 : memref<10112x128xf32, #tpu.memory_space<vmem_shared>>)
    %dma_wait3A_100 = arith.constant 3 : i32
    %dma_wait3A_101 = arith.constant 1 : i32
    %dma_wait3A_102 = arith.constant 31 : i32
    %dma_wait3A_103 = arith.constant 0 : i32
    %dma_wait3A_104 = arith.constant 0 : i32
    %dma_wait3A_105 = tpu.memref_slice %arg9[%dma_wait3A_100, %dma_wait3A_103, %dma_wait3A_104] : memref<4x40x128xf32, #tpu.memory_space<vmem>> -> memref<1x40x128xf32, #tpu.memory_space<vmem>>
    %dma_wait3A_106 = tpu.memref_squeeze %dma_wait3A_105 : memref<1x40x128xf32, #tpu.memory_space<vmem>> -> memref<40x128xf32, #tpu.memory_space<vmem>>
    %dma_wait3A_107 = arith.constant 0 : i32
    %dma_wait3A_108 = tpu.memref_slice %arg8[%dma_wait3A_101, %dma_wait3A_102, %dma_wait3A_107] : memref<2x32x40xi32, #tpu.memory_space<vmem>> -> memref<1x1x40xi32, #tpu.memory_space<vmem>>
    %dma_wait3A_109 = tpu.memref_squeeze %dma_wait3A_108 : memref<1x1x40xi32, #tpu.memory_space<vmem>> -> memref<40xi32, #tpu.memory_space<vmem>>
    %dma_wait3A_110 = arith.constant 0 : i32
    %dma_wait3A_111 = arith.constant 0 : i32
    %dma_wait3A_112 = tpu.memref_slice %arg10[%dma_wait3A_110, %dma_wait3A_111] : memref<10112x128xf32, #tpu.memory_space<vmem_shared>> -> memref<10112x128xf32, #tpu.memory_space<vmem_shared>>
    tpu.wait_indirect_dma semaphore(%arg18 : memref<!tpu.dma_semaphore, #tpu.memory_space<semaphore_mem>>) src(%dma_wait3A_106 : memref<40x128xf32, #tpu.memory_space<vmem>>) dst(%dma_wait3A_112 : memref<10112x128xf32, #tpu.memory_space<vmem_shared>>)
    %barrier3A_113 = arith.constant 0 : index
    tpu.barrier barrier_id(%barrier3A_113)
    %mul3A_114 = arith.constant 632 : i32
    %mul3A_115 = arith.muli %arg1, %mul3A_114 : i32
    %mul3A_116 = arith.constant 632 : i32
    %mul3A_117 = arith.muli %arg1, %mul3A_116 : i32
    "tpu.region"() ({
      %run_scoped3A_118 = tpu.sem_alloc : memref<!tpu.dma_semaphore, #tpu.memory_space<semaphore_mem>>
      %dma_start3A_119 = arith.constant 0 : i32
      %dma_start3A_120 = tpu.memref_slice %arg6[%arg0, %mul3A_117, %dma_start3A_119] : memref<2x10112x128xf32, #tpu.memory_space<hbm>> -> memref<1x632x128xf32, #tpu.memory_space<hbm>>
      %dma_start3A_121 = tpu.memref_squeeze %dma_start3A_120 : memref<1x632x128xf32, #tpu.memory_space<hbm>> -> memref<632x128xf32, #tpu.memory_space<hbm>>
      %dma_start3A_122 = arith.constant 0 : i32
      %dma_start3A_123 = tpu.memref_slice %arg10[%mul3A_115, %dma_start3A_122] : memref<10112x128xf32, #tpu.memory_space<vmem_shared>> -> memref<632x128xf32, #tpu.memory_space<vmem_shared>>
      tpu.enqueue_dma source(%dma_start3A_123 : memref<632x128xf32, #tpu.memory_space<vmem_shared>>) target(%dma_start3A_121 : memref<632x128xf32, #tpu.memory_space<hbm>>) target_semaphore(%run_scoped3A_118 : memref<!tpu.dma_semaphore, #tpu.memory_space<semaphore_mem>>)
      %dma_wait3A_124 = arith.constant 0 : i32
      %dma_wait3A_125 = tpu.memref_slice %arg6[%arg0, %mul3A_117, %dma_wait3A_124] : memref<2x10112x128xf32, #tpu.memory_space<hbm>> -> memref<1x632x128xf32, #tpu.memory_space<hbm>>
      %dma_wait3A_126 = tpu.memref_squeeze %dma_wait3A_125 : memref<1x632x128xf32, #tpu.memory_space<hbm>> -> memref<632x128xf32, #tpu.memory_space<hbm>>
      %dma_wait3A_127 = arith.constant 0 : i32
      %dma_wait3A_128 = tpu.memref_slice %arg10[%mul3A_115, %dma_wait3A_127] : memref<10112x128xf32, #tpu.memory_space<vmem_shared>> -> memref<632x128xf32, #tpu.memory_space<vmem_shared>>
      tpu.wait_dma2 semaphore(%run_scoped3A_118 : memref<!tpu.dma_semaphore, #tpu.memory_space<semaphore_mem>>) src(%dma_wait3A_128 : memref<632x128xf32, #tpu.memory_space<vmem_shared>>) dst(%dma_wait3A_126 : memref<632x128xf32, #tpu.memory_space<hbm>>)
      tpu.yield
    }) : () -> ()
    return
  }
}

#map = affine_map<(d0, d1) -> (0)>
#map1 = affine_map<(d0, d1) -> (0, 0)>
module attributes {stable_mosaic.version = 14 : i64} {
  func.func @deg_kernel(%arg0: i32, %arg1: i32, %arg2: memref<327680xi32, #tpu.memory_space<hbm>>, %arg3: memref<32x10112xf32, #tpu.memory_space<hbm>>, %arg4: memref<2048xi32, #tpu.memory_space<vmem>>, %arg5: memref<10112xf32, #tpu.memory_space<vmem>>) attributes {dimension_semantics = [#tpu.dimension_semantics<core_parallel>, #tpu.dimension_semantics<subcore_parallel>], iteration_bounds = array<i64: 2, 16>, scalar_prefetch = 0 : i64, scratch_operands = 2 : i64, tpu.core_type = #tpu.core_type<sc_vector_subcore>, window_params = [{transform_indices = #map}, {transform_indices = #map1}]} {
    %mul3A = arith.constant 2 : i32
    %mul3A_0 = arith.muli %arg1, %mul3A : i32
    %add3A = arith.addi %mul3A_0, %arg0 : i32
    %broadcast_in_dim3A = arith.constant 0.000000e+00 : f32
    %broadcast_in_dim3A_1 = vector.broadcast %broadcast_in_dim3A : f32 to vector<16xf32>
    %scan3A = arith.constant 0 : i32
    %scan3A_2 = arith.constant 0 : i32
    %scan3A_3 = arith.constant 632 : i32
    %scan3A_4 = arith.addi %scan3A_2, %scan3A_3 : i32
    %scan3A_5 = arith.constant 1 : i32
    scf.for %scan3A_15 = %scan3A_2 to %scan3A_4 step %scan3A_5  : i32 {
      %mul3A_16 = arith.constant 16 : i32
      %mul3A_17 = arith.muli %scan3A_15, %mul3A_16 : i32
      %swap3A = arith.index_cast %mul3A_17 : i32 to index
      %swap3A_18 = tpu.vector_load %arg5[%swap3A] {strides = array<i32>} : memref<10112xf32, #tpu.memory_space<vmem>>, vector<16xf32>,
      tpu.vector_store %arg5[%swap3A], %broadcast_in_dim3A_1 {strides = array<i32>} : memref<10112xf32, #tpu.memory_space<vmem>>, vector<16xf32>,
    }
    %scan3A_6 = arith.constant 632 : i32
    %broadcast_in_dim3A_7 = arith.constant 1.000000e+00 : f32
    %broadcast_in_dim3A_8 = vector.broadcast %broadcast_in_dim3A_7 : f32 to vector<16xf32>
    %scan3A_9 = arith.constant 0 : i32
    %scan3A_10 = arith.constant 0 : i32
    %scan3A_11 = arith.constant 5 : i32
    %scan3A_12 = arith.addi %scan3A_10, %scan3A_11 : i32
    %scan3A_13 = arith.constant 1 : i32
    scf.for %scan3A_15 = %scan3A_10 to %scan3A_12 step %scan3A_13  : i32 {
      %mul3A_16 = arith.constant 10240 : i32
      %mul3A_17 = arith.muli %add3A, %mul3A_16 : i32
      %mul3A_18 = arith.constant 2048 : i32
      %mul3A_19 = arith.muli %scan3A_15, %mul3A_18 : i32
      %add3A_20 = arith.addi %mul3A_17, %mul3A_19 : i32
      "tpu.region"() ({
        %run_scoped3A = tpu.sem_alloc : memref<!tpu.dma_semaphore, #tpu.memory_space<semaphore_mem>>
        %dma_start3A = tpu.memref_slice %arg2[%add3A_20] : memref<327680xi32, #tpu.memory_space<hbm>> -> memref<2048xi32, #tpu.memory_space<hbm>>
        %dma_start3A_27 = tpu.memref_slice %arg2[%add3A_20] : memref<327680xi32, #tpu.memory_space<hbm>> -> memref<2048xi32, #tpu.memory_space<hbm>>
        tpu.enqueue_dma source(%dma_start3A_27 : memref<2048xi32, #tpu.memory_space<hbm>>) target(%arg4 : memref<2048xi32, #tpu.memory_space<vmem>>) target_semaphore(%run_scoped3A : memref<!tpu.dma_semaphore, #tpu.memory_space<semaphore_mem>>)
        %dma_wait3A = tpu.memref_slice %arg2[%add3A_20] : memref<327680xi32, #tpu.memory_space<hbm>> -> memref<2048xi32, #tpu.memory_space<hbm>>
        %dma_wait3A_28 = tpu.memref_slice %arg2[%add3A_20] : memref<327680xi32, #tpu.memory_space<hbm>> -> memref<2048xi32, #tpu.memory_space<hbm>>
        tpu.wait_dma2 semaphore(%run_scoped3A : memref<!tpu.dma_semaphore, #tpu.memory_space<semaphore_mem>>) src(%dma_wait3A_28 : memref<2048xi32, #tpu.memory_space<hbm>>) dst(%arg4 : memref<2048xi32, #tpu.memory_space<vmem>>)
        tpu.yield
      }) : () -> ()
      %scan3A_21 = arith.constant 0 : i32
      %scan3A_22 = arith.constant 0 : i32
      %scan3A_23 = arith.constant 128 : i32
      %scan3A_24 = arith.addi %scan3A_22, %scan3A_23 : i32
      %scan3A_25 = arith.constant 1 : i32
      scf.for %scan3A_27 = %scan3A_22 to %scan3A_24 step %scan3A_25  : i32 {
        %mul3A_28 = arith.constant 16 : i32
        %mul3A_29 = arith.muli %scan3A_27, %mul3A_28 : i32
        %get3A = arith.index_cast %mul3A_29 : i32 to index
        %get3A_30 = tpu.vector_load %arg4[%get3A] {strides = array<i32>} : memref<2048xi32, #tpu.memory_space<vmem>>, vector<16xi32>,
        tpu.vector_store_idx %arg5[%get3A_30], %broadcast_in_dim3A_8 {add = true} : memref<10112xf32, #tpu.memory_space<vmem>>[vector<16xi32>], vector<16xf32>,
      }
      %scan3A_26 = arith.constant 128 : i32
    }
    %scan3A_14 = arith.constant 5 : i32
    "tpu.region"() ({
      %run_scoped3A = tpu.sem_alloc : memref<!tpu.dma_semaphore, #tpu.memory_space<semaphore_mem>>
      %dma_start3A = arith.constant 0 : i32
      %dma_start3A_15 = tpu.memref_slice %arg3[%add3A, %dma_start3A] : memref<32x10112xf32, #tpu.memory_space<hbm>> -> memref<1x10112xf32, #tpu.memory_space<hbm>>
      %dma_start3A_16 = tpu.memref_squeeze %dma_start3A_15 : memref<1x10112xf32, #tpu.memory_space<hbm>> -> memref<10112xf32, #tpu.memory_space<hbm>>
      %dma_start3A_17 = arith.constant 0 : i32
      %dma_start3A_18 = tpu.memref_slice %arg3[%add3A, %dma_start3A_17] : memref<32x10112xf32, #tpu.memory_space<hbm>> -> memref<1x10112xf32, #tpu.memory_space<hbm>>
      %dma_start3A_19 = tpu.memref_squeeze %dma_start3A_18 : memref<1x10112xf32, #tpu.memory_space<hbm>> -> memref<10112xf32, #tpu.memory_space<hbm>>
      tpu.enqueue_dma source(%arg5 : memref<10112xf32, #tpu.memory_space<vmem>>) target(%dma_start3A_19 : memref<10112xf32, #tpu.memory_space<hbm>>) target_semaphore(%run_scoped3A : memref<!tpu.dma_semaphore, #tpu.memory_space<semaphore_mem>>)
      %dma_wait3A = arith.constant 0 : i32
      %dma_wait3A_20 = tpu.memref_slice %arg3[%add3A, %dma_wait3A] : memref<32x10112xf32, #tpu.memory_space<hbm>> -> memref<1x10112xf32, #tpu.memory_space<hbm>>
      %dma_wait3A_21 = tpu.memref_squeeze %dma_wait3A_20 : memref<1x10112xf32, #tpu.memory_space<hbm>> -> memref<10112xf32, #tpu.memory_space<hbm>>
      %dma_wait3A_22 = arith.constant 0 : i32
      %dma_wait3A_23 = tpu.memref_slice %arg3[%add3A, %dma_wait3A_22] : memref<32x10112xf32, #tpu.memory_space<hbm>> -> memref<1x10112xf32, #tpu.memory_space<hbm>>
      %dma_wait3A_24 = tpu.memref_squeeze %dma_wait3A_23 : memref<1x10112xf32, #tpu.memory_space<hbm>> -> memref<10112xf32, #tpu.memory_space<hbm>>
      tpu.wait_dma2 semaphore(%run_scoped3A : memref<!tpu.dma_semaphore, #tpu.memory_space<semaphore_mem>>) src(%arg5 : memref<10112xf32, #tpu.memory_space<vmem>>) dst(%dma_wait3A_24 : memref<10112xf32, #tpu.memory_space<hbm>>)
      tpu.yield
    }) : () -> ()
    return
  }
}

module attributes {stable_mosaic.version = 14 : i64} {
  func.func @_tc1(%arg0: memref<32x10112xf32, #tpu.memory_space<vmem>>, %arg1: memref<10000x128xf32, #tpu.memory_space<vmem>>, %arg2: memref<128x128xf32, #tpu.memory_space<vmem>>, %arg3: memref<10000x1xf32, #tpu.memory_space<vmem>>, %arg4: memref<10016x128xf32, #tpu.memory_space<vmem>>) attributes {dimension_semantics = [], scalar_prefetch = 0 : i64, scratch_operands = 0 : i64, tpu.core_type = #tpu.core_type<tc>} {
    %get3A = arith.constant 0 : index
    %get3A_0 = arith.constant 0 : index
    %get3A_1 = vector.load %arg0[%get3A, %get3A_0] : memref<32x10112xf32, #tpu.memory_space<vmem>>, vector<32x10112xf32>
    %reduce_sum3A = arith.constant dense<0.000000e+00> : vector<10112xf32>
    %reduce_sum3A_2 = vector.multi_reduction <add>, %get3A_1, %reduce_sum3A [0] : vector<32x10112xf32> to vector<10112xf32>
    %slice3A = vector.extract_strided_slice %reduce_sum3A_2 {offsets = [0], sizes = [10000], strides = [1]} : vector<10112xf32> to vector<10000xf32>
    %add3A = arith.constant 1.000000e+00 : f32
    %add3A_3 = vector.broadcast %add3A : f32 to vector<10000xf32>
    %add3A_4 = arith.addf %add3A_3, %slice3A : vector<10000xf32>
    %rsqrt3A = math.rsqrt %add3A_4 : vector<10000xf32>
    %broadcast_in_dim3A = vector.shape_cast %rsqrt3A : vector<10000xf32> to vector<10000x1xf32>
    %swap3A = arith.constant 0 : index
    %swap3A_5 = arith.constant 0 : index
    %swap3A_6 = vector.load %arg3[%swap3A, %swap3A_5] : memref<10000x1xf32, #tpu.memory_space<vmem>>, vector<10000x1xf32>
    tpu.vector_store %arg3[%swap3A, %swap3A_5], %broadcast_in_dim3A {strides = array<i32>} : memref<10000x1xf32, #tpu.memory_space<vmem>>, vector<10000x1xf32>,
    %get3A_7 = arith.constant 0 : index
    %get3A_8 = arith.constant 0 : index
    %get3A_9 = vector.load %arg1[%get3A_7, %get3A_8] : memref<10000x128xf32, #tpu.memory_space<vmem>>, vector<10000x128xf32>
    %get3A_10 = arith.constant 0 : index
    %get3A_11 = arith.constant 0 : index
    %get3A_12 = vector.load %arg2[%get3A_10, %get3A_11] : memref<128x128xf32, #tpu.memory_space<vmem>>, vector<128x128xf32>
    %dot_general3A = arith.constant dense<0.000000e+00> : vector<10000x128xf32>
    %dot_general3A_13 = tpu.matmul %get3A_9, %get3A_12, %dot_general3A {dimension_numbers = #tpu.dot_dimension_numbers<[1], [0], [0], [1], [0, 0, 1, 1], [], []>, transpose_lhs_hint = false} : vector<10000x128xf32>, vector<128x128xf32>, vector<10000x128xf32> -> vector<10000x128xf32>
    %mul3A = vector.broadcast %broadcast_in_dim3A : vector<10000x1xf32> to vector<10000x128xf32>
    %mul3A_14 = arith.mulf %dot_general3A_13, %mul3A : vector<10000x128xf32>
    %broadcast_in_dim3A_15 = arith.constant 0.000000e+00 : f32
    %broadcast_in_dim3A_16 = vector.broadcast %broadcast_in_dim3A_15 : f32 to vector<16x128xf32>
    %concatenate3A = tpu.concatenate %mul3A_14, %broadcast_in_dim3A_16 in 0 : vector<10000x128xf32>, vector<16x128xf32> -> vector<10016x128xf32>
    %swap3A_17 = arith.constant 0 : index
    %swap3A_18 = arith.constant 0 : index
    %swap3A_19 = vector.load %arg4[%swap3A_17, %swap3A_18] : memref<10016x128xf32, #tpu.memory_space<vmem>>, vector<10016x128xf32>
    tpu.vector_store %arg4[%swap3A_17, %swap3A_18], %concatenate3A {strides = array<i32>} : memref<10016x128xf32, #tpu.memory_space<vmem>>, vector<10016x128xf32>,
    return
  }
}

module attributes {stable_mosaic.version = 14 : i64} {
  func.func @_tc2(%arg0: memref<2x10112x128xf32, #tpu.memory_space<vmem>>, %arg1: memref<10016x128xf32, #tpu.memory_space<vmem>>, %arg2: memref<10000x1xf32, #tpu.memory_space<vmem>>, %arg3: memref<1x128xf32, #tpu.memory_space<vmem>>, %arg4: memref<128x128xf32, #tpu.memory_space<vmem>>, %arg5: memref<10016x128xf32, #tpu.memory_space<vmem>>) attributes {dimension_semantics = [], scalar_prefetch = 0 : i64, scratch_operands = 0 : i64, tpu.core_type = #tpu.core_type<tc>} {
    %get3A = arith.constant 0 : index
    %get3A_0 = arith.constant 0 : index
    %get3A_1 = vector.load %arg2[%get3A, %get3A_0] : memref<10000x1xf32, #tpu.memory_space<vmem>>, vector<10000x1xf32>
    %get3A_2 = arith.constant 0 : index
    %get3A_3 = arith.constant 0 : index
    %get3A_4 = arith.constant 0 : index
    %get3A_5 = vector.load %arg0[%get3A_2, %get3A_3, %get3A_4] : memref<2x10112x128xf32, #tpu.memory_space<vmem>>, vector<1x10000x128xf32>
    %get3A_6 = vector.shape_cast %get3A_5 : vector<1x10000x128xf32> to vector<10000x128xf32>
    %get3A_7 = arith.constant 1 : index
    %get3A_8 = arith.constant 0 : index
    %get3A_9 = arith.constant 0 : index
    %get3A_10 = vector.load %arg0[%get3A_7, %get3A_8, %get3A_9] : memref<2x10112x128xf32, #tpu.memory_space<vmem>>, vector<1x10000x128xf32>
    %get3A_11 = vector.shape_cast %get3A_10 : vector<1x10000x128xf32> to vector<10000x128xf32>
    %add3A = arith.addf %get3A_6, %get3A_11 : vector<10000x128xf32>
    %get3A_12 = arith.constant 0 : index
    %get3A_13 = arith.constant 0 : index
    %get3A_14 = vector.load %arg1[%get3A_12, %get3A_13] : memref<10016x128xf32, #tpu.memory_space<vmem>>, vector<10000x128xf32>
    %add3A_15 = arith.addf %add3A, %get3A_14 : vector<10000x128xf32>
    %mul3A = vector.broadcast %get3A_1 : vector<10000x1xf32> to vector<10000x128xf32>
    %mul3A_16 = arith.mulf %mul3A, %add3A_15 : vector<10000x128xf32>
    %get3A_17 = arith.constant 0 : index
    %get3A_18 = arith.constant 0 : index
    %get3A_19 = vector.load %arg3[%get3A_17, %get3A_18] : memref<1x128xf32, #tpu.memory_space<vmem>>, vector<1x128xf32>
    %add3A_20 = vector.broadcast %get3A_19 : vector<1x128xf32> to vector<10000x128xf32>
    %add3A_21 = arith.addf %mul3A_16, %add3A_20 : vector<10000x128xf32>
    %max3A = arith.constant 0.000000e+00 : f32
    %max3A_22 = vector.broadcast %max3A : f32 to vector<10000x128xf32>
    %max3A_23 = arith.maximumf %add3A_21, %max3A_22 : vector<10000x128xf32>
    %get3A_24 = arith.constant 0 : index
    %get3A_25 = arith.constant 0 : index
    %get3A_26 = vector.load %arg4[%get3A_24, %get3A_25] : memref<128x128xf32, #tpu.memory_space<vmem>>, vector<128x128xf32>
    %dot_general3A = arith.constant dense<0.000000e+00> : vector<10000x128xf32>
    %dot_general3A_27 = tpu.matmul %max3A_23, %get3A_26, %dot_general3A {dimension_numbers = #tpu.dot_dimension_numbers<[1], [0], [0], [1], [0, 0, 1, 1], [], []>, transpose_lhs_hint = false} : vector<10000x128xf32>, vector<128x128xf32>, vector<10000x128xf32> -> vector<10000x128xf32>
    %mul3A_28 = vector.broadcast %get3A_1 : vector<10000x1xf32> to vector<10000x128xf32>
    %mul3A_29 = arith.mulf %dot_general3A_27, %mul3A_28 : vector<10000x128xf32>
    %broadcast_in_dim3A = arith.constant 0.000000e+00 : f32
    %broadcast_in_dim3A_30 = vector.broadcast %broadcast_in_dim3A : f32 to vector<16x128xf32>
    %concatenate3A = tpu.concatenate %mul3A_29, %broadcast_in_dim3A_30 in 0 : vector<10000x128xf32>, vector<16x128xf32> -> vector<10016x128xf32>
    %swap3A = arith.constant 0 : index
    %swap3A_31 = arith.constant 0 : index
    %swap3A_32 = vector.load %arg5[%swap3A, %swap3A_31] : memref<10016x128xf32, #tpu.memory_space<vmem>>, vector<10016x128xf32>
    tpu.vector_store %arg5[%swap3A, %swap3A_31], %concatenate3A {strides = array<i32>} : memref<10016x128xf32, #tpu.memory_space<vmem>>, vector<10016x128xf32>,
    return
  }
}

module attributes {stable_mosaic.version = 14 : i64} {
  func.func @_tc3(%arg0: memref<2x10112x128xf32, #tpu.memory_space<vmem>>, %arg1: memref<10016x128xf32, #tpu.memory_space<vmem>>, %arg2: memref<10000x1xf32, #tpu.memory_space<vmem>>, %arg3: memref<1x128xf32, #tpu.memory_space<vmem>>, %arg4: memref<128x256xf32, #tpu.memory_space<vmem>>, %arg5: memref<1x256xf32, #tpu.memory_space<vmem>>, %arg6: memref<256x1xf32, #tpu.memory_space<vmem>>, %arg7: memref<1x1xf32, #tpu.memory_space<vmem>>, %arg8: memref<10000x1xf32, #tpu.memory_space<vmem>>) attributes {dimension_semantics = [], scalar_prefetch = 0 : i64, scratch_operands = 0 : i64, tpu.core_type = #tpu.core_type<tc>} {
    %get3A = arith.constant 0 : index
    %get3A_0 = arith.constant 0 : index
    %get3A_1 = vector.load %arg2[%get3A, %get3A_0] : memref<10000x1xf32, #tpu.memory_space<vmem>>, vector<10000x1xf32>
    %get3A_2 = arith.constant 0 : index
    %get3A_3 = arith.constant 0 : index
    %get3A_4 = arith.constant 0 : index
    %get3A_5 = vector.load %arg0[%get3A_2, %get3A_3, %get3A_4] : memref<2x10112x128xf32, #tpu.memory_space<vmem>>, vector<1x10000x128xf32>
    %get3A_6 = vector.shape_cast %get3A_5 : vector<1x10000x128xf32> to vector<10000x128xf32>
    %get3A_7 = arith.constant 1 : index
    %get3A_8 = arith.constant 0 : index
    %get3A_9 = arith.constant 0 : index
    %get3A_10 = vector.load %arg0[%get3A_7, %get3A_8, %get3A_9] : memref<2x10112x128xf32, #tpu.memory_space<vmem>>, vector<1x10000x128xf32>
    %get3A_11 = vector.shape_cast %get3A_10 : vector<1x10000x128xf32> to vector<10000x128xf32>
    %add3A = arith.addf %get3A_6, %get3A_11 : vector<10000x128xf32>
    %get3A_12 = arith.constant 0 : index
    %get3A_13 = arith.constant 0 : index
    %get3A_14 = vector.load %arg1[%get3A_12, %get3A_13] : memref<10016x128xf32, #tpu.memory_space<vmem>>, vector<10000x128xf32>
    %add3A_15 = arith.addf %add3A, %get3A_14 : vector<10000x128xf32>
    %mul3A = vector.broadcast %get3A_1 : vector<10000x1xf32> to vector<10000x128xf32>
    %mul3A_16 = arith.mulf %mul3A, %add3A_15 : vector<10000x128xf32>
    %get3A_17 = arith.constant 0 : index
    %get3A_18 = arith.constant 0 : index
    %get3A_19 = vector.load %arg3[%get3A_17, %get3A_18] : memref<1x128xf32, #tpu.memory_space<vmem>>, vector<1x128xf32>
    %add3A_20 = vector.broadcast %get3A_19 : vector<1x128xf32> to vector<10000x128xf32>
    %add3A_21 = arith.addf %mul3A_16, %add3A_20 : vector<10000x128xf32>
    %max3A = arith.constant 0.000000e+00 : f32
    %max3A_22 = vector.broadcast %max3A : f32 to vector<10000x128xf32>
    %max3A_23 = arith.maximumf %add3A_21, %max3A_22 : vector<10000x128xf32>
    %get3A_24 = arith.constant 0 : index
    %get3A_25 = arith.constant 0 : index
    %get3A_26 = vector.load %arg4[%get3A_24, %get3A_25] : memref<128x256xf32, #tpu.memory_space<vmem>>, vector<128x256xf32>
    %dot_general3A = arith.constant dense<0.000000e+00> : vector<10000x256xf32>
    %dot_general3A_27 = tpu.matmul %max3A_23, %get3A_26, %dot_general3A {dimension_numbers = #tpu.dot_dimension_numbers<[1], [0], [0], [1], [0, 0, 1, 1], [], []>, transpose_lhs_hint = false} : vector<10000x128xf32>, vector<128x256xf32>, vector<10000x256xf32> -> vector<10000x256xf32>
    %get3A_28 = arith.constant 0 : index
    %get3A_29 = arith.constant 0 : index
    %get3A_30 = vector.load %arg5[%get3A_28, %get3A_29] : memref<1x256xf32, #tpu.memory_space<vmem>>, vector<1x256xf32>
    %add3A_31 = vector.broadcast %get3A_30 : vector<1x256xf32> to vector<10000x256xf32>
    %add3A_32 = arith.addf %dot_general3A_27, %add3A_31 : vector<10000x256xf32>
    %max3A_33 = arith.constant 0.000000e+00 : f32
    %max3A_34 = vector.broadcast %max3A_33 : f32 to vector<10000x256xf32>
    %max3A_35 = arith.maximumf %add3A_32, %max3A_34 : vector<10000x256xf32>
    %get3A_36 = arith.constant 0 : index
    %get3A_37 = arith.constant 0 : index
    %get3A_38 = vector.load %arg6[%get3A_36, %get3A_37] : memref<256x1xf32, #tpu.memory_space<vmem>>, vector<256x1xf32>
    %dot_general3A_39 = arith.constant dense<0.000000e+00> : vector<10000x1xf32>
    %dot_general3A_40 = tpu.matmul %max3A_35, %get3A_38, %dot_general3A_39 {dimension_numbers = #tpu.dot_dimension_numbers<[1], [0], [0], [1], [0, 0, 1, 1], [], []>, transpose_lhs_hint = false} : vector<10000x256xf32>, vector<256x1xf32>, vector<10000x1xf32> -> vector<10000x1xf32>
    %get3A_41 = arith.constant 0 : index
    %get3A_42 = arith.constant 0 : index
    %get3A_43 = vector.load %arg7[%get3A_41, %get3A_42] : memref<1x1xf32, #tpu.memory_space<vmem>>, vector<1x1xf32>
    %add3A_44 = vector.broadcast %get3A_43 : vector<1x1xf32> to vector<10000x1xf32>
    %add3A_45 = arith.addf %dot_general3A_40, %add3A_44 : vector<10000x1xf32>
    %mul3A_46 = arith.mulf %add3A_45, %add3A_45 : vector<10000x1xf32>
    %reduce_sum3A = vector.shape_cast %mul3A_46 : vector<10000x1xf32> to vector<1x10000x1xf32>
    %reduce_sum3A_47 = arith.constant dense<0.000000e+00> : vector<1xf32>
    %reduce_sum3A_48 = vector.multi_reduction <add>, %reduce_sum3A, %reduce_sum3A_47 [1, 2] : vector<1x10000x1xf32> to vector<1xf32>
    %reduce_sum3A_49 = vector.shape_cast %reduce_sum3A_48 : vector<1xf32> to vector<1x1x1xf32>
    %reduce_sum3A_50 = vector.extract %reduce_sum3A_49[0, 0, 0] : f32 from vector<1x1x1xf32>
    %sqrt3A = math.sqrt %reduce_sum3A_50 : f32
    %max3A_51 = arith.constant 9.99999996E-13 : f32
    %max3A_52 = arith.maximumf %sqrt3A, %max3A_51 : f32
    %div3A = vector.broadcast %max3A_52 : f32 to vector<10000x1xf32>
    %div3A_53 = arith.divf %add3A_45, %div3A : vector<10000x1xf32>
    %swap3A = arith.constant 0 : index
    %swap3A_54 = arith.constant 0 : index
    %swap3A_55 = vector.load %arg8[%swap3A, %swap3A_54] : memref<10000x1xf32, #tpu.memory_space<vmem>>, vector<10000x1xf32>
    tpu.vector_store %arg8[%swap3A, %swap3A_54], %div3A_53 {strides = array<i32>} : memref<10000x1xf32, #tpu.memory_space<vmem>>, vector<10000x1xf32>,
    return
  }
}

</mosaic_0001>

<sc_bundles>
// kernel: kernel.11.cloned.1.call-start
scs
__scs_entry_jumppad:
0x0: {  	(pc) =	sbr.rel $0x88, $3  }
0x1: {  	(tag) =	ssettag $0x0;
	lr =	simm.s32 $0x1  }
0x2: {  	[smem:$0x3F97] =	sst lr;
	_ =	strace $0xD0000000  }
0x3: {  	_ = 	snop  }
0x4: {  	_ = 	snop  }
0x5: {  	_ = 	snop  }
0x6: {  	_ = 	snop  }
0x7: {  	_ = 	snop  }
__scs_overlays_trampoline_lowered:
0x8: {  	[smem:$0x3FA6] =	sst s0  }
0x9: {  	[smem:$0x3FA7] =	sst s1  }
0xa: {  	[smem:$0x3FA8] =	sst s2  }
0xb: {  	[smem:$0x3FA9] =	sst s3  }
0xc: {  	[smem:$0x3FAA] =	sst s4  }
0xd: {  	[smem:$0x3FAB] =	sst s5  }
0xe: {  	[smem:$0x3FAC] =	sst s6  }
0xf: {  	[smem:$0x3FAD] =	sst s7  }
0x10: {  	[smem:$0x3FAE] =	sst s8  }
0x11: {  	[smem:$0x3FAF] =	sst s9;
	s0 =	simm.s32 @!p0 $0x0  }
0x12: {  	s1 =	sld [smem:$0x3F95];
	s0 =	simm.s32 @p0 $0x1  }
0x13: {  	[smem:$0x3FB0] =	sst s0;
	s0 =	simm.s32 @!p1 $0x0  }
0x14: {  	s2 =	sld [smem:$0x3F94];
	s0 =	simm.s32 @p1 $0x1  }
0x15: {  	[smem:$0x3FB1] =	sst s0;
	s0 =	simm.s32 @!p2 $0x0  }
0x16: {  	s3 =	sld [smem:$0x3FDB];
	s0 =	simm.s32 @p2 $0x1  }
0x17: {  	s4 =	simm.s32 $0x1BF5;
	[smem:$0x3FB3] =	sst s0  }
0x18: {  	s0 =	sld [smem:$0x3F96];
	_ =	swait.ge [sflag:s4], $0x0  }
0x19: {  	s7 =	sld [smem:$0x3F97]  }
0x1a: {  	s8 =	sadd.s32 $0xFFFFE003, lr  }
0x1b: {  	s9 =	sadd.s32 $0xFFFFFEF7, lr;
	s5 =	simm.s32 $0xFFFFFFFF;
	p2 =	slt.u32 s8, $0xFFFFF086  }
0x1c: {  	p1 =	slt.u32 s9, $0xF7A;
	s5 =	simm.s32 @!p2 $0x0  }
0x1d: {  	s5 =	simm.s32 @p1 $0x1;
	p0 =	seq.s32 s7, s2  }
0x1e: {  	s7 =	smul.u32 @!p0 $0xF7A, s2;
	p2 =	seq.s32 @!p0 s5, $0x0  }
0x1f: {  	s9 =	smul.u32 $0xF7A, s1;
	s8 =	simm.s32 @!p0 $0x1BF5;
	p2 =	por !p2, p0  }
0x20: {  	[sflag:s8] =	ssyncset.s32 @!p0 $0xFFFFF086;
	s6 =	sadd.s32 @!p0 s3, s7;
	s7 =	simm.s32 @!p0 $0x108  }
0x21: {  	s3 =	sadd.s32 s3, s9;
	s6 =	sadd.s32 @!p0 $0x88, s6;
	s7 =	simm.s32 @p2 $0x1082  }
0x22: {  	[simem:s7], [sflag:s8] =	dma.local @!p0 [hbm:s6], $0xF7A  }
0x23: {  	s9 =	sor.u32 $0xD0000000, s2;
	s6 =	simm.s32 $0x108;
	_ =	swait.ge @!p0 [sflag:s8], $0x0  }
0x24: {  	s3 =	sadd.s32 $0x88, s3;
	s6 =	simm.s32 @!p1 $0x1082;
	[sflag:s4] =	ssyncset.s32 $0xFFFFF086  }
0x25: {  	[simem:s6], [sflag:s4] =	dma.local [hbm:s3], $0xF7A  }
0x26: {  	[smem:$0x3F97] =	sst s1;
	(tag) =	ssettag s2;
	_ =	strace s9  }
0x27: {  	s1 =	sld [smem:$0x3FA7]  }
0x28: {  	s2 =	sld [smem:$0x3FA8]  }
0x29: {  	s4 =	sld [smem:$0x3FAA]  }
0x2a: {  	p0 =	seq.s32 s5, $0x0;
	s5 =	sld [smem:$0x3FAB]  }
0x2b: {  	s6 =	sld [smem:$0x3FAC]  }
0x2c: {  	s7 =	sld [smem:$0x3FAD]  }
0x2d: {  	s3 =	simm.s32 $0x108;
	s8 =	sld [smem:$0x3FAE]  }
0x2e: {  	s3 =	simm.s32 @!p0 $0x1082;
	s9 =	sld [smem:$0x3FAF]  }
0x2f: {  	lr =	sadd.s32 s0, s3;
	s0 =	sld [smem:$0x3FA6]  }
0x30: {  	s3 =	sld [smem:$0x3FA9]  }
0x31: {  	[smem:$0x3FB2] =	sst s10  }
0x32: {  	s10 =	sld [smem:$0x3FB0];
	_ =	sdelay $0x3  }
0x33: {  	p0 =	seq.s32 s10, $0x1;
	s10 =	sld [smem:$0x3FB2];
	_ =	sdelay $0x3  }
0x34: {  	[smem:$0x3FB2] =	sst s10  }
0x35: {  	s10 =	sld [smem:$0x3FB1];
	_ =	sdelay $0x3  }
0x36: {  	p1 =	seq.s32 s10, $0x1;
	s10 =	sld [smem:$0x3FB2];
	_ =	sdelay $0x3  }
0x37: {  	[smem:$0x3FB2] =	sst s10  }
0x38: {  	s10 =	sld [smem:$0x3FB3]  }
0x39: {  	_ = 	snop;
	(pc) =	sbr.ind lr, $3  }
0x3a: {  	_ = 	snop  }
0x3b: {  	_ = 	snop  }
0x3c: {  	p2 =	seq.s32 s10, $0x1;
	s10 =	sld [smem:$0x3FB2]  }
0x3d: {  	_ =	shalt  }
0x3e: {  	_ =	shalt  }
0x3f: {  	_ =	shalt  }
0x40: {  	_ =	shalt  }
0x41: {  	_ =	shalt  }
0x42: {  	_ =	shalt  }
0x43: {  	_ =	shalt  }
0x44: {  	_ =	shalt  }
0x45: {  	_ =	shalt  }
0x46: {  	_ =	shalt  }
0x47: {  	_ =	shalt  }
0x48: {  	_ =	shalt  }
0x49: {  	_ =	shalt  }
0x4a: {  	_ =	shalt  }
0x4b: {  	_ =	shalt  }
0x4c: {  	_ =	shalt  }
0x4d: {  	_ =	shalt  }
0x4e: {  	_ =	shalt  }
0x4f: {  	_ =	shalt  }
0x50: {  	_ =	shalt  }
0x51: {  	_ =	shalt  }
0x52: {  	_ =	shalt  }
0x53: {  	_ =	shalt  }
0x54: {  	_ =	shalt  }
0x55: {  	_ =	shalt  }
0x56: {  	_ =	shalt  }
0x57: {  	_ =	shalt  }
0x58: {  	_ =	shalt  }
0x59: {  	_ =	shalt  }
0x5a: {  	_ =	shalt  }
0x5b: {  	_ =	shalt  }
0x5c: {  	_ =	shalt  }
0x5d: {  	_ =	shalt  }
0x5e: {  	_ =	shalt  }
0x5f: {  	_ =	shalt  }
0x60: {  	_ =	shalt  }
0x61: {  	_ =	shalt  }
0x62: {  	_ =	shalt  }
0x63: {  	_ =	shalt  }
0x64: {  	_ =	shalt  }
0x65: {  	_ =	shalt  }
0x66: {  	_ =	shalt  }
0x67: {  	_ =	shalt  }
0x68: {  	_ =	shalt  }
0x69: {  	_ =	shalt  }
0x6a: {  	_ =	shalt  }
0x6b: {  	_ =	shalt  }
0x6c: {  	_ =	shalt  }
0x6d: {  	_ =	shalt  }
0x6e: {  	_ =	shalt  }
0x6f: {  	_ =	shalt  }
0x70: {  	_ =	shalt  }
0x71: {  	_ =	shalt  }
0x72: {  	_ =	shalt  }
0x73: {  	_ =	shalt  }
0x74: {  	_ =	shalt  }
0x75: {  	_ =	shalt  }
0x76: {  	_ =	shalt  }
0x77: {  	_ =	shalt  }
0x78: {  	_ =	shalt  }
0x79: {  	_ =	shalt  }
0x7a: {  	_ =	shalt  }
0x7b: {  	_ =	shalt  }
0x7c: {  	_ =	shalt  }
0x7d: {  	_ =	shalt  }
0x7e: {  	_ =	shalt  }
0x7f: {  	_ =	shalt  }
0x80: {  	_ =	shalt  }
0x81: {  	_ =	shalt  }
0x82: {  	_ =	shalt  }
0x83: {  	_ =	shalt  }
0x84: {  	_ =	shalt  }
0x85: {  	_ =	shalt  }
0x86: {  	_ =	shalt  }
0x87: {  	_ =	shalt  }
.Lfunc_end0:
.L_simem_size_0:
called_computation.1_lowered:
.L_overlay_start_0:
0x88: {  	s2 =	sld [smem:$0x3FD9]  }
0x89: {  	s3 =	sld [smem:$0x3FFE];
	_ =	sdelay $0x1  }
0x8a: {  	s1 =	srdreg.scid  }
0x8b: {  	s0 =	sand.u32 $0x1, s1  }
0x8c: {  	s16 =	sshll.u32 s0, $0xA;
	s2 =	sadd.s32 s3, s2  }
0x8d: {  	s2 =	sadd.s32 s2, s16  }
0x8e: {  	[smem:$0x3FBE] =	sst s2  }
0x8f: {  	_ = 	snop  }
0x90: {  	(tm) =	ssettm $0x1  }
0x91: {  	s17 =	sld [smem:$0x3FFB];
	_ =	sdelay $0x3  }
0x92: {  	_ =	strace s17  }
0x93: {  	s2 =	sld [smem:$0x3FFC];
	_ =	sdelay $0x3  }
0x94: {  	_ =	strace s2  }
0x95: {  	s2 =	sld [smem:$0x3FFD];
	_ =	sdelay $0x3  }
0x96: {  	_ =	strace s2  }
0x97: {  	_ =	strace $0x8FFFFFFF  }
0x98: {  	s18 =	sld [smem:$0x3FDB];
	_ =	sdelay $0x1  }
0x99: {  	s19 =	simm.s32 $_scs_section_size  }
0x9a: {  	s4 =	simm.s32 $_size__tile_overlayer_lowered;
	s5 =	simm.s32 $_tile_overlayer_lowered  }
0x9b: {  	s22 =	simm.s32 $0x1BFF;
	s21 =	sshll.u32 s5, $0x1;
	s2 =	sadd.s32 s19, s18  }
0x9c: {  	s6 =	simm.s32 $0x0;
	s20 =	sshll.u32 s4, $0x1;
	s4 =	sadd.s32 s21, s2  }
0x9d: {  	[timem:s6], [sflag:s22] =	dma.local [hbm:s4], s20  }
0x9e: {  	_ =	swait.ge [sflag:s22], s20  }
0x9f: {  	s3 =	ssub.s32 $0x0, s20;
	[sflag:s22] =	ssyncset.done $0x0  }
0xa0: {  	[sflag:s22] =	ssyncadd.s32 s3;
	_ =	sdelay $0x1  }
0xa1: {  	s23 =	simm.s32 $0x1B8B  }
0xa2: {  	_ =	swait.ge [sflag:s23], $0x1  }
0xa3: {  	[sflag:s23] =	ssyncset.done $0x0  }
0xa4: {  	s25 =	simm.s32 $0x1B8E;
	s24 =	sld [smem:$0x3FFE];
	[sflag:s23] =	ssyncadd.s32 $0xFFFFFFFF  }
0xa5: {  	s26 =	simm.s32 $execute0_lowered;
	[smem:$0x3FD2] =	sst s25  }
0xa6: {  	s4 =	sshll.u32 s26, $0x1;
	_ =	strace $0x80000049;
	[dreg:$0x1] =	wrdreg $0xFFFFFFFF  }
0xa7: {  	s28 =	simm.s32 $_size_execute0_lowered;
	s2 =	sadd.s32 s2, s4;
	[dreg:$0x0] =	wrdreg $0x0  }
0xa8: {  	s4 =	sshll.u32 s28, $0x1;
	[dreg:$0x2] =	wrdreg s2  }
0xa9: {  	[dreg:$0x3] =	wrdreg s4  }
0xaa: {  	[dreg:$0x4] =	wrdreg $0xC0  }
0xab: {  	_ =	task [dreg:s6], $0x5FFFF  }
0xac: {  	[dreg:$0x1] =	wrdreg $0xFFFFFFFF  }
0xad: {  	[dreg:$0x0] =	wrdreg $0x60  }
0xae: {  	[dreg:$0x2] =	wrdreg s24  }
0xaf: {  	[dreg:$0x3] =	wrdreg $0x90000  }
0xb0: {  	[dreg:$0x4] =	wrdreg $0x9  }
0xb1: {  	_ =	task.clear_ibuf [dreg:s6], $0x5FFFF;
	_ =	strace $0x90000049  }
0xb2: {  	s29 =	simm.s32 $0x9;
	_ =	strace $0x8000004B  }
0xb3: {  	_ =	swait.ge [sflag:s29], $0x1  }
0xb4: {  	[sflag:s29] =	ssyncadd.s32 $0xFFFFFFFF  }
0xb5: {  	_ =	strace $0x9000004B  }
0xb6: {  	_ =	sfence  }
0xb7: {  	s30 =	sld [smem:$0x0];
	_ =	sdelay $0x2  }
0xb8: {  	s31 =	sshll.u32 s1, $0xD;
	s1 =	sshrl.u32 s1, $0x2  }
0xb9: {  	s3 =	sand.u32 $0x4000, s31;
	s1 =	sadd.s32 s1, s30  }
0xba: {  	s0 =	sor.u32 s3, s0;
	s1 =	sshll.u32 s1, $0x11  }
0xbb: {  	s0 =	sor.u32 s1, s0  }
0xbc: {  	s0 =	sadd.s32 $0x8F2B, s0  }
0xbd: {  	[sflag:s0] =	ssyncadd.remote.s32 $0x1  }
0xbe: {  	_ =	sfence.sel $0xFFFF  }
0xbf: {  	[dreg:$0x0] =	wrdreg $0xFFFFFFFF;
	(pc) =	sbr.abs _section_cstart, $3  }
0xc0: {  	[dreg:$0x1] =	wrdreg $0xFFFFFFFF  }
0xc1: {  	_ =	task.clear_ibuf [dreg:s6], $0x2FFFF;
	_ =	strace $0x9FFFFFFF  }
0xc2: {  	(tm) =	ssettm $0x7FFFFFFF  }
0xc3: {  	_ =	shalt  }
tec
execute0_lowered:
.L_overlay_start_1:
0x0: {  	(tag) =	ssettag $0x1  }
0x1: {  	s0 =	rddreg [dreg:$0x0]  }
0x2: {  	s1 =	rddreg [dreg:$0x1];
	s2 =	srdreg.scid  }
0x3: {  	s4 =	simm.s32 $0x0;
	s3 =	stileid.u32;
	s15 =	simm.s32 $0xB  }
0x4: {  	s16 =	simm.s32 $0x28;
	s17 =	simm.s32 $0x4000;
	s28 =	simm.s32 $0x4  }
0x5: {  	s29 =	simm.s32 $0x9;
	s30 =	simm.s32 $0xA;
	s31 =	simm.s32 $0x5  }
0x6: {  	s2 =	sand.u32 $0x1, s2;
	[smem:$0x7FF] =	sst s4;
	s8 =	smul.u32 $0x13C00, s3  }
0x7: {  	s4 =	sadd.s32 $0x57200, s0;
	s5 =	sadd.s32 $0x37200, s0;
	s6 =	sadd.s32 $0x17200, s0  }
0x8: {  	s18 =	sadd.s32 $0x3400, s0;
	s9 =	smul.u32 $0x4F000, s3;
	s21 =	sshll.u32 s3, $0xC  }
0x9: {  	s23 =	sshll.u32 s3, $0x6;
	s7 =	smul.u32 $0x13C000, s2;
	_ =	strace $0x8000004A  }
0xa: {  	[dreg:$0x3] =	wrdreg s18;
	s19 =	ssub.s32 $0x2, s2;
	s2 =	sshll.u32 s2, $0x10  }
0xb: {  	s18 =	simm.s32 $0x8;
	s20 =	sshrl.u32 s19, $0x1;
	s22 =	sshrl.u32 s9, $0x2  }
0xc: {  	s9 =	sor.u32 $0x1C0B, s23;
	s23 =	simm.s32 $0x7C00;
	s7 =	sadd.s32 s8, s7  }
0xd: {  	s8 =	sor.u32 s21, s2;
	s2 =	sadd.s32 s22, s1;
	s21 =	simm.s32 $0x6800  }
0xe: {  	s7 =	sshrl.u32 s7, $0x3;
	s24 =	sadd.s32 s5, s8;
	s25 =	sadd.s32 s6, s8  }
0xf: {  	s0 =	sadd.s32 s7, s0;
	s7 =	ssub.s32 s19, s20;
	[dreg:$0x4] =	wrdreg s24  }
.Ltmp0:
0x10: {  	[dreg:$0x5] =	wrdreg s25;
	s19 =	simm.s32 $0x5400;
	(pc) =	sbr.rel .LBB2_1-.Ltmp0, $4  }
0x11: {  	s24 =	simm.s32 $0x1;
	s25 =	simm.s32 $0x2;
	s0 =	sadd.s32 $0x7E400, s0  }
0x12: {  	s20 =	simm.s32 $0x0;
	s26 =	smax.u32 s7, $0x1;
	[dreg:$0x6] =	wrdreg s0  }
0x13: {  	s7 =	sshrl.u32 s2, $0x3;
	s2 =	simm.s32 $0x7;
	[dreg:$0x7] =	wrdreg s26  }
0x14: {  	s26 =	simm.s32 $0x3;
	s0 =	simm.s32 $0x6;
	[dreg:$0x8] =	wrdreg s7  }
.LBB2_6:
0x15: {  	_ =	swait.ge [sflag:s31], $0x1400  }
0x16: {  	[sflag:s31] =	ssyncset.done $0x0  }
0x17: {  	[sflag:s31] =	ssyncadd.s32 $0xFFFFEC00  }
0x18: {  	_ =	swait.ge [sflag:s0], $0x1400  }
0x19: {  	[sflag:s0] =	ssyncset.done $0x0  }
0x1a: {  	[sflag:s0] =	ssyncadd.s32 $0xFFFFEC00  }
0x1b: {  	_ =	swait.ge [sflag:s2], $0x1400  }
0x1c: {  	[sflag:s2] =	ssyncset.done $0x0  }
0x1d: {  	[sflag:s2] =	ssyncadd.s32 $0xFFFFEC00  }
0x1e: {  	_ =	swait.ge [sflag:s18], $0x1400  }
0x1f: {  	[sflag:s18] =	ssyncset.done $0x0  }
0x20: {  	[sflag:s18] =	ssyncadd.s32 $0xFFFFEC00  }
0x21: {  	[bflag:$0x0] =	sbarrier.arrive $0xFFFF  }
0x22: {  	s3 =	rddreg [dreg:$0x6]  }
0x23: {  	s7 =	rddreg [dreg:$0x8]  }
0x24: {  	[hbm:s3], [sflag:s14] =	dma.local [spmem:s7], $0x2780  }
0x25: {  	_ =	swait.ge [sflag:s15], $0x2780  }
0x26: {  	s20 =	sadd.s32 $0x1, s20;
	s22 =	rddreg [dreg:$0x7]  }
0x27: {  	p0 =	sne.s32 s20, s22  }
.Ltmp1:
0x28: {  	_ = 	snop;
	(pc) =	sbr.rel @!p0 .LBB2_7-.Ltmp1, $3  }
0x29: {  	_ =	sdelay $0x1  }
0x2a: {  	[sflag:s15] =	ssyncset.done $0x0  }
0x2b: {  	s9 =	smov.u32 s14;
	[sflag:s15] =	ssyncadd.s32 $0xFFFFD880  }
.LBB2_1:
0x2c: {  	s3 =	rddreg [dreg:$0x3]  }
0x2d: {  	[spmem:s7], [sflag:s9] =	dma.local [hbm:s3], $0x2780  }
0x2e: {  	_ =	swait.ge [sflag:s15], $0x2780  }
0x2f: {  	[sflag:s15] =	ssyncset.done $0x0  }
0x30: {  	[sflag:s15] =	ssyncadd.s32 $0xFFFFD880  }
0x31: {  	[bflag:$0x0] =	sbarrier.arrive $0xFFFF  }
0x32: {  	s14 =	smov.u32 s9;
	s13 =	simm.s32 $0x0;
	s9 =	rddreg [dreg:$0x4]  }
0x33: {  	[tilespmem:s13], [sflag:$0xB] =	stream.linear.gather [hbm4b:s9+s13], $0x1000, $0x38;
	[tilespmem:$0x1CC00] =	vst v63  }
0x34: {  	_ =	swait.ge [sflag:s15], $0x1000  }
0x35: {  	[sflag:s15] =	ssyncset.done $0x0  }
0x36: {  	s22 =	simm.s32 $0x2000;
	s10 =	rddreg [dreg:$0x5];
	[sflag:s15] =	ssyncadd.s32 $0xFFFFF000  }
0x37: {  	[tilespmem:s22], [sflag:$0xB] =	stream.linear.gather [hbm4b:s10+s13], $0x1000, $0x38;
	[tilespmem:$0x1CC00] =	vst v63  }
0x38: {  	_ =	swait.ge [sflag:s15], $0x1000  }
0x39: {  	[sflag:s15] =	ssyncset.done $0x0  }
0x3a: {  	[sflag:s15] =	ssyncadd.s32 $0xFFFFF000  }
0x3b: {  	[tilespmem:s17], [sflag:$0x1] =	stream.indirect.gather [hbm4b:s4+s16], $0x80, s13, s16, $0xb8;
	[tilespmem:$0x1CC00] =	vst v63  }
0x3c: {  	s11 =	simm.s32 $0x80  }
0x3d: {  	[tilespmem:s19], [sflag:$0x2] =	stream.indirect.gather [hbm4b:s4+s16], $0x80, s11, s16, $0xb8;
	[tilespmem:$0x1CC00] =	vst v63  }
.Ltmp2:
0x3e: {  	_ = 	snop;
	(pc) =	sbr.rel .LBB2_2-.Ltmp2, $4  }
0x3f: {  	s12 =	simm.s32 $0x100  }
0x40: {  	[tilespmem:s21], [sflag:$0x3] =	stream.indirect.gather [hbm4b:s4+s16], $0x80, s12, s16, $0xb8;
	[tilespmem:$0x1CC00] =	vst v63  }
0x41: {  	s7 =	simm.s32 $0x0;
	s10 =	simm.s32 $0x0;
	s13 =	simm.s32 $0x180  }
0x42: {  	[tilespmem:s23], [sflag:$0x4] =	stream.indirect.gather [hbm4b:s4+s16], $0x80, s13, s16, $0xb8;
	[tilespmem:$0x1CC00] =	vst v63  }
.LBB2_3:
0x43: {  	_ =	swait.ge [sflag:s29], $0x1000  }
0x44: {  	[sflag:s29] =	ssyncset.done $0x0  }
0x45: {  	[sflag:s29] =	ssyncadd.s32 $0xFFFFF000  }
0x46: {  	_ =	swait.ge [sflag:s30], $0x1000  }
0x47: {  	[sflag:s30] =	ssyncset.done $0x0  }
0x48: {  	[sflag:s30] =	ssyncadd.s32 $0xFFFFF000  }
.LBB2_5:
0x49: {  	_ =	swait.ge [sflag:s31], $0x1400  }
0x4a: {  	s3 =	sadd.s32 $0x200, s10;
	[sflag:s31] =	ssyncset.done $0x0  }
0x4b: {  	s9 =	sand.u32 $0xFFFF1E00, s3;
	[sflag:s31] =	ssyncadd.s32 $0xFFFFEC00  }
0x4c: {  	[tilespmem:s17], [sflag:$0x1] =	stream.indirect.gather [hbm4b:s4+s16], $0x80, s9, s16, $0xb8;
	[tilespmem:$0x1CC00] =	vst v63  }
0x4d: {  	_ =	swait.ge [sflag:s0], $0x1400  }
0x4e: {  	s11 =	sadd.s32 $0x280, s10;
	[sflag:s0] =	ssyncset.done $0x0  }
0x4f: {  	s9 =	sand.u32 $0xFFFF1E80, s11;
	[sflag:s0] =	ssyncadd.s32 $0xFFFFEC00  }
0x50: {  	[tilespmem:s19], [sflag:$0x2] =	stream.indirect.gather [hbm4b:s4+s16], $0x80, s9, s16, $0xb8;
	[tilespmem:$0x1CC00] =	vst v63  }
0x51: {  	_ =	swait.ge [sflag:s2], $0x1400  }
0x52: {  	s12 =	sadd.s32 $0x300, s10;
	[sflag:s2] =	ssyncset.done $0x0  }
0x53: {  	p0 =	sne.s32 s3, $0x8000;
	s9 =	sand.u32 $0xFFFF1F00, s12;
	[sflag:s2] =	ssyncadd.s32 $0xFFFFEC00  }
0x54: {  	[tilespmem:s21], [sflag:$0x3] =	stream.indirect.gather [hbm4b:s4+s16], $0x80, s9, s16, $0xb8;
	[tilespmem:$0x1CC00] =	vst v63  }
.Ltmp3:
0x55: {  	_ = 	snop;
	(pc) =	sbr.rel @!p0 .LBB2_6-.Ltmp3, $4  }
0x56: {  	s13 =	sadd.s32 $0x380, s10;
	_ =	swait.ge [sflag:s18], $0x1400  }
0x57: {  	s7 =	sadd.s32 $0x1, s7;
	s22 =	sadd.s32 $0x200, s22;
	[sflag:s18] =	ssyncset.done $0x0  }
0x58: {  	s10 =	smov.u32 s3;
	s9 =	sand.u32 $0xFFFF1F80, s13;
	[sflag:s18] =	ssyncadd.s32 $0xFFFFEC00  }
0x59: {  	[tilespmem:s23], [sflag:$0x4] =	stream.indirect.gather [hbm4b:s4+s16], $0x80, s9, s16, $0xb8;
	[tilespmem:$0x1CC00] =	vst v63  }
.LBB2_2:
0x5a: {  	s11 =	sand.u32 $0x7, s7;
	p0 =	sgt.u32 s7, $0x37  }
0x5b: {  	p1 =	sne.s32 @!p0 s11, $0x0  }
0x5c: {  	p1 =	por p1, p0  }
0x5d: {  	s12 =	sshrl.u32 @!p1 s7, $0x3  }
0x5e: {  	s12 =	sadd.s32 @!p1 $0x1, s12  }
0x5f: {  	s13 =	sshll.u32 @!p1 s12, $0x9  }
0x60: {  	s12 =	sshll.u32 @!p1 s12, $0xC;
	s13 =	sadd.s32 @!p1 s8, s13  }
0x61: {  	s9 =	simm.s32 @!p1 $0x0;
	s12 =	sand.u32 @!p1 $0x1000, s12;
	s3 =	sadd.s32 @!p1 s5, s13  }
0x62: {  	[tilespmem:s12], [sflag:$0x9] =	stream.linear.gather @!p1 [hbm4b:s3+s9], $0x1000, $0x38;
	[tilespmem:$0x1CC00] =	vst v63  }
0x63: {  	s13 =	sadd.s32 @!p1 s6, s13;
	s3 =	sshll.u32 s10, $0x2;
	s12 =	sor.u32 @!p1 $0x2000, s12  }
0x64: {  	[tilespmem:s12], [sflag:$0xA] =	stream.linear.gather @!p1 [hbm4b:s13+s9], $0x1000, $0x38;
	[tilespmem:$0x1CC00] =	vst v63  }
0x65: {  	s12 =	sand.u32 $0x4000, s3;
	_ =	swait.ge [sflag:s24], $0x1400  }
0x66: {  	s3 =	sand.u32 $0xFFFFC000, s3;
	s13 =	sand.u32 $0x7FFF9E00, s10;
	[sflag:s24] =	ssyncset.done $0x0  }
0x67: {  	s3 =	ssub.s32 s12, s3;
	s13 =	sor.u32 $0x2000, s13;
	[sflag:s24] =	ssyncadd.s32 $0xFFFFEC00  }
0x68: {  	[spmem:s1] =	stream.indirect.scatter.add.f32 [tilespmem:s17], [sflag:$0x5], $0x80, s13, s16, $0xb8;
	[tilespmem:$0x1CC00] =	vst v63  }
0x69: {  	s3 =	sshra.s32 s3, $0x2;
	_ =	swait.ge [sflag:s25], $0x1400  }
0x6a: {  	s3 =	sadd.s32 s3, s22;
	[sflag:s25] =	ssyncset.done $0x0  }
0x6b: {  	s12 =	sadd.s32 $0x80, s3;
	[sflag:s25] =	ssyncadd.s32 $0xFFFFEC00  }
0x6c: {  	[spmem:s1] =	stream.indirect.scatter.add.f32 [tilespmem:s19], [sflag:$0x6], $0x80, s12, s16, $0xb8;
	[tilespmem:$0x1CC00] =	vst v63  }
0x6d: {  	_ =	swait.ge [sflag:s26], $0x1400  }
0x6e: {  	p1 =	sne.s32 @!p0 s11, $0x7;
	[sflag:s26] =	ssyncset.done $0x0  }
0x6f: {  	p0 =	por p0, p1;
	s13 =	sadd.s32 $0x100, s3;
	[sflag:s26] =	ssyncadd.s32 $0xFFFFEC00  }
0x70: {  	[spmem:s1] =	stream.indirect.scatter.add.f32 [tilespmem:s21], [sflag:$0x7], $0x80, s13, s16, $0xb8;
	[tilespmem:$0x1CC00] =	vst v63  }
.Ltmp4:
0x71: {  	_ = 	snop;
	(pc) =	sbr.rel @!p0 .LBB2_3-.Ltmp4, $4  }
0x72: {  	_ =	swait.ge [sflag:s28], $0x1400  }
0x73: {  	[sflag:s28] =	ssyncset.done $0x0  }
0x74: {  	s3 =	sadd.s32 $0x180, s3;
	[sflag:s28] =	ssyncadd.s32 $0xFFFFEC00  }
0x75: {  	[spmem:s1] =	stream.indirect.scatter.add.f32 [tilespmem:s23], [sflag:$0x8], $0x80, s3, s16, $0xb8;
	[tilespmem:$0x1CC00] =	vst v63  }
0x76: {  	p0 =	seq.s32 s10, $0x7E00  }
.Ltmp5:
0x77: {  	_ = 	snop;
	(pc) =	sbr.rel @!p0 .LBB2_5-.Ltmp5, $4  }
.Ltmp6:
0x78: {  	_ = 	snop;
	(pc) =	sbr.rel @p0 .LBB2_6-.Ltmp6, $4  }
0x79: {  	_ = 	snop  }
0x7a: {  	_ = 	snop  }
0x7b: {  	_ = 	snop  }
0x7c: {  	_ = 	snop  }
.LBB2_7:
0x7d: {  	_ =	sfence.sel $0x180000  }
0x7e: {  	[bflag:$0x0] =	sbarrier.arrive $0xFFFF  }
0x7f: {  	_ =	strace $0x9000004A  }
0x80: {  	s0 =	stileid.u32;
	[bflag:$0x2] =	sbarrier.arrive $0xFFFF  }
0x81: {  	p0 =	sne.s32 s0, $0x0;
	s0 =	rddreg [dreg:$0x2]  }
0x82: {  	s0 =	sadd.s32 @!p0 $0x100000, s0  }
0x83: {  	[sflag:s0] =	ssyncadd.tile.s32 @!p0 $0x1;
	_ =	shalt  }
.Lfunc_end2:
_tile_overlayer_lowered:
.L_overlay_start_2:
0x84: {  	(tag) =	ssettag $0x2  }
0x85: {  	s0 =	rddreg [dreg:$0x0];
	s2 =	stileid.u32  }
0x86: {  	s1 =	rddreg [dreg:$0x1];
	p0 =	sne.s32 s2, $0x0  }
0x87: {  	s3 =	rddreg [dreg:$0x2];
	[bflag:$0x3] =	sbarrier.arrive $0xFFFF;
	s2 =	simm.s32 @!p0 $0x1C0B  }
0x88: {  	[timem:s3], [sflag:s2] =	dma.local @!p0 [hbm:s0], s1  }
0x89: {  	s0 =	simm.s32 @!p0 $0xB  }
0x8a: {  	_ =	swait.ge @!p0 [sflag:s0], s1  }
0x8b: {  	s1 =	ssub.s32 @!p0 $0x0, s1;
	[sflag:s0] =	ssyncset.done @!p0 $0x0  }
0x8c: {  	[sflag:s0] =	ssyncadd.s32 @!p0 s1  }
0x8d: {  	[bflag:$0x3] =	sbarrier.arrive $0xFFFF  }
0x8e: {  	_ =	shalt  }

// kernel: kernel.14.cloned.1.call-start
scs
__scs_entry_jumppad:
0x0: {  	(pc) =	sbr.rel $0x88, $3  }
0x1: {  	(tag) =	ssettag $0x0;
	lr =	simm.s32 $0x1  }
0x2: {  	[smem:$0x3F97] =	sst lr;
	_ =	strace $0xD0000000  }
0x3: {  	_ = 	snop  }
0x4: {  	_ = 	snop  }
0x5: {  	_ = 	snop  }
0x6: {  	_ = 	snop  }
0x7: {  	_ = 	snop  }
__scs_overlays_trampoline_lowered:
0x8: {  	[smem:$0x3FA6] =	sst s0  }
0x9: {  	[smem:$0x3FA7] =	sst s1  }
0xa: {  	[smem:$0x3FA8] =	sst s2  }
0xb: {  	[smem:$0x3FA9] =	sst s3  }
0xc: {  	[smem:$0x3FAA] =	sst s4  }
0xd: {  	[smem:$0x3FAB] =	sst s5  }
0xe: {  	[smem:$0x3FAC] =	sst s6  }
0xf: {  	[smem:$0x3FAD] =	sst s7  }
0x10: {  	[smem:$0x3FAE] =	sst s8  }
0x11: {  	[smem:$0x3FAF] =	sst s9;
	s0 =	simm.s32 @!p0 $0x0  }
0x12: {  	s1 =	sld [smem:$0x3F95];
	s0 =	simm.s32 @p0 $0x1  }
0x13: {  	[smem:$0x3FB0] =	sst s0;
	s0 =	simm.s32 @!p1 $0x0  }
0x14: {  	s2 =	sld [smem:$0x3F94];
	s0 =	simm.s32 @p1 $0x1  }
0x15: {  	[smem:$0x3FB1] =	sst s0;
	s0 =	simm.s32 @!p2 $0x0  }
0x16: {  	s3 =	sld [smem:$0x3FDB];
	s0 =	simm.s32 @p2 $0x1  }
0x17: {  	s4 =	simm.s32 $0x1BF5;
	[smem:$0x3FB3] =	sst s0  }
0x18: {  	s0 =	sld [smem:$0x3F96];
	_ =	swait.ge [sflag:s4], $0x0  }
0x19: {  	s7 =	sld [smem:$0x3F97]  }
0x1a: {  	s8 =	sadd.s32 $0xFFFFE003, lr  }
0x1b: {  	s9 =	sadd.s32 $0xFFFFFEF7, lr;
	s5 =	simm.s32 $0xFFFFFFFF;
	p2 =	slt.u32 s8, $0xFFFFF086  }
0x1c: {  	p1 =	slt.u32 s9, $0xF7A;
	s5 =	simm.s32 @!p2 $0x0  }
0x1d: {  	s5 =	simm.s32 @p1 $0x1;
	p0 =	seq.s32 s7, s2  }
0x1e: {  	s7 =	smul.u32 @!p0 $0xF7A, s2;
	p2 =	seq.s32 @!p0 s5, $0x0  }
0x1f: {  	s9 =	smul.u32 $0xF7A, s1;
	s8 =	simm.s32 @!p0 $0x1BF5;
	p2 =	por !p2, p0  }
0x20: {  	[sflag:s8] =	ssyncset.s32 @!p0 $0xFFFFF086;
	s6 =	sadd.s32 @!p0 s3, s7;
	s7 =	simm.s32 @!p0 $0x108  }
0x21: {  	s3 =	sadd.s32 s3, s9;
	s6 =	sadd.s32 @!p0 $0x88, s6;
	s7 =	simm.s32 @p2 $0x1082  }
0x22: {  	[simem:s7], [sflag:s8] =	dma.local @!p0 [hbm:s6], $0xF7A  }
0x23: {  	s9 =	sor.u32 $0xD0000000, s2;
	s6 =	simm.s32 $0x108;
	_ =	swait.ge @!p0 [sflag:s8], $0x0  }
0x24: {  	s3 =	sadd.s32 $0x88, s3;
	s6 =	simm.s32 @!p1 $0x1082;
	[sflag:s4] =	ssyncset.s32 $0xFFFFF086  }
0x25: {  	[simem:s6], [sflag:s4] =	dma.local [hbm:s3], $0xF7A  }
0x26: {  	[smem:$0x3F97] =	sst s1;
	(tag) =	ssettag s2;
	_ =	strace s9  }
0x27: {  	s1 =	sld [smem:$0x3FA7]  }
0x28: {  	s2 =	sld [smem:$0x3FA8]  }
0x29: {  	s4 =	sld [smem:$0x3FAA]  }
0x2a: {  	p0 =	seq.s32 s5, $0x0;
	s5 =	sld [smem:$0x3FAB]  }
0x2b: {  	s6 =	sld [smem:$0x3FAC]  }
0x2c: {  	s7 =	sld [smem:$0x3FAD]  }
0x2d: {  	s3 =	simm.s32 $0x108;
	s8 =	sld [smem:$0x3FAE]  }
0x2e: {  	s3 =	simm.s32 @!p0 $0x1082;
	s9 =	sld [smem:$0x3FAF]  }
0x2f: {  	lr =	sadd.s32 s0, s3;
	s0 =	sld [smem:$0x3FA6]  }
0x30: {  	s3 =	sld [smem:$0x3FA9]  }
0x31: {  	[smem:$0x3FB2] =	sst s10  }
0x32: {  	s10 =	sld [smem:$0x3FB0];
	_ =	sdelay $0x3  }
0x33: {  	p0 =	seq.s32 s10, $0x1;
	s10 =	sld [smem:$0x3FB2];
	_ =	sdelay $0x3  }
0x34: {  	[smem:$0x3FB2] =	sst s10  }
0x35: {  	s10 =	sld [smem:$0x3FB1];
	_ =	sdelay $0x3  }
0x36: {  	p1 =	seq.s32 s10, $0x1;
	s10 =	sld [smem:$0x3FB2];
	_ =	sdelay $0x3  }
0x37: {  	[smem:$0x3FB2] =	sst s10  }
0x38: {  	s10 =	sld [smem:$0x3FB3]  }
0x39: {  	_ = 	snop;
	(pc) =	sbr.ind lr, $3  }
0x3a: {  	_ = 	snop  }
0x3b: {  	_ = 	snop  }
0x3c: {  	p2 =	seq.s32 s10, $0x1;
	s10 =	sld [smem:$0x3FB2]  }
0x3d: {  	_ =	shalt  }
0x3e: {  	_ =	shalt  }
0x3f: {  	_ =	shalt  }
0x40: {  	_ =	shalt  }
0x41: {  	_ =	shalt  }
0x42: {  	_ =	shalt  }
0x43: {  	_ =	shalt  }
0x44: {  	_ =	shalt  }
0x45: {  	_ =	shalt  }
0x46: {  	_ =	shalt  }
0x47: {  	_ =	shalt  }
0x48: {  	_ =	shalt  }
0x49: {  	_ =	shalt  }
0x4a: {  	_ =	shalt  }
0x4b: {  	_ =	shalt  }
0x4c: {  	_ =	shalt  }
0x4d: {  	_ =	shalt  }
0x4e: {  	_ =	shalt  }
0x4f: {  	_ =	shalt  }
0x50: {  	_ =	shalt  }
0x51: {  	_ =	shalt  }
0x52: {  	_ =	shalt  }
0x53: {  	_ =	shalt  }
0x54: {  	_ =	shalt  }
0x55: {  	_ =	shalt  }
0x56: {  	_ =	shalt  }
0x57: {  	_ =	shalt  }
0x58: {  	_ =	shalt  }
0x59: {  	_ =	shalt  }
0x5a: {  	_ =	shalt  }
0x5b: {  	_ =	shalt  }
0x5c: {  	_ =	shalt  }
0x5d: {  	_ =	shalt  }
0x5e: {  	_ =	shalt  }
0x5f: {  	_ =	shalt  }
0x60: {  	_ =	shalt  }
0x61: {  	_ =	shalt  }
0x62: {  	_ =	shalt  }
0x63: {  	_ =	shalt  }
0x64: {  	_ =	shalt  }
0x65: {  	_ =	shalt  }
0x66: {  	_ =	shalt  }
0x67: {  	_ =	shalt  }
0x68: {  	_ =	shalt  }
0x69: {  	_ =	shalt  }
0x6a: {  	_ =	shalt  }
0x6b: {  	_ =	shalt  }
0x6c: {  	_ =	shalt  }
0x6d: {  	_ =	shalt  }
0x6e: {  	_ =	shalt  }
0x6f: {  	_ =	shalt  }
0x70: {  	_ =	shalt  }
0x71: {  	_ =	shalt  }
0x72: {  	_ =	shalt  }
0x73: {  	_ =	shalt  }
0x74: {  	_ =	shalt  }
0x75: {  	_ =	shalt  }
0x76: {  	_ =	shalt  }
0x77: {  	_ =	shalt  }
0x78: {  	_ =	shalt  }
0x79: {  	_ =	shalt  }
0x7a: {  	_ =	shalt  }
0x7b: {  	_ =	shalt  }
0x7c: {  	_ =	shalt  }
0x7d: {  	_ =	shalt  }
0x7e: {  	_ =	shalt  }
0x7f: {  	_ =	shalt  }
0x80: {  	_ =	shalt  }
0x81: {  	_ =	shalt  }
0x82: {  	_ =	shalt  }
0x83: {  	_ =	shalt  }
0x84: {  	_ =	shalt  }
0x85: {  	_ =	shalt  }
0x86: {  	_ =	shalt  }
0x87: {  	_ =	shalt  }
.Lfunc_end0:
.L_simem_size_0:
called_computation.2_lowered:
.L_overlay_start_0:
0x88: {  	s2 =	sld [smem:$0x3FD9]  }
0x89: {  	s3 =	sld [smem:$0x3FFE];
	_ =	sdelay $0x1  }
0x8a: {  	s1 =	srdreg.scid  }
0x8b: {  	s0 =	sand.u32 $0x1, s1  }
0x8c: {  	s16 =	sshll.u32 s0, $0xA;
	s2 =	sadd.s32 s3, s2  }
0x8d: {  	s2 =	sadd.s32 s2, s16  }
0x8e: {  	[smem:$0x3FBE] =	sst s2  }
0x8f: {  	_ = 	snop  }
0x90: {  	(tm) =	ssettm $0x1  }
0x91: {  	s17 =	sld [smem:$0x3FFB];
	_ =	sdelay $0x3  }
0x92: {  	_ =	strace s17  }
0x93: {  	s2 =	sld [smem:$0x3FFC];
	_ =	sdelay $0x3  }
0x94: {  	_ =	strace s2  }
0x95: {  	s2 =	sld [smem:$0x3FFD];
	_ =	sdelay $0x3  }
0x96: {  	_ =	strace s2  }
0x97: {  	_ =	strace $0x8FFFFFFF  }
0x98: {  	s18 =	sld [smem:$0x3FDB];
	_ =	sdelay $0x1  }
0x99: {  	s19 =	simm.s32 $_scs_section_size  }
0x9a: {  	s4 =	simm.s32 $_size__tile_overlayer_lowered;
	s5 =	simm.s32 $_tile_overlayer_lowered  }
0x9b: {  	s22 =	simm.s32 $0x1BFF;
	s21 =	sshll.u32 s5, $0x1;
	s2 =	sadd.s32 s19, s18  }
0x9c: {  	s6 =	simm.s32 $0x0;
	s20 =	sshll.u32 s4, $0x1;
	s4 =	sadd.s32 s21, s2  }
0x9d: {  	[timem:s6], [sflag:s22] =	dma.local [hbm:s4], s20  }
0x9e: {  	_ =	swait.ge [sflag:s22], s20  }
0x9f: {  	s3 =	ssub.s32 $0x0, s20;
	[sflag:s22] =	ssyncset.done $0x0  }
0xa0: {  	[sflag:s22] =	ssyncadd.s32 s3;
	_ =	sdelay $0x1  }
0xa1: {  	s23 =	simm.s32 $0x1B8B  }
0xa2: {  	_ =	swait.ge [sflag:s23], $0x1  }
0xa3: {  	[sflag:s23] =	ssyncset.done $0x0  }
0xa4: {  	s25 =	simm.s32 $0x1B8E;
	s24 =	sld [smem:$0x3FFE];
	[sflag:s23] =	ssyncadd.s32 $0xFFFFFFFF  }
0xa5: {  	s26 =	simm.s32 $execute0_lowered;
	[smem:$0x3FD2] =	sst s25  }
0xa6: {  	s4 =	sshll.u32 s26, $0x1;
	_ =	strace $0x8000004C;
	[dreg:$0x1] =	wrdreg $0xFFFFFFFF  }
0xa7: {  	s28 =	simm.s32 $_size_execute0_lowered;
	s2 =	sadd.s32 s2, s4;
	[dreg:$0x0] =	wrdreg $0x0  }
0xa8: {  	s4 =	sshll.u32 s28, $0x1;
	[dreg:$0x2] =	wrdreg s2  }
0xa9: {  	[dreg:$0x3] =	wrdreg s4  }
0xaa: {  	[dreg:$0x4] =	wrdreg $0xC0  }
0xab: {  	_ =	task [dreg:s6], $0x5FFFF  }
0xac: {  	[dreg:$0x1] =	wrdreg $0xFFFFFFFF  }
0xad: {  	[dreg:$0x0] =	wrdreg $0x60  }
0xae: {  	[dreg:$0x2] =	wrdreg s24  }
0xaf: {  	[dreg:$0x3] =	wrdreg $0x90000  }
0xb0: {  	[dreg:$0x4] =	wrdreg $0x9  }
0xb1: {  	_ =	task.clear_ibuf [dreg:s6], $0x5FFFF;
	_ =	strace $0x9000004C  }
0xb2: {  	s29 =	simm.s32 $0x9;
	_ =	strace $0x8000004E  }
0xb3: {  	_ =	swait.ge [sflag:s29], $0x1  }
0xb4: {  	[sflag:s29] =	ssyncadd.s32 $0xFFFFFFFF  }
0xb5: {  	_ =	strace $0x9000004E  }
0xb6: {  	_ =	sfence  }
0xb7: {  	s30 =	sld [smem:$0x0];
	_ =	sdelay $0x2  }
0xb8: {  	s31 =	sshll.u32 s1, $0xD;
	s1 =	sshrl.u32 s1, $0x2  }
0xb9: {  	s3 =	sand.u32 $0x4000, s31;
	s1 =	sadd.s32 s1, s30  }
0xba: {  	s0 =	sor.u32 s3, s0;
	s1 =	sshll.u32 s1, $0x11  }
0xbb: {  	s0 =	sor.u32 s1, s0  }
0xbc: {  	s0 =	sadd.s32 $0x8F2B, s0  }
0xbd: {  	[sflag:s0] =	ssyncadd.remote.s32 $0x1  }
0xbe: {  	_ =	sfence.sel $0xFFFF  }
0xbf: {  	[dreg:$0x0] =	wrdreg $0xFFFFFFFF;
	(pc) =	sbr.abs _section_cstart, $3  }
0xc0: {  	[dreg:$0x1] =	wrdreg $0xFFFFFFFF  }
0xc1: {  	_ =	task.clear_ibuf [dreg:s6], $0x2FFFF;
	_ =	strace $0x9FFFFFFF  }
0xc2: {  	(tm) =	ssettm $0x7FFFFFFF  }
0xc3: {  	_ =	shalt  }
tec
execute0_lowered:
.L_overlay_start_1:
0x0: {  	(tag) =	ssettag $0x1  }
0x1: {  	s0 =	rddreg [dreg:$0x0]  }
0x2: {  	s1 =	rddreg [dreg:$0x1];
	s2 =	srdreg.scid  }
0x3: {  	s4 =	simm.s32 $0x0;
	s3 =	stileid.u32;
	s15 =	simm.s32 $0xB  }
0x4: {  	s16 =	simm.s32 $0x28;
	s17 =	simm.s32 $0x4000;
	s28 =	simm.s32 $0x4  }
0x5: {  	s29 =	simm.s32 $0x9;
	s30 =	simm.s32 $0xA;
	s31 =	simm.s32 $0x5  }
0x6: {  	s2 =	sand.u32 $0x1, s2;
	[smem:$0x7FF] =	sst s4;
	s8 =	smul.u32 $0x13C00, s3  }
0x7: {  	s4 =	sadd.s32 $0x57200, s0;
	s5 =	sadd.s32 $0x37200, s0;
	s6 =	sadd.s32 $0x17200, s0  }
0x8: {  	s18 =	sadd.s32 $0x3400, s0;
	s9 =	smul.u32 $0x4F000, s3;
	s21 =	sshll.u32 s3, $0xC  }
0x9: {  	s23 =	sshll.u32 s3, $0x6;
	s7 =	smul.u32 $0x13C000, s2;
	_ =	strace $0x8000004D  }
0xa: {  	[dreg:$0x3] =	wrdreg s18;
	s19 =	ssub.s32 $0x2, s2;
	s2 =	sshll.u32 s2, $0x10  }
0xb: {  	s18 =	simm.s32 $0x8;
	s20 =	sshrl.u32 s19, $0x1;
	s22 =	sshrl.u32 s9, $0x2  }
0xc: {  	s9 =	sor.u32 $0x1C0B, s23;
	s23 =	simm.s32 $0x7C00;
	s7 =	sadd.s32 s8, s7  }
0xd: {  	s8 =	sor.u32 s21, s2;
	s2 =	sadd.s32 s22, s1;
	s21 =	simm.s32 $0x6800  }
0xe: {  	s7 =	sshrl.u32 s7, $0x3;
	s24 =	sadd.s32 s5, s8;
	s25 =	sadd.s32 s6, s8  }
0xf: {  	s0 =	sadd.s32 s7, s0;
	s7 =	ssub.s32 s19, s20;
	[dreg:$0x4] =	wrdreg s24  }
.Ltmp0:
0x10: {  	[dreg:$0x5] =	wrdreg s25;
	s19 =	simm.s32 $0x5400;
	(pc) =	sbr.rel .LBB2_1-.Ltmp0, $4  }
0x11: {  	s24 =	simm.s32 $0x1;
	s25 =	simm.s32 $0x2;
	s0 =	sadd.s32 $0x7E400, s0  }
0x12: {  	s20 =	simm.s32 $0x0;
	s26 =	smax.u32 s7, $0x1;
	[dreg:$0x6] =	wrdreg s0  }
0x13: {  	s7 =	sshrl.u32 s2, $0x3;
	s2 =	simm.s32 $0x7;
	[dreg:$0x7] =	wrdreg s26  }
0x14: {  	s26 =	simm.s32 $0x3;
	s0 =	simm.s32 $0x6;
	[dreg:$0x8] =	wrdreg s7  }
.LBB2_6:
0x15: {  	_ =	swait.ge [sflag:s31], $0x1400  }
0x16: {  	[sflag:s31] =	ssyncset.done $0x0  }
0x17: {  	[sflag:s31] =	ssyncadd.s32 $0xFFFFEC00  }
0x18: {  	_ =	swait.ge [sflag:s0], $0x1400  }
0x19: {  	[sflag:s0] =	ssyncset.done $0x0  }
0x1a: {  	[sflag:s0] =	ssyncadd.s32 $0xFFFFEC00  }
0x1b: {  	_ =	swait.ge [sflag:s2], $0x1400  }
0x1c: {  	[sflag:s2] =	ssyncset.done $0x0  }
0x1d: {  	[sflag:s2] =	ssyncadd.s32 $0xFFFFEC00  }
0x1e: {  	_ =	swait.ge [sflag:s18], $0x1400  }
0x1f: {  	[sflag:s18] =	ssyncset.done $0x0  }
0x20: {  	[sflag:s18] =	ssyncadd.s32 $0xFFFFEC00  }
0x21: {  	[bflag:$0x0] =	sbarrier.arrive $0xFFFF  }
0x22: {  	s3 =	rddreg [dreg:$0x6]  }
0x23: {  	s7 =	rddreg [dreg:$0x8]  }
0x24: {  	[hbm:s3], [sflag:s14] =	dma.local [spmem:s7], $0x2780  }
0x25: {  	_ =	swait.ge [sflag:s15], $0x2780  }
0x26: {  	s20 =	sadd.s32 $0x1, s20;
	s22 =	rddreg [dreg:$0x7]  }
0x27: {  	p0 =	sne.s32 s20, s22  }
.Ltmp1:
0x28: {  	_ = 	snop;
	(pc) =	sbr.rel @!p0 .LBB2_7-.Ltmp1, $3  }
0x29: {  	_ =	sdelay $0x1  }
0x2a: {  	[sflag:s15] =	ssyncset.done $0x0  }
0x2b: {  	s9 =	smov.u32 s14;
	[sflag:s15] =	ssyncadd.s32 $0xFFFFD880  }
.LBB2_1:
0x2c: {  	s3 =	rddreg [dreg:$0x3]  }
0x2d: {  	[spmem:s7], [sflag:s9] =	dma.local [hbm:s3], $0x2780  }
0x2e: {  	_ =	swait.ge [sflag:s15], $0x2780  }
0x2f: {  	[sflag:s15] =	ssyncset.done $0x0  }
0x30: {  	[sflag:s15] =	ssyncadd.s32 $0xFFFFD880  }
0x31: {  	[bflag:$0x0] =	sbarrier.arrive $0xFFFF  }
0x32: {  	s14 =	smov.u32 s9;
	s13 =	simm.s32 $0x0;
	s9 =	rddreg [dreg:$0x4]  }
0x33: {  	[tilespmem:s13], [sflag:$0xB] =	stream.linear.gather [hbm4b:s9+s13], $0x1000, $0x38;
	[tilespmem:$0x1CC00] =	vst v63  }
0x34: {  	_ =	swait.ge [sflag:s15], $0x1000  }
0x35: {  	[sflag:s15] =	ssyncset.done $0x0  }
0x36: {  	s22 =	simm.s32 $0x2000;
	s10 =	rddreg [dreg:$0x5];
	[sflag:s15] =	ssyncadd.s32 $0xFFFFF000  }
0x37: {  	[tilespmem:s22], [sflag:$0xB] =	stream.linear.gather [hbm4b:s10+s13], $0x1000, $0x38;
	[tilespmem:$0x1CC00] =	vst v63  }
0x38: {  	_ =	swait.ge [sflag:s15], $0x1000  }
0x39: {  	[sflag:s15] =	ssyncset.done $0x0  }
0x3a: {  	[sflag:s15] =	ssyncadd.s32 $0xFFFFF000  }
0x3b: {  	[tilespmem:s17], [sflag:$0x1] =	stream.indirect.gather [hbm4b:s4+s16], $0x80, s13, s16, $0xb8;
	[tilespmem:$0x1CC00] =	vst v63  }
0x3c: {  	s11 =	simm.s32 $0x80  }
0x3d: {  	[tilespmem:s19], [sflag:$0x2] =	stream.indirect.gather [hbm4b:s4+s16], $0x80, s11, s16, $0xb8;
	[tilespmem:$0x1CC00] =	vst v63  }
.Ltmp2:
0x3e: {  	_ = 	snop;
	(pc) =	sbr.rel .LBB2_2-.Ltmp2, $4  }
0x3f: {  	s12 =	simm.s32 $0x100  }
0x40: {  	[tilespmem:s21], [sflag:$0x3] =	stream.indirect.gather [hbm4b:s4+s16], $0x80, s12, s16, $0xb8;
	[tilespmem:$0x1CC00] =	vst v63  }
0x41: {  	s7 =	simm.s32 $0x0;
	s10 =	simm.s32 $0x0;
	s13 =	simm.s32 $0x180  }
0x42: {  	[tilespmem:s23], [sflag:$0x4] =	stream.indirect.gather [hbm4b:s4+s16], $0x80, s13, s16, $0xb8;
	[tilespmem:$0x1CC00] =	vst v63  }
.LBB2_3:
0x43: {  	_ =	swait.ge [sflag:s29], $0x1000  }
0x44: {  	[sflag:s29] =	ssyncset.done $0x0  }
0x45: {  	[sflag:s29] =	ssyncadd.s32 $0xFFFFF000  }
0x46: {  	_ =	swait.ge [sflag:s30], $0x1000  }
0x47: {  	[sflag:s30] =	ssyncset.done $0x0  }
0x48: {  	[sflag:s30] =	ssyncadd.s32 $0xFFFFF000  }
.LBB2_5:
0x49: {  	_ =	swait.ge [sflag:s31], $0x1400  }
0x4a: {  	s3 =	sadd.s32 $0x200, s10;
	[sflag:s31] =	ssyncset.done $0x0  }
0x4b: {  	s9 =	sand.u32 $0xFFFF1E00, s3;
	[sflag:s31] =	ssyncadd.s32 $0xFFFFEC00  }
0x4c: {  	[tilespmem:s17], [sflag:$0x1] =	stream.indirect.gather [hbm4b:s4+s16], $0x80, s9, s16, $0xb8;
	[tilespmem:$0x1CC00] =	vst v63  }
0x4d: {  	_ =	swait.ge [sflag:s0], $0x1400  }
0x4e: {  	s11 =	sadd.s32 $0x280, s10;
	[sflag:s0] =	ssyncset.done $0x0  }
0x4f: {  	s9 =	sand.u32 $0xFFFF1E80, s11;
	[sflag:s0] =	ssyncadd.s32 $0xFFFFEC00  }
0x50: {  	[tilespmem:s19], [sflag:$0x2] =	stream.indirect.gather [hbm4b:s4+s16], $0x80, s9, s16, $0xb8;
	[tilespmem:$0x1CC00] =	vst v63  }
0x51: {  	_ =	swait.ge [sflag:s2], $0x1400  }
0x52: {  	s12 =	sadd.s32 $0x300, s10;
	[sflag:s2] =	ssyncset.done $0x0  }
0x53: {  	p0 =	sne.s32 s3, $0x8000;
	s9 =	sand.u32 $0xFFFF1F00, s12;
	[sflag:s2] =	ssyncadd.s32 $0xFFFFEC00  }
0x54: {  	[tilespmem:s21], [sflag:$0x3] =	stream.indirect.gather [hbm4b:s4+s16], $0x80, s9, s16, $0xb8;
	[tilespmem:$0x1CC00] =	vst v63  }
.Ltmp3:
0x55: {  	_ = 	snop;
	(pc) =	sbr.rel @!p0 .LBB2_6-.Ltmp3, $4  }
0x56: {  	s13 =	sadd.s32 $0x380, s10;
	_ =	swait.ge [sflag:s18], $0x1400  }
0x57: {  	s7 =	sadd.s32 $0x1, s7;
	s22 =	sadd.s32 $0x200, s22;
	[sflag:s18] =	ssyncset.done $0x0  }
0x58: {  	s10 =	smov.u32 s3;
	s9 =	sand.u32 $0xFFFF1F80, s13;
	[sflag:s18] =	ssyncadd.s32 $0xFFFFEC00  }
0x59: {  	[tilespmem:s23], [sflag:$0x4] =	stream.indirect.gather [hbm4b:s4+s16], $0x80, s9, s16, $0xb8;
	[tilespmem:$0x1CC00] =	vst v63  }
.LBB2_2:
0x5a: {  	s11 =	sand.u32 $0x7, s7;
	p0 =	sgt.u32 s7, $0x37  }
0x5b: {  	p1 =	sne.s32 @!p0 s11, $0x0  }
0x5c: {  	p1 =	por p1, p0  }
0x5d: {  	s12 =	sshrl.u32 @!p1 s7, $0x3  }
0x5e: {  	s12 =	sadd.s32 @!p1 $0x1, s12  }
0x5f: {  	s13 =	sshll.u32 @!p1 s12, $0x9  }
0x60: {  	s12 =	sshll.u32 @!p1 s12, $0xC;
	s13 =	sadd.s32 @!p1 s8, s13  }
0x61: {  	s9 =	simm.s32 @!p1 $0x0;
	s12 =	sand.u32 @!p1 $0x1000, s12;
	s3 =	sadd.s32 @!p1 s5, s13  }
0x62: {  	[tilespmem:s12], [sflag:$0x9] =	stream.linear.gather @!p1 [hbm4b:s3+s9], $0x1000, $0x38;
	[tilespmem:$0x1CC00] =	vst v63  }
0x63: {  	s13 =	sadd.s32 @!p1 s6, s13;
	s3 =	sshll.u32 s10, $0x2;
	s12 =	sor.u32 @!p1 $0x2000, s12  }
0x64: {  	[tilespmem:s12], [sflag:$0xA] =	stream.linear.gather @!p1 [hbm4b:s13+s9], $0x1000, $0x38;
	[tilespmem:$0x1CC00] =	vst v63  }
0x65: {  	s12 =	sand.u32 $0x4000, s3;
	_ =	swait.ge [sflag:s24], $0x1400  }
0x66: {  	s3 =	sand.u32 $0xFFFFC000, s3;
	s13 =	sand.u32 $0x7FFF9E00, s10;
	[sflag:s24] =	ssyncset.done $0x0  }
0x67: {  	s3 =	ssub.s32 s12, s3;
	s13 =	sor.u32 $0x2000, s13;
	[sflag:s24] =	ssyncadd.s32 $0xFFFFEC00  }
0x68: {  	[spmem:s1] =	stream.indirect.scatter.add.f32 [tilespmem:s17], [sflag:$0x5], $0x80, s13, s16, $0xb8;
	[tilespmem:$0x1CC00] =	vst v63  }
0x69: {  	s3 =	sshra.s32 s3, $0x2;
	_ =	swait.ge [sflag:s25], $0x1400  }
0x6a: {  	s3 =	sadd.s32 s3, s22;
	[sflag:s25] =	ssyncset.done $0x0  }
0x6b: {  	s12 =	sadd.s32 $0x80, s3;
	[sflag:s25] =	ssyncadd.s32 $0xFFFFEC00  }
0x6c: {  	[spmem:s1] =	stream.indirect.scatter.add.f32 [tilespmem:s19], [sflag:$0x6], $0x80, s12, s16, $0xb8;
	[tilespmem:$0x1CC00] =	vst v63  }
0x6d: {  	_ =	swait.ge [sflag:s26], $0x1400  }
0x6e: {  	p1 =	sne.s32 @!p0 s11, $0x7;
	[sflag:s26] =	ssyncset.done $0x0  }
0x6f: {  	p0 =	por p0, p1;
	s13 =	sadd.s32 $0x100, s3;
	[sflag:s26] =	ssyncadd.s32 $0xFFFFEC00  }
0x70: {  	[spmem:s1] =	stream.indirect.scatter.add.f32 [tilespmem:s21], [sflag:$0x7], $0x80, s13, s16, $0xb8;
	[tilespmem:$0x1CC00] =	vst v63  }
.Ltmp4:
0x71: {  	_ = 	snop;
	(pc) =	sbr.rel @!p0 .LBB2_3-.Ltmp4, $4  }
0x72: {  	_ =	swait.ge [sflag:s28], $0x1400  }
0x73: {  	[sflag:s28] =	ssyncset.done $0x0  }
0x74: {  	s3 =	sadd.s32 $0x180, s3;
	[sflag:s28] =	ssyncadd.s32 $0xFFFFEC00  }
0x75: {  	[spmem:s1] =	stream.indirect.scatter.add.f32 [tilespmem:s23], [sflag:$0x8], $0x80, s3, s16, $0xb8;
	[tilespmem:$0x1CC00] =	vst v63  }
0x76: {  	p0 =	seq.s32 s10, $0x7E00  }
.Ltmp5:
0x77: {  	_ = 	snop;
	(pc) =	sbr.rel @!p0 .LBB2_5-.Ltmp5, $4  }
.Ltmp6:
0x78: {  	_ = 	snop;
	(pc) =	sbr.rel @p0 .LBB2_6-.Ltmp6, $4  }
0x79: {  	_ = 	snop  }
0x7a: {  	_ = 	snop  }
0x7b: {  	_ = 	snop  }
0x7c: {  	_ = 	snop  }
.LBB2_7:
0x7d: {  	_ =	sfence.sel $0x180000  }
0x7e: {  	[bflag:$0x0] =	sbarrier.arrive $0xFFFF  }
0x7f: {  	_ =	strace $0x9000004D  }
0x80: {  	s0 =	stileid.u32;
	[bflag:$0x2] =	sbarrier.arrive $0xFFFF  }
0x81: {  	p0 =	sne.s32 s0, $0x0;
	s0 =	rddreg [dreg:$0x2]  }
0x82: {  	s0 =	sadd.s32 @!p0 $0x100000, s0  }
0x83: {  	[sflag:s0] =	ssyncadd.tile.s32 @!p0 $0x1;
	_ =	shalt  }
.Lfunc_end2:
_tile_overlayer_lowered:
.L_overlay_start_2:
0x84: {  	(tag) =	ssettag $0x2  }
0x85: {  	s0 =	rddreg [dreg:$0x0];
	s2 =	stileid.u32  }
0x86: {  	s1 =	rddreg [dreg:$0x1];
	p0 =	sne.s32 s2, $0x0  }
0x87: {  	s3 =	rddreg [dreg:$0x2];
	[bflag:$0x3] =	sbarrier.arrive $0xFFFF;
	s2 =	simm.s32 @!p0 $0x1C0B  }
0x88: {  	[timem:s3], [sflag:s2] =	dma.local @!p0 [hbm:s0], s1  }
0x89: {  	s0 =	simm.s32 @!p0 $0xB  }
0x8a: {  	_ =	swait.ge @!p0 [sflag:s0], s1  }
0x8b: {  	s1 =	ssub.s32 @!p0 $0x0, s1;
	[sflag:s0] =	ssyncset.done @!p0 $0x0  }
0x8c: {  	[sflag:s0] =	ssyncadd.s32 @!p0 s1  }
0x8d: {  	[bflag:$0x3] =	sbarrier.arrive $0xFFFF  }
0x8e: {  	_ =	shalt  }

// kernel: kernel.8.cloned.1.call-start
scs
__scs_entry_jumppad:
0x0: {  	(pc) =	sbr.rel $0x88, $3  }
0x1: {  	(tag) =	ssettag $0x0;
	lr =	simm.s32 $0x1  }
0x2: {  	[smem:$0x3F97] =	sst lr;
	_ =	strace $0xD0000000  }
0x3: {  	_ = 	snop  }
0x4: {  	_ = 	snop  }
0x5: {  	_ = 	snop  }
0x6: {  	_ = 	snop  }
0x7: {  	_ = 	snop  }
__scs_overlays_trampoline_lowered:
0x8: {  	[smem:$0x3FA6] =	sst s0  }
0x9: {  	[smem:$0x3FA7] =	sst s1  }
0xa: {  	[smem:$0x3FA8] =	sst s2  }
0xb: {  	[smem:$0x3FA9] =	sst s3  }
0xc: {  	[smem:$0x3FAA] =	sst s4  }
0xd: {  	[smem:$0x3FAB] =	sst s5  }
0xe: {  	[smem:$0x3FAC] =	sst s6  }
0xf: {  	[smem:$0x3FAD] =	sst s7  }
0x10: {  	[smem:$0x3FAE] =	sst s8  }
0x11: {  	[smem:$0x3FAF] =	sst s9;
	s0 =	simm.s32 @!p0 $0x0  }
0x12: {  	s1 =	sld [smem:$0x3F95];
	s0 =	simm.s32 @p0 $0x1  }
0x13: {  	[smem:$0x3FB0] =	sst s0;
	s0 =	simm.s32 @!p1 $0x0  }
0x14: {  	s2 =	sld [smem:$0x3F94];
	s0 =	simm.s32 @p1 $0x1  }
0x15: {  	[smem:$0x3FB1] =	sst s0;
	s0 =	simm.s32 @!p2 $0x0  }
0x16: {  	s3 =	sld [smem:$0x3FDB];
	s0 =	simm.s32 @p2 $0x1  }
0x17: {  	s4 =	simm.s32 $0x1BF5;
	[smem:$0x3FB3] =	sst s0  }
0x18: {  	s0 =	sld [smem:$0x3F96];
	_ =	swait.ge [sflag:s4], $0x0  }
0x19: {  	s7 =	sld [smem:$0x3F97]  }
0x1a: {  	s8 =	sadd.s32 $0xFFFFE003, lr  }
0x1b: {  	s9 =	sadd.s32 $0xFFFFFEF7, lr;
	s5 =	simm.s32 $0xFFFFFFFF;
	p2 =	slt.u32 s8, $0xFFFFF086  }
0x1c: {  	p1 =	slt.u32 s9, $0xF7A;
	s5 =	simm.s32 @!p2 $0x0  }
0x1d: {  	s5 =	simm.s32 @p1 $0x1;
	p0 =	seq.s32 s7, s2  }
0x1e: {  	s7 =	smul.u32 @!p0 $0xF7A, s2;
	p2 =	seq.s32 @!p0 s5, $0x0  }
0x1f: {  	s9 =	smul.u32 $0xF7A, s1;
	s8 =	simm.s32 @!p0 $0x1BF5;
	p2 =	por !p2, p0  }
0x20: {  	[sflag:s8] =	ssyncset.s32 @!p0 $0xFFFFF086;
	s6 =	sadd.s32 @!p0 s3, s7;
	s7 =	simm.s32 @!p0 $0x108  }
0x21: {  	s3 =	sadd.s32 s3, s9;
	s6 =	sadd.s32 @!p0 $0x88, s6;
	s7 =	simm.s32 @p2 $0x1082  }
0x22: {  	[simem:s7], [sflag:s8] =	dma.local @!p0 [hbm:s6], $0xF7A  }
0x23: {  	s9 =	sor.u32 $0xD0000000, s2;
	s6 =	simm.s32 $0x108;
	_ =	swait.ge @!p0 [sflag:s8], $0x0  }
0x24: {  	s3 =	sadd.s32 $0x88, s3;
	s6 =	simm.s32 @!p1 $0x1082;
	[sflag:s4] =	ssyncset.s32 $0xFFFFF086  }
0x25: {  	[simem:s6], [sflag:s4] =	dma.local [hbm:s3], $0xF7A  }
0x26: {  	[smem:$0x3F97] =	sst s1;
	(tag) =	ssettag s2;
	_ =	strace s9  }
0x27: {  	s1 =	sld [smem:$0x3FA7]  }
0x28: {  	s2 =	sld [smem:$0x3FA8]  }
0x29: {  	s4 =	sld [smem:$0x3FAA]  }
0x2a: {  	p0 =	seq.s32 s5, $0x0;
	s5 =	sld [smem:$0x3FAB]  }
0x2b: {  	s6 =	sld [smem:$0x3FAC]  }
0x2c: {  	s7 =	sld [smem:$0x3FAD]  }
0x2d: {  	s3 =	simm.s32 $0x108;
	s8 =	sld [smem:$0x3FAE]  }
0x2e: {  	s3 =	simm.s32 @!p0 $0x1082;
	s9 =	sld [smem:$0x3FAF]  }
0x2f: {  	lr =	sadd.s32 s0, s3;
	s0 =	sld [smem:$0x3FA6]  }
0x30: {  	s3 =	sld [smem:$0x3FA9]  }
0x31: {  	[smem:$0x3FB2] =	sst s10  }
0x32: {  	s10 =	sld [smem:$0x3FB0];
	_ =	sdelay $0x3  }
0x33: {  	p0 =	seq.s32 s10, $0x1;
	s10 =	sld [smem:$0x3FB2];
	_ =	sdelay $0x3  }
0x34: {  	[smem:$0x3FB2] =	sst s10  }
0x35: {  	s10 =	sld [smem:$0x3FB1];
	_ =	sdelay $0x3  }
0x36: {  	p1 =	seq.s32 s10, $0x1;
	s10 =	sld [smem:$0x3FB2];
	_ =	sdelay $0x3  }
0x37: {  	[smem:$0x3FB2] =	sst s10  }
0x38: {  	s10 =	sld [smem:$0x3FB3]  }
0x39: {  	_ = 	snop;
	(pc) =	sbr.ind lr, $3  }
0x3a: {  	_ = 	snop  }
0x3b: {  	_ = 	snop  }
0x3c: {  	p2 =	seq.s32 s10, $0x1;
	s10 =	sld [smem:$0x3FB2]  }
0x3d: {  	_ =	shalt  }
0x3e: {  	_ =	shalt  }
0x3f: {  	_ =	shalt  }
0x40: {  	_ =	shalt  }
0x41: {  	_ =	shalt  }
0x42: {  	_ =	shalt  }
0x43: {  	_ =	shalt  }
0x44: {  	_ =	shalt  }
0x45: {  	_ =	shalt  }
0x46: {  	_ =	shalt  }
0x47: {  	_ =	shalt  }
0x48: {  	_ =	shalt  }
0x49: {  	_ =	shalt  }
0x4a: {  	_ =	shalt  }
0x4b: {  	_ =	shalt  }
0x4c: {  	_ =	shalt  }
0x4d: {  	_ =	shalt  }
0x4e: {  	_ =	shalt  }
0x4f: {  	_ =	shalt  }
0x50: {  	_ =	shalt  }
0x51: {  	_ =	shalt  }
0x52: {  	_ =	shalt  }
0x53: {  	_ =	shalt  }
0x54: {  	_ =	shalt  }
0x55: {  	_ =	shalt  }
0x56: {  	_ =	shalt  }
0x57: {  	_ =	shalt  }
0x58: {  	_ =	shalt  }
0x59: {  	_ =	shalt  }
0x5a: {  	_ =	shalt  }
0x5b: {  	_ =	shalt  }
0x5c: {  	_ =	shalt  }
0x5d: {  	_ =	shalt  }
0x5e: {  	_ =	shalt  }
0x5f: {  	_ =	shalt  }
0x60: {  	_ =	shalt  }
0x61: {  	_ =	shalt  }
0x62: {  	_ =	shalt  }
0x63: {  	_ =	shalt  }
0x64: {  	_ =	shalt  }
0x65: {  	_ =	shalt  }
0x66: {  	_ =	shalt  }
0x67: {  	_ =	shalt  }
0x68: {  	_ =	shalt  }
0x69: {  	_ =	shalt  }
0x6a: {  	_ =	shalt  }
0x6b: {  	_ =	shalt  }
0x6c: {  	_ =	shalt  }
0x6d: {  	_ =	shalt  }
0x6e: {  	_ =	shalt  }
0x6f: {  	_ =	shalt  }
0x70: {  	_ =	shalt  }
0x71: {  	_ =	shalt  }
0x72: {  	_ =	shalt  }
0x73: {  	_ =	shalt  }
0x74: {  	_ =	shalt  }
0x75: {  	_ =	shalt  }
0x76: {  	_ =	shalt  }
0x77: {  	_ =	shalt  }
0x78: {  	_ =	shalt  }
0x79: {  	_ =	shalt  }
0x7a: {  	_ =	shalt  }
0x7b: {  	_ =	shalt  }
0x7c: {  	_ =	shalt  }
0x7d: {  	_ =	shalt  }
0x7e: {  	_ =	shalt  }
0x7f: {  	_ =	shalt  }
0x80: {  	_ =	shalt  }
0x81: {  	_ =	shalt  }
0x82: {  	_ =	shalt  }
0x83: {  	_ =	shalt  }
0x84: {  	_ =	shalt  }
0x85: {  	_ =	shalt  }
0x86: {  	_ =	shalt  }
0x87: {  	_ =	shalt  }
.Lfunc_end0:
.L_simem_size_0:
called_computation_lowered:
.L_overlay_start_0:
0x88: {  	s2 =	sld [smem:$0x3FD9]  }
0x89: {  	s3 =	sld [smem:$0x3FFE];
	_ =	sdelay $0x1  }
0x8a: {  	s1 =	srdreg.scid  }
0x8b: {  	s0 =	sand.u32 $0x1, s1  }
0x8c: {  	s16 =	sshll.u32 s0, $0xA;
	s2 =	sadd.s32 s3, s2  }
0x8d: {  	s2 =	sadd.s32 s2, s16  }
0x8e: {  	[smem:$0x3FBE] =	sst s2  }
0x8f: {  	_ = 	snop  }
0x90: {  	(tm) =	ssettm $0x1  }
0x91: {  	s17 =	sld [smem:$0x3FFB];
	_ =	sdelay $0x3  }
0x92: {  	_ =	strace s17  }
0x93: {  	s2 =	sld [smem:$0x3FFC];
	_ =	sdelay $0x3  }
0x94: {  	_ =	strace s2  }
0x95: {  	s2 =	sld [smem:$0x3FFD];
	_ =	sdelay $0x3  }
0x96: {  	_ =	strace s2  }
0x97: {  	_ =	strace $0x8FFFFFFF  }
0x98: {  	s18 =	sld [smem:$0x3FDB];
	_ =	sdelay $0x1  }
0x99: {  	s19 =	simm.s32 $_scs_section_size  }
0x9a: {  	s4 =	simm.s32 $_size__tile_overlayer_lowered;
	s5 =	simm.s32 $_tile_overlayer_lowered  }
0x9b: {  	s22 =	simm.s32 $0x1BFF;
	s21 =	sshll.u32 s5, $0x1;
	s2 =	sadd.s32 s19, s18  }
0x9c: {  	s6 =	simm.s32 $0x0;
	s20 =	sshll.u32 s4, $0x1;
	s4 =	sadd.s32 s21, s2  }
0x9d: {  	[timem:s6], [sflag:s22] =	dma.local [hbm:s4], s20  }
0x9e: {  	_ =	swait.ge [sflag:s22], s20  }
0x9f: {  	s3 =	ssub.s32 $0x0, s20;
	[sflag:s22] =	ssyncset.done $0x0  }
0xa0: {  	[sflag:s22] =	ssyncadd.s32 s3;
	_ =	sdelay $0x1  }
0xa1: {  	s23 =	simm.s32 $0x1B8B  }
0xa2: {  	_ =	swait.ge [sflag:s23], $0x1  }
0xa3: {  	[sflag:s23] =	ssyncset.done $0x0  }
0xa4: {  	s25 =	simm.s32 $0x1B8E;
	s24 =	sld [smem:$0x3FFE];
	[sflag:s23] =	ssyncadd.s32 $0xFFFFFFFF  }
0xa5: {  	s26 =	simm.s32 $execute0_lowered;
	[smem:$0x3FD2] =	sst s25  }
0xa6: {  	s4 =	sshll.u32 s26, $0x1;
	_ =	strace $0x80000046;
	[dreg:$0x1] =	wrdreg $0xFFFFFFFF  }
0xa7: {  	s28 =	simm.s32 $_size_execute0_lowered;
	s2 =	sadd.s32 s2, s4;
	[dreg:$0x0] =	wrdreg $0x0  }
0xa8: {  	s4 =	sshll.u32 s28, $0x1;
	[dreg:$0x2] =	wrdreg s2  }
0xa9: {  	[dreg:$0x3] =	wrdreg s4  }
0xaa: {  	[dreg:$0x4] =	wrdreg $0xC0  }
0xab: {  	_ =	task [dreg:s6], $0x5FFFF  }
0xac: {  	[dreg:$0x1] =	wrdreg $0xFFFFFFFF  }
0xad: {  	[dreg:$0x0] =	wrdreg $0x60  }
0xae: {  	[dreg:$0x2] =	wrdreg s24  }
0xaf: {  	[dreg:$0x3] =	wrdreg $0x9  }
0xb0: {  	_ =	task.clear_ibuf [dreg:s6], $0x4FFFF;
	_ =	strace $0x90000046  }
0xb1: {  	s29 =	simm.s32 $0x9;
	_ =	strace $0x80000048  }
0xb2: {  	_ =	swait.ge [sflag:s29], $0x1  }
0xb3: {  	[sflag:s29] =	ssyncadd.s32 $0xFFFFFFFF  }
0xb4: {  	_ =	strace $0x90000048  }
0xb5: {  	_ =	sfence  }
0xb6: {  	s30 =	sld [smem:$0x0];
	_ =	sdelay $0x2  }
0xb7: {  	s31 =	sshll.u32 s1, $0xD;
	s1 =	sshrl.u32 s1, $0x2  }
0xb8: {  	s3 =	sand.u32 $0x4000, s31;
	s1 =	sadd.s32 s1, s30  }
0xb9: {  	s0 =	sor.u32 s3, s0;
	s1 =	sshll.u32 s1, $0x11  }
0xba: {  	s0 =	sor.u32 s1, s0  }
0xbb: {  	s0 =	sadd.s32 $0x8F2B, s0  }
0xbc: {  	[sflag:s0] =	ssyncadd.remote.s32 $0x1  }
0xbd: {  	_ =	sfence.sel $0xFFFF  }
0xbe: {  	[dreg:$0x0] =	wrdreg $0xFFFFFFFF;
	(pc) =	sbr.abs _section_cstart, $3  }
0xbf: {  	[dreg:$0x1] =	wrdreg $0xFFFFFFFF  }
0xc0: {  	_ =	task.clear_ibuf [dreg:s6], $0x2FFFF;
	_ =	strace $0x9FFFFFFF  }
0xc1: {  	(tm) =	ssettm $0x7FFFFFFF  }
tec
execute0_lowered:
.L_overlay_start_1:
0x0: {  	(tag) =	ssettag $0x1  }
0x1: {  	s1 =	srdreg.scid  }
0x2: {  	s0 =	stileid.u32;
	s3 =	rddreg [dreg:$0x0];
	s10 =	simm.s32 $0x1  }
0x3: {  	s11 =	simm.s32 $0x800;
	s12 =	simm.s32 $0x80;
	s13 =	simm.s32 $0x400  }
0x4: {  	s4 =	sand.u32 $0x1, s1;
	s2 =	sshll.u32 s0, $0x1;
	s1 =	rddreg [dreg:$0x1]  }
0x5: {  	s6 =	sshrl.u32 s0, $0x2;
	s5 =	sor.u32 s4, s2;
	s2 =	simm.s32 $0x0  }
0x6: {  	s6 =	smul.u32 $0x13C00, s6;
	s4 =	ssub.s32 $0x2, s4;
	s7 =	sshll.u32 s5, $0x7  }
0x7: {  	[smem:$0x7FF] =	sst s2;
	s5 =	smul.u32 $0x2800, s5;
	s7 =	sand.u32 $0x380, s7  }
0x8: {  	s31 =	sshrl.u32 s4, $0x1;
	_ =	strace $0x80000047;
	s6 =	sor.u32 s6, s7  }
0x9: {  	s4 =	ssub.s32 s4, s31;
	s5 =	sshrl.u32 s5, $0x3;
	s6 =	sshrl.u32 s6, $0x3  }
0xa: {  	s4 =	smax.u32 s4, $0x1;
	s9 =	sadd.s32 s5, s3;
	s6 =	sadd.s32 s6, s3  }
0xb: {  	s5 =	sadd.s32 $0x3400, s9;
	s7 =	sadd.s32 $0x3600, s9;
	s8 =	sadd.s32 $0x3700, s9  }
0xc: {  	v0 =	vimm.f32 $0.0e+00;
	v1 =	vimm.f32 $1.000000000e+00;
	s3 =	sadd.s32 $0xD400, s6;
	s6 =	sadd.s32 $0x3500, s9;
	s9 =	sadd.s32 $0x3800, s9  }
.LBB2_1:
0xd: {  	s14 =	simm.s32 $0x40;
	s15 =	simm.s32 $0x0  }
.LBB2_2:
0xe: {  	p0 =	sne.s32 s14, $0x9DC0;
	[tilespmem:s15+$0x800] =	vst v0;
	s15 =	smov.u32 s14;
	s14 =	sadd.s32 $0x40, s14  }
.Ltmp0:
0xf: {  	(pc) =	sbr.rel @p0 .LBB2_2-.Ltmp0, $2  }
0x10: {  	_ =	sdelay $0x2  }
0x11: {  	s15 =	sshra.s32 s15, $0x2  }
0x12: {  	[tilespmem:s15+$0x800] =	vst v0;
	s14 =	simm.s32 $0x0  }
0x13: {  	[tilespmem:s14], [sflag:$0x1] =	stream.linear.gather [hbm4b:s5+s14], $0x800, $0x38;
	[tilespmem:$0x2F80] =	vst v63  }
0x14: {  	_ =	swait.ge [sflag:s10], $0x800  }
0x15: {  	[sflag:s10] =	ssyncset.done $0x0  }
0x16: {  	s15 =	simm.s32 $0x0;
	s14 =	simm.s32 $0x40;
	[sflag:s10] =	ssyncadd.s32 $0xFFFFF800  }
.LBB2_4:
0x17: {  	p0 =	sne.s32 s14, $0x1FC0;
	v2 =	vld [tilespmem:s15+$0x0];
	_ =	sdelay $0x3  }
.Ltmp1:
0x18: {  	(pc) =	sbr.rel @p0 .LBB2_4-.Ltmp1, $2  }
0x19: {  	_ =	sdelay $0x2  }
0x1a: {  	s15 =	sshra.s32 s14, $0x2;
	s14 =	sadd.s32 $0x40, s14;
	[tilespmem:v2+s11+$0x0] =	vst.idx.add.f32.msk $0xffff, v1  }
0x1b: {  	v2 =	vld [tilespmem:s15+$0x0];
	_ =	sdelay $0x7  }
0x1c: {  	s14 =	simm.s32 $0x0;
	[tilespmem:v2+s11+$0x0] =	vst.idx.add.f32.msk $0xffff, v1  }
0x1d: {  	[tilespmem:s14], [sflag:$0x1] =	stream.linear.gather [hbm4b:s6+s14], $0x800, $0x38;
	[tilespmem:$0x2F80] =	vst v63  }
0x1e: {  	_ =	swait.ge [sflag:s10], $0x800  }
0x1f: {  	[sflag:s10] =	ssyncset.done $0x0  }
0x20: {  	s15 =	simm.s32 $0x0;
	s14 =	simm.s32 $0x40;
	[sflag:s10] =	ssyncadd.s32 $0xFFFFF800  }
.LBB2_6:
0x21: {  	p0 =	sne.s32 s14, $0x1FC0;
	v2 =	vld [tilespmem:s15+$0x0];
	_ =	sdelay $0x3  }
.Ltmp2:
0x22: {  	(pc) =	sbr.rel @p0 .LBB2_6-.Ltmp2, $2  }
0x23: {  	_ =	sdelay $0x2  }
0x24: {  	s15 =	sshra.s32 s14, $0x2;
	s14 =	sadd.s32 $0x40, s14;
	[tilespmem:v2+s11+$0x0] =	vst.idx.add.f32.msk $0xffff, v1  }
0x25: {  	v2 =	vld [tilespmem:s15+$0x0];
	_ =	sdelay $0x7  }
0x26: {  	s14 =	simm.s32 $0x0;
	[tilespmem:v2+s11+$0x0] =	vst.idx.add.f32.msk $0xffff, v1  }
0x27: {  	[tilespmem:s14], [sflag:$0x1] =	stream.linear.gather [hbm4b:s7+s14], $0x800, $0x38;
	[tilespmem:$0x2F80] =	vst v63  }
0x28: {  	_ =	swait.ge [sflag:s10], $0x800  }
0x29: {  	[sflag:s10] =	ssyncset.done $0x0  }
0x2a: {  	s15 =	simm.s32 $0x0;
	s14 =	simm.s32 $0x40;
	[sflag:s10] =	ssyncadd.s32 $0xFFFFF800  }
.LBB2_8:
0x2b: {  	p0 =	sne.s32 s14, $0x1FC0;
	v2 =	vld [tilespmem:s15+$0x0];
	_ =	sdelay $0x3  }
.Ltmp3:
0x2c: {  	(pc) =	sbr.rel @p0 .LBB2_8-.Ltmp3, $2  }
0x2d: {  	_ =	sdelay $0x2  }
0x2e: {  	s15 =	sshra.s32 s14, $0x2;
	s14 =	sadd.s32 $0x40, s14;
	[tilespmem:v2+s11+$0x0] =	vst.idx.add.f32.msk $0xffff, v1  }
0x2f: {  	v2 =	vld [tilespmem:s15+$0x0];
	_ =	sdelay $0x7  }
0x30: {  	s14 =	simm.s32 $0x0;
	[tilespmem:v2+s11+$0x0] =	vst.idx.add.f32.msk $0xffff, v1  }
0x31: {  	[tilespmem:s14], [sflag:$0x1] =	stream.linear.gather [hbm4b:s8+s14], $0x800, $0x38;
	[tilespmem:$0x2F80] =	vst v63  }
0x32: {  	_ =	swait.ge [sflag:s10], $0x800  }
0x33: {  	[sflag:s10] =	ssyncset.done $0x0  }
0x34: {  	s15 =	simm.s32 $0x0;
	s14 =	simm.s32 $0x40;
	[sflag:s10] =	ssyncadd.s32 $0xFFFFF800  }
.LBB2_10:
0x35: {  	p0 =	sne.s32 s14, $0x1FC0;
	v2 =	vld [tilespmem:s15+$0x0];
	_ =	sdelay $0x3  }
.Ltmp4:
0x36: {  	(pc) =	sbr.rel @p0 .LBB2_10-.Ltmp4, $2  }
0x37: {  	_ =	sdelay $0x2  }
0x38: {  	s15 =	sshra.s32 s14, $0x2;
	s14 =	sadd.s32 $0x40, s14;
	[tilespmem:v2+s11+$0x0] =	vst.idx.add.f32.msk $0xffff, v1  }
0x39: {  	v2 =	vld [tilespmem:s15+$0x0];
	_ =	sdelay $0x7  }
0x3a: {  	s14 =	simm.s32 $0x0;
	[tilespmem:v2+s11+$0x0] =	vst.idx.add.f32.msk $0xffff, v1  }
0x3b: {  	[tilespmem:s14], [sflag:$0x1] =	stream.linear.gather [hbm4b:s9+s14], $0x800, $0x38;
	[tilespmem:$0x2F80] =	vst v63  }
0x3c: {  	_ =	swait.ge [sflag:s10], $0x800  }
0x3d: {  	[sflag:s10] =	ssyncset.done $0x0  }
0x3e: {  	s15 =	simm.s32 $0x0;
	s14 =	simm.s32 $0x40;
	[sflag:s10] =	ssyncadd.s32 $0xFFFFF800  }
.LBB2_12:
0x3f: {  	p0 =	sne.s32 s14, $0x1FC0;
	v2 =	vld [tilespmem:s15+$0x0];
	_ =	sdelay $0x3  }
.Ltmp5:
0x40: {  	(pc) =	sbr.rel @p0 .LBB2_12-.Ltmp5, $2  }
0x41: {  	_ =	sdelay $0x2  }
0x42: {  	s15 =	sshra.s32 s14, $0x2;
	s14 =	sadd.s32 $0x40, s14;
	[tilespmem:v2+s11+$0x0] =	vst.idx.add.f32.msk $0xffff, v1  }
0x43: {  	v2 =	vld [tilespmem:s15+$0x0];
	_ =	sdelay $0x5  }
0x44: {  	s2 =	sadd.s32 $0x1, s2  }
0x45: {  	p0 =	sne.s32 s2, s4  }
.Ltmp6:
0x46: {  	[tilespmem:v2+s11+$0x0] =	vst.idx.add.f32.msk $0xffff, v1;
	(pc) =	sbr.rel @p0 .LBB2_1-.Ltmp6, $4  }
0x47: {  	[hbm4b:s3+s12] =	stream.strided.scatter [tilespmem:s11], [sflag:$0x1], $0x2780, s13, s12, $0x38;
	[tilespmem:$0x2F80] =	vst v63  }
0x48: {  	_ =	swait.ge [sflag:s10], $0x2780  }
0x49: {  	[sflag:s10] =	ssyncset.done $0x0  }
0x4a: {  	[sflag:s10] =	ssyncadd.s32 $0xFFFFD880  }
0x4b: {  	_ =	sfence.sel $0x180000  }
0x4c: {  	[bflag:$0x0] =	sbarrier.arrive $0xFFFF  }
0x4d: {  	p0 =	sne.s32 s0, $0x0;
	_ =	strace $0x90000047  }
0x4e: {  	s0 =	sadd.s32 @!p0 $0x100000, s1;
	[bflag:$0x2] =	sbarrier.arrive $0xFFFF  }
0x4f: {  	[sflag:s0] =	ssyncadd.tile.s32 @!p0 $0x1;
	_ =	shalt  }
.Lfunc_end2:
_tile_overlayer_lowered:
.L_overlay_start_2:
0x50: {  	(tag) =	ssettag $0x2  }
0x51: {  	s0 =	rddreg [dreg:$0x0];
	s2 =	stileid.u32  }
0x52: {  	s1 =	rddreg [dreg:$0x1];
	p0 =	sne.s32 s2, $0x0  }
0x53: {  	s3 =	rddreg [dreg:$0x2];
	[bflag:$0x3] =	sbarrier.arrive $0xFFFF;
	s2 =	simm.s32 @!p0 $0x1C01  }
0x54: {  	[timem:s3], [sflag:s2] =	dma.local @!p0 [hbm:s0], s1  }
0x55: {  	s0 =	simm.s32 @!p0 $0x1  }
0x56: {  	_ =	swait.ge @!p0 [sflag:s0], s1  }
0x57: {  	s1 =	ssub.s32 @!p0 $0x0, s1;
	[sflag:s0] =	ssyncset.done @!p0 $0x0  }
0x58: {  	[sflag:s0] =	ssyncadd.s32 @!p0 s1  }
0x59: {  	[bflag:$0x3] =	sbarrier.arrive $0xFFFF  }
0x5a: {  	_ =	shalt  }

</sc_bundles>
